<compile_context>
chip_gen: v7x
topology: tpu7x:2x2x1
jax: 0.10.2.dev20260603
libtpu: 0.0.44.dev20260713+nightly
codegen_flags: <defaults>
</compile_context>

<pallas_src>
import functools

import jax
import jax.numpy as jnp
from jax import lax
from jax.experimental import pallas as pl
from jax.experimental.pallas import tpu as pltpu
from jax.experimental.pallas import tpu_sc as plsc

N = 10000
E = 320000
D_IN = 128
D_EDGE = 16
H = 128
D_OUT = 128
U_DIM = 64
G = 16

NC, NS = 2, 16
NW = NC * NS
EPW = 10240
EPAD = NW * EPW
GPW = EPW // 128
NCHUNK = 2
EPAD2 = EPAD // NCHUNK
EPW2 = EPW // NCHUNK
GPW2 = GPW // NCHUNK
SS = 128
NSP2 = EPW2 // SS // 2
NACC = 10240
TRASH = N
RPT = NACC // NS

_sc_mesh = plsc.VectorSubcoreMesh(core_axis_name="c", subcore_axis_name="s",
                                  num_cores=NC, num_subcores=NS)


@functools.partial(
    pl.kernel, mesh=_sc_mesh,
    out_type=jax.ShapeDtypeStruct((EPAD2, D_IN), jnp.float32),
    scratch_types=[
        pltpu.VMEM((GPW2, 128), jnp.int32),
        pltpu.VMEM((128, D_IN), jnp.float32),
        pltpu.VMEM((128, D_IN), jnp.float32),
        pltpu.SemaphoreType.DMA,
        pltpu.SemaphoreType.DMA,
        pltpu.VMEM_SHARED((NACC, D_IN), jnp.float32),
    ],
)
def _sc_gather(x_hbm, col_hbm, out_hbm, idx_v, buf0, buf1, sem0, sem1, xs_sh):
    s = lax.axis_index("s")
    wid = s * NC + lax.axis_index("c")

    @pl.when(s < NS - 1)
    def _():
        pltpu.sync_copy(x_hbm.at[pl.ds(s * RPT, RPT)], xs_sh.at[pl.ds(s * RPT, RPT)])

    @pl.when(s == NS - 1)
    def _():
        pltpu.sync_copy(x_hbm.at[pl.ds((NS - 1) * RPT, N - (NS - 1) * RPT)],
                        xs_sh.at[pl.ds((NS - 1) * RPT, N - (NS - 1) * RPT)])

    pltpu.sync_copy(col_hbm.at[pl.ds(wid * GPW2, GPW2)], idx_v)
    plsc.subcore_barrier()

    def fire(c, buf, sem):
        pltpu.async_copy(xs_sh.at[idx_v.at[c]], buf, sem)

    def drain(buf, sem):
        pltpu.make_async_copy(xs_sh.at[idx_v.at[0]], buf, sem).wait()

    def store(c, buf):
        pltpu.sync_copy(buf, out_hbm.at[pl.ds(wid * EPW2 + c * 128, 128)])

    fire(0, buf0, sem0)

    def pair(i, carry):
        fire(2 * i + 1, buf1, sem1)
        drain(buf0, sem0)
        store(2 * i, buf0)

        @pl.when(i < GPW2 // 2 - 1)
        def _():
            fire(2 * i + 2, buf0, sem0)

        drain(buf1, sem1)
        store(2 * i + 1, buf1)
        return carry

    lax.fori_loop(0, GPW2 // 2, pair, 0)


@functools.partial(
    pl.kernel, mesh=_sc_mesh,
    out_type=(
        jax.ShapeDtypeStruct((NC, NACC, H), jnp.float32),
        jax.ShapeDtypeStruct((NC, NACC), jnp.float32),
    ),
    scratch_types=[
        pltpu.VMEM((GPW2, 128), jnp.int32),
        pltpu.VMEM((SS, H), jnp.float32),
        pltpu.VMEM((SS, H), jnp.float32),
        pltpu.VMEM((128,), jnp.float32),
        pltpu.SemaphoreType.DMA,
        pltpu.SemaphoreType.DMA,
        pltpu.VMEM_SHARED((NACC, H), jnp.float32),
        pltpu.VMEM_SHARED((NACC,), jnp.float32),
    ],
)
def _sc_scatter(msg_hbm, row_hbm, zrows_hbm, zcnt_hbm, ones_hbm,
                sums_hbm, cnt_hbm, idx_v, buf0, buf1, ones_v, sem0, sem1,
                acc_sh, cacc_sh):
    c = lax.axis_index("c")
    s = lax.axis_index("s")
    wid = s * NC + c
    pltpu.sync_copy(zrows_hbm.at[pl.ds(s * RPT, RPT)], acc_sh.at[pl.ds(s * RPT, RPT)])
    pltpu.sync_copy(zcnt_hbm.at[pl.ds(s * RPT, RPT)], cacc_sh.at[pl.ds(s * RPT, RPT)])
    pltpu.sync_copy(ones_hbm, ones_v)
    pltpu.sync_copy(row_hbm.at[pl.ds(wid * GPW2, GPW2)], idx_v)
    plsc.subcore_barrier()

    base = wid * EPW2

    def fire(ch, buf, sem):
        pltpu.async_copy(msg_hbm.at[pl.ds(base + ch * SS, SS)], buf, sem)

    def drain(buf, sem):
        pltpu.make_async_copy(msg_hbm.at[pl.ds(0, SS)], buf, sem).wait()

    def scat(ch, buf):
        pltpu.sync_copy(buf, acc_sh.at[idx_v.at[ch]], add=True)
        pltpu.sync_copy(ones_v, cacc_sh.at[idx_v.at[ch]], add=True)

    fire(0, buf0, sem0)

    def pair(i, carry):
        fire(2 * i + 1, buf1, sem1)
        drain(buf0, sem0)
        scat(2 * i, buf0)

        @pl.when(i < NSP2 - 1)
        def _():
            fire(2 * i + 2, buf0, sem0)

        drain(buf1, sem1)
        scat(2 * i + 1, buf1)
        return carry

    lax.fori_loop(0, NSP2, pair, 0)
    plsc.subcore_barrier()
    pltpu.sync_copy(acc_sh.at[pl.ds(s * RPT, RPT)], sums_hbm.at[c, pl.ds(s * RPT, RPT)])
    pltpu.sync_copy(cacc_sh.at[pl.ds(s * RPT, RPT)], cnt_hbm.at[c, pl.ds(s * RPT, RPT)])


BE = 2560


def _edge_mlp_body(g_ref, ea_ref, w1a_ref, b1a_ref, w1b_ref, b1b_ref, out_ref):
    g = g_ref[...]
    ea_t = ea_ref[...]
    h = jnp.dot(g, w1a_ref[0:D_IN, :], preferred_element_type=jnp.float32)
    h += jax.lax.dot_general(
        ea_t, w1a_ref[D_IN:D_IN + D_EDGE, :], (((0,), (0,)), ((), ())),
        preferred_element_type=jnp.float32)
    h = jax.nn.relu(h + b1a_ref[...])
    h = jnp.dot(h, w1b_ref[...], preferred_element_type=jnp.float32) + b1b_ref[...]
    out_ref[...] = jax.nn.relu(h)


def _edge_mlp(gathered, ea, off, nblk, W1a, b1a, W1b, b1b):
    grid = (nblk,)
    return pl.pallas_call(
        _edge_mlp_body,
        grid=grid,
        in_specs=[
            pl.BlockSpec((BE, D_IN), lambda i: (i, 0)),
            pl.BlockSpec((D_EDGE, BE), lambda i: (0, i + off)),
            pl.BlockSpec((D_IN + D_EDGE, H), lambda i: (0, 0)),
            pl.BlockSpec((1, H), lambda i: (0, 0)),
            pl.BlockSpec((H, H), lambda i: (0, 0)),
            pl.BlockSpec((1, H), lambda i: (0, 0)),
        ],
        out_specs=pl.BlockSpec((BE, H), lambda i: (i, 0)),
        out_shape=jax.ShapeDtypeStruct((gathered.shape[0], H), jnp.float32),
        compiler_params=pltpu.CompilerParams(
            dimension_semantics=("arbitrary",)),
    )(gathered, ea, W1a, b1a, W1b, b1b)



BN = 2000


def _node_mlp_body(x_ref, sums1_ref, sums2_ref, cnt1_ref, cnt2_ref, batch_ref,
                   u_ref, w2a_ref, b2a_ref, w2b_ref, b2b_ref, out_ref):
    x = x_ref[...]
    sums = (sums1_ref[0] + sums1_ref[1]) + (sums2_ref[0] + sums2_ref[1])
    cnt = (cnt1_ref[0] + cnt1_ref[1]) + (cnt2_ref[0] + cnt2_ref[1])
    mean = sums / jnp.maximum(cnt, 1.0)
    b = batch_ref[...]
    iota_g = lax.broadcasted_iota(jnp.int32, (1, G), 1)
    onehot = (b == iota_g).astype(jnp.float32)
    ug = jnp.dot(onehot, u_ref[...], preferred_element_type=jnp.float32)
    h = jnp.dot(x, w2a_ref[0:D_IN, :], preferred_element_type=jnp.float32)
    h += jnp.dot(mean, w2a_ref[D_IN:D_IN + H, :], preferred_element_type=jnp.float32)
    h += jnp.dot(ug, w2a_ref[D_IN + H:D_IN + H + U_DIM, :],
                 preferred_element_type=jnp.float32)
    h = jax.nn.relu(h + b2a_ref[...])
    out_ref[...] = jnp.dot(h, w2b_ref[...], preferred_element_type=jnp.float32) \
        + b2b_ref[...]


def _node_mlp(x, sums1, sums2, cnt1, cnt2, batch2d, u, W2a, b2a, W2b, b2b):
    grid = (N // BN,)
    return pl.pallas_call(
        _node_mlp_body,
        grid=grid,
        in_specs=[
            pl.BlockSpec((BN, D_IN), lambda i: (i, 0)),
            pl.BlockSpec((NC, BN, H), lambda i: (0, i, 0)),
            pl.BlockSpec((NC, BN, H), lambda i: (0, i, 0)),
            pl.BlockSpec((NC, BN, 1), lambda i: (0, i, 0)),
            pl.BlockSpec((NC, BN, 1), lambda i: (0, i, 0)),
            pl.BlockSpec((BN, 1), lambda i: (i, 0)),
            pl.BlockSpec((G, U_DIM), lambda i: (0, 0)),
            pl.BlockSpec((D_IN + H + U_DIM, H), lambda i: (0, 0)),
            pl.BlockSpec((1, H), lambda i: (0, 0)),
            pl.BlockSpec((H, D_OUT), lambda i: (0, 0)),
            pl.BlockSpec((1, D_OUT), lambda i: (0, 0)),
        ],
        out_specs=pl.BlockSpec((BN, D_OUT), lambda i: (i, 0)),
        out_shape=jax.ShapeDtypeStruct((N, D_OUT), jnp.float32),
        compiler_params=pltpu.CompilerParams(
            dimension_semantics=("arbitrary",)),
    )(x, sums1, sums2, cnt1, cnt2, batch2d, u, W2a, b2a, W2b, b2b)


def kernel(x, edge_index, edge_attr, u, batch, W1a, b1a, W1b, b1b,
           W2a, b2a, W2b, b2b):
    row = edge_index[0]
    col = edge_index[1]
    pad = EPAD - E
    col_p = jnp.concatenate([col, jnp.zeros((pad,), jnp.int32)]).reshape(EPAD // 128, 128)
    row_p = jnp.concatenate([row, jnp.full((pad,), TRASH, jnp.int32)]).reshape(EPAD // 128, 128)

    b1a2, b1b2 = b1a.reshape(1, H), b1b.reshape(1, H)
    ea_t = edge_attr.T
    g1 = _sc_gather(x, col_p[:EPAD2 // 128])
    g2 = _sc_gather(x, col_p[EPAD2 // 128:])
    msg1 = _edge_mlp(g1, ea_t, 0, EPAD2 // BE, W1a, b1a2, W1b, b1b2)
    msg2 = _edge_mlp(g2, ea_t, EPAD2 // BE, (E - EPAD2) // BE,
                     W1a, b1a2, W1b, b1b2)

    zrows = jnp.zeros((NACC, H), jnp.float32)
    zcnt = jnp.zeros((NACC,), jnp.float32)
    ones = jnp.ones((128,), jnp.float32)
    sums2, cnt2 = _sc_scatter(msg2, row_p[EPAD2 // 128:], zrows, zcnt, ones)
    sums1, cnt1 = _sc_scatter(msg1, row_p[:EPAD2 // 128], zrows, zcnt, ones)

    out = _node_mlp(x, sums1, sums2, cnt1.reshape(NC, NACC, 1),
                    cnt2.reshape(NC, NACC, 1), batch.reshape(N, 1), u,
                    W2a, b2a.reshape(1, H), W2b, b2b.reshape(1, D_OUT))
    return out

# --- scband reference (transcript-rebuilt; emitter-appended) ---
"""Pipeline reference for scband-node-model-73959336837503 (READ-ONLY COPY).

The authoritative reference and input builder live on the scoring server;
editing this copy changes nothing except your own understanding.
"""

import jax, jax.numpy as jnp
import numpy as np

N = 10000
E = 320000
D_IN = 128
D_EDGE = 16
H = 128
D_OUT = 128
U_DIM = 64
G = 16


def setup_inputs(seed: int = 0) -> dict:
    key = jax.random.key(seed)
    ks = jax.random.split(key, 16)
    x = jax.random.normal(ks[0], (N, D_IN), dtype=jnp.float32)
    edge_index = jax.random.randint(ks[1], (2, E), 0, N, dtype=jnp.int32)
    edge_attr = jax.random.normal(ks[2], (E, D_EDGE), dtype=jnp.float32)
    u = jax.random.normal(ks[3], (G, U_DIM), dtype=jnp.float32)
    batch = jnp.sort(jax.random.randint(ks[4], (N,), 0, G, dtype=jnp.int32))
    # node_mlp_1: Linear(D_IN+D_EDGE -> H), ReLU, Linear(H -> H), ReLU
    W1a = jax.random.normal(ks[5], (D_IN + D_EDGE, H), dtype=jnp.float32) * 0.05
    b1a = jnp.zeros((H,), dtype=jnp.float32)
    W1b = jax.random.normal(ks[6], (H, H), dtype=jnp.float32) * 0.05
    b1b = jnp.zeros((H,), dtype=jnp.float32)
    # node_mlp_2: Linear(D_IN+H+U -> H), ReLU, Linear(H -> D_OUT)
    W2a = jax.random.normal(ks[7], (D_IN + H + U_DIM, H), dtype=jnp.float32) * 0.05
    b2a = jnp.zeros((H,), dtype=jnp.float32)
    W2b = jax.random.normal(ks[8], (H, D_OUT), dtype=jnp.float32) * 0.05
    b2b = jnp.zeros((D_OUT,), dtype=jnp.float32)
    return {"x": x, "edge_index": edge_index, "edge_attr": edge_attr, "u": u, "batch": batch,
            "W1a": W1a, "b1a": b1a, "W1b": W1b, "b1b": b1b,
            "W2a": W2a, "b2a": b2a, "W2b": W2b, "b2b": b2b}


def reference(x, edge_index, edge_attr, u, batch, W1a, b1a, W1b, b1b, W2a, b2a, W2b, b2b):
    row = edge_index[0]
    col = edge_index[1]
    # gather source-node features and concat edge features
    out = jnp.concatenate([jnp.take(x, col, axis=0), edge_attr], axis=1)
    # node_mlp_1
    out = jax.nn.relu(out @ W1a + b1a)
    out = jax.nn.relu(out @ W1b + b1b)
    # scatter_mean over destination nodes (dim_size = N)
    sums = jnp.zeros((x.shape[0], out.shape[1]), dtype=out.dtype).at[row].add(out)
    cnt = jnp.zeros((x.shape[0],), dtype=out.dtype).at[row].add(1.0)
    mean = sums / jnp.maximum(cnt, 1.0)[:, None]
    # concat node feats, aggregated messages, and per-graph globals gathered by batch
    h = jnp.concatenate([x, mean, jnp.take(u, batch, axis=0)], axis=1)
    # node_mlp_2
    h = jax.nn.relu(h @ W2a + b2a)
    return h @ W2b + b2b

if __name__ == "__main__":
    import jax
    _d = setup_inputs()
    print(jax.jit(kernel)(*tuple(_d.values())))

</pallas_src>

<mosaic_0001>
#map = affine_map<(d0, d1) -> (0, 0)>
module attributes {stable_mosaic.version = 14 : i64} {
  func.func @_sc_gather(%arg0: i32, %arg1: i32, %arg2: memref<10000x128xf32, #tpu.memory_space<hbm>>, %arg3: memref<1280x128xi32, #tpu.memory_space<hbm>>, %arg4: memref<163840x128xf32, #tpu.memory_space<hbm>>, %arg5: memref<40x128xi32, #tpu.memory_space<vmem>>, %arg6: memref<128x128xf32, #tpu.memory_space<vmem>>, %arg7: memref<128x128xf32, #tpu.memory_space<vmem>>, %arg8: memref<!tpu.dma_semaphore, #tpu.memory_space<semaphore_mem>>, %arg9: memref<!tpu.dma_semaphore, #tpu.memory_space<semaphore_mem>>, %arg10: memref<10240x128xf32, #tpu.memory_space<vmem_shared>>) attributes {dimension_semantics = [#tpu.dimension_semantics<core_parallel>, #tpu.dimension_semantics<subcore_parallel>], iteration_bounds = array<i64: 2, 16>, scalar_prefetch = 0 : i64, scratch_operands = 6 : i64, tpu.core_type = #tpu.core_type<sc_vector_subcore>, window_params = [{transform_indices = #map}, {transform_indices = #map}, {transform_indices = #map}]} {
    %mul3A = arith.constant 2 : i32
    %mul3A_0 = arith.muli %arg1, %mul3A : i32
    %add3A = arith.addi %mul3A_0, %arg0 : i32
    %lt3A = arith.constant 15 : i32
    %lt3A_1 = arith.cmpi slt, %arg1, %lt3A : i32
    %convert_element_type3A = arith.extui %lt3A_1 : i1 to i32
    %cond3A = arith.constant 0 : i32
    %cond3A_2 = arith.cmpi ne, %convert_element_type3A, %cond3A : i32
    scf.if %cond3A_2 {
      %mul3A_20 = arith.constant 640 : i32
      %mul3A_21 = arith.muli %arg1, %mul3A_20 : i32
      %mul3A_22 = arith.constant 640 : i32
      %mul3A_23 = arith.muli %arg1, %mul3A_22 : i32
      "tpu.region"() ({
        %run_scoped3A = tpu.sem_alloc : memref<!tpu.dma_semaphore, #tpu.memory_space<semaphore_mem>>
        %dma_start3A_24 = arith.constant 0 : i32
        %dma_start3A_25 = tpu.memref_slice %arg10[%mul3A_23, %dma_start3A_24] : memref<10240x128xf32, #tpu.memory_space<vmem_shared>> -> memref<640x128xf32, #tpu.memory_space<vmem_shared>>
        %dma_start3A_26 = arith.constant 0 : i32
        %dma_start3A_27 = tpu.memref_slice %arg2[%mul3A_21, %dma_start3A_26] : memref<10000x128xf32, #tpu.memory_space<hbm>> -> memref<640x128xf32, #tpu.memory_space<hbm>>
        tpu.enqueue_dma source(%dma_start3A_27 : memref<640x128xf32, #tpu.memory_space<hbm>>) target(%dma_start3A_25 : memref<640x128xf32, #tpu.memory_space<vmem_shared>>) target_semaphore(%run_scoped3A : memref<!tpu.dma_semaphore, #tpu.memory_space<semaphore_mem>>)
        %dma_wait3A = arith.constant 0 : i32
        %dma_wait3A_28 = tpu.memref_slice %arg10[%mul3A_23, %dma_wait3A] : memref<10240x128xf32, #tpu.memory_space<vmem_shared>> -> memref<640x128xf32, #tpu.memory_space<vmem_shared>>
        %dma_wait3A_29 = arith.constant 0 : i32
        %dma_wait3A_30 = tpu.memref_slice %arg2[%mul3A_21, %dma_wait3A_29] : memref<10000x128xf32, #tpu.memory_space<hbm>> -> memref<640x128xf32, #tpu.memory_space<hbm>>
        tpu.wait_dma2 semaphore(%run_scoped3A : memref<!tpu.dma_semaphore, #tpu.memory_space<semaphore_mem>>) src(%dma_wait3A_30 : memref<640x128xf32, #tpu.memory_space<hbm>>) dst(%dma_wait3A_28 : memref<640x128xf32, #tpu.memory_space<vmem_shared>>)
        tpu.yield
      }) : () -> ()
    } else {
    }
    %eq3A = arith.constant 15 : i32
    %eq3A_3 = arith.cmpi eq, %arg1, %eq3A : i32
    %convert_element_type3A_4 = arith.extui %eq3A_3 : i1 to i32
    %cond3A_5 = arith.constant 0 : i32
    %cond3A_6 = arith.cmpi ne, %convert_element_type3A_4, %cond3A_5 : i32
    scf.if %cond3A_6 {
      "tpu.region"() ({
        %run_scoped3A = tpu.sem_alloc : memref<!tpu.dma_semaphore, #tpu.memory_space<semaphore_mem>>
        %dma_start3A_20 = arith.constant 9600 : i32
        %dma_start3A_21 = arith.constant 0 : i32
        %dma_start3A_22 = tpu.memref_slice %arg10[%dma_start3A_20, %dma_start3A_21] : memref<10240x128xf32, #tpu.memory_space<vmem_shared>> -> memref<400x128xf32, #tpu.memory_space<vmem_shared>>
        %dma_start3A_23 = arith.constant 9600 : i32
        %dma_start3A_24 = arith.constant 0 : i32
        %dma_start3A_25 = tpu.memref_slice %arg2[%dma_start3A_23, %dma_start3A_24] : memref<10000x128xf32, #tpu.memory_space<hbm>> -> memref<400x128xf32, #tpu.memory_space<hbm>>
        tpu.enqueue_dma source(%dma_start3A_25 : memref<400x128xf32, #tpu.memory_space<hbm>>) target(%dma_start3A_22 : memref<400x128xf32, #tpu.memory_space<vmem_shared>>) target_semaphore(%run_scoped3A : memref<!tpu.dma_semaphore, #tpu.memory_space<semaphore_mem>>)
        %dma_wait3A = arith.constant 9600 : i32
        %dma_wait3A_26 = arith.constant 0 : i32
        %dma_wait3A_27 = tpu.memref_slice %arg10[%dma_wait3A, %dma_wait3A_26] : memref<10240x128xf32, #tpu.memory_space<vmem_shared>> -> memref<400x128xf32, #tpu.memory_space<vmem_shared>>
        %dma_wait3A_28 = arith.constant 9600 : i32
        %dma_wait3A_29 = arith.constant 0 : i32
        %dma_wait3A_30 = tpu.memref_slice %arg2[%dma_wait3A_28, %dma_wait3A_29] : memref<10000x128xf32, #tpu.memory_space<hbm>> -> memref<400x128xf32, #tpu.memory_space<hbm>>
        tpu.wait_dma2 semaphore(%run_scoped3A : memref<!tpu.dma_semaphore, #tpu.memory_space<semaphore_mem>>) src(%dma_wait3A_30 : memref<400x128xf32, #tpu.memory_space<hbm>>) dst(%dma_wait3A_27 : memref<400x128xf32, #tpu.memory_space<vmem_shared>>)
        tpu.yield
      }) : () -> ()
    } else {
    }
    %mul3A_7 = arith.constant 40 : i32
    %mul3A_8 = arith.muli %add3A, %mul3A_7 : i32
    "tpu.region"() ({
      %run_scoped3A = tpu.sem_alloc : memref<!tpu.dma_semaphore, #tpu.memory_space<semaphore_mem>>
      %dma_start3A_20 = arith.constant 0 : i32
      %dma_start3A_21 = tpu.memref_slice %arg3[%mul3A_8, %dma_start3A_20] : memref<1280x128xi32, #tpu.memory_space<hbm>> -> memref<40x128xi32, #tpu.memory_space<hbm>>
      %dma_start3A_22 = arith.constant 0 : i32
      %dma_start3A_23 = tpu.memref_slice %arg3[%mul3A_8, %dma_start3A_22] : memref<1280x128xi32, #tpu.memory_space<hbm>> -> memref<40x128xi32, #tpu.memory_space<hbm>>
      tpu.enqueue_dma source(%dma_start3A_23 : memref<40x128xi32, #tpu.memory_space<hbm>>) target(%arg5 : memref<40x128xi32, #tpu.memory_space<vmem>>) target_semaphore(%run_scoped3A : memref<!tpu.dma_semaphore, #tpu.memory_space<semaphore_mem>>)
      %dma_wait3A = arith.constant 0 : i32
      %dma_wait3A_24 = tpu.memref_slice %arg3[%mul3A_8, %dma_wait3A] : memref<1280x128xi32, #tpu.memory_space<hbm>> -> memref<40x128xi32, #tpu.memory_space<hbm>>
      %dma_wait3A_25 = arith.constant 0 : i32
      %dma_wait3A_26 = tpu.memref_slice %arg3[%mul3A_8, %dma_wait3A_25] : memref<1280x128xi32, #tpu.memory_space<hbm>> -> memref<40x128xi32, #tpu.memory_space<hbm>>
      tpu.wait_dma2 semaphore(%run_scoped3A : memref<!tpu.dma_semaphore, #tpu.memory_space<semaphore_mem>>) src(%dma_wait3A_26 : memref<40x128xi32, #tpu.memory_space<hbm>>) dst(%arg5 : memref<40x128xi32, #tpu.memory_space<vmem>>)
      tpu.yield
    }) : () -> ()
    %barrier3A = arith.constant 0 : index
    tpu.barrier barrier_id(%barrier3A)
    %dma_start3A = arith.constant 0 : i32
    %dma_start3A_9 = arith.constant 0 : i32
    %dma_start3A_10 = tpu.memref_slice %arg5[%dma_start3A, %dma_start3A_9] : memref<40x128xi32, #tpu.memory_space<vmem>> -> memref<1x128xi32, #tpu.memory_space<vmem>>
    %dma_start3A_11 = tpu.memref_squeeze %dma_start3A_10 : memref<1x128xi32, #tpu.memory_space<vmem>> -> memref<128xi32, #tpu.memory_space<vmem>>
    %dma_start3A_12 = arith.constant 0 : i32
    %dma_start3A_13 = arith.constant 0 : i32
    %dma_start3A_14 = tpu.memref_slice %arg10[%dma_start3A_12, %dma_start3A_13] : memref<10240x128xf32, #tpu.memory_space<vmem_shared>> -> memref<10240x128xf32, #tpu.memory_space<vmem_shared>>
    tpu.enqueue_indirect_dma source(%dma_start3A_14 : memref<10240x128xf32, #tpu.memory_space<vmem_shared>>) target(%arg6 : memref<128x128xf32, #tpu.memory_space<vmem>>) offsets(%dma_start3A_11 : memref<128xi32, #tpu.memory_space<vmem>>) semaphore(%arg8 : memref<!tpu.dma_semaphore, #tpu.memory_space<semaphore_mem>>)
    %scan3A = arith.constant 0 : i32
    %scan3A_15 = arith.constant 0 : i32
    %scan3A_16 = arith.constant 20 : i32
    %scan3A_17 = arith.addi %scan3A_15, %scan3A_16 : i32
    %scan3A_18 = arith.constant 1 : i32
    scf.for %scan3A_20 = %scan3A_15 to %scan3A_17 step %scan3A_18  : i32 {
      %mul3A_21 = arith.constant 2 : i32
      %mul3A_22 = arith.muli %mul3A_21, %scan3A_20 : i32
      %add3A_23 = arith.constant 1 : i32
      %add3A_24 = arith.addi %mul3A_22, %add3A_23 : i32
      %dma_start3A_25 = arith.constant 0 : i32
      %dma_start3A_26 = tpu.memref_slice %arg5[%add3A_24, %dma_start3A_25] : memref<40x128xi32, #tpu.memory_space<vmem>> -> memref<1x128xi32, #tpu.memory_space<vmem>>
      %dma_start3A_27 = tpu.memref_squeeze %dma_start3A_26 : memref<1x128xi32, #tpu.memory_space<vmem>> -> memref<128xi32, #tpu.memory_space<vmem>>
      %dma_start3A_28 = arith.constant 0 : i32
      %dma_start3A_29 = arith.constant 0 : i32
      %dma_start3A_30 = tpu.memref_slice %arg10[%dma_start3A_28, %dma_start3A_29] : memref<10240x128xf32, #tpu.memory_space<vmem_shared>> -> memref<10240x128xf32, #tpu.memory_space<vmem_shared>>
      tpu.enqueue_indirect_dma source(%dma_start3A_30 : memref<10240x128xf32, #tpu.memory_space<vmem_shared>>) target(%arg7 : memref<128x128xf32, #tpu.memory_space<vmem>>) offsets(%dma_start3A_27 : memref<128xi32, #tpu.memory_space<vmem>>) semaphore(%arg9 : memref<!tpu.dma_semaphore, #tpu.memory_space<semaphore_mem>>)
      %dma_wait3A = arith.constant 0 : i32
      %dma_wait3A_31 = arith.constant 0 : i32
      %dma_wait3A_32 = tpu.memref_slice %arg5[%dma_wait3A, %dma_wait3A_31] : memref<40x128xi32, #tpu.memory_space<vmem>> -> memref<1x128xi32, #tpu.memory_space<vmem>>
      %dma_wait3A_33 = tpu.memref_squeeze %dma_wait3A_32 : memref<1x128xi32, #tpu.memory_space<vmem>> -> memref<128xi32, #tpu.memory_space<vmem>>
      %dma_wait3A_34 = arith.constant 0 : i32
      %dma_wait3A_35 = arith.constant 0 : i32
      %dma_wait3A_36 = tpu.memref_slice %arg10[%dma_wait3A_34, %dma_wait3A_35] : memref<10240x128xf32, #tpu.memory_space<vmem_shared>> -> memref<10240x128xf32, #tpu.memory_space<vmem_shared>>
      tpu.wait_indirect_dma semaphore(%arg8 : memref<!tpu.dma_semaphore, #tpu.memory_space<semaphore_mem>>) src(%dma_wait3A_36 : memref<10240x128xf32, #tpu.memory_space<vmem_shared>>) dst(%arg6 : memref<128x128xf32, #tpu.memory_space<vmem>>)
      %mul3A_37 = arith.constant 2 : i32
      %mul3A_38 = arith.muli %mul3A_37, %scan3A_20 : i32
      %mul3A_39 = arith.constant 5120 : i32
      %mul3A_40 = arith.muli %add3A, %mul3A_39 : i32
      %mul3A_41 = arith.constant 128 : i32
      %mul3A_42 = arith.muli %mul3A_38, %mul3A_41 : i32
      %add3A_43 = arith.addi %mul3A_40, %mul3A_42 : i32
      "tpu.region"() ({
        %run_scoped3A = tpu.sem_alloc : memref<!tpu.dma_semaphore, #tpu.memory_space<semaphore_mem>>
        %dma_start3A_65 = arith.constant 0 : i32
        %dma_start3A_66 = tpu.memref_slice %arg4[%add3A_43, %dma_start3A_65] : memref<163840x128xf32, #tpu.memory_space<hbm>> -> memref<128x128xf32, #tpu.memory_space<hbm>>
        %dma_start3A_67 = arith.constant 0 : i32
        %dma_start3A_68 = tpu.memref_slice %arg4[%add3A_43, %dma_start3A_67] : memref<163840x128xf32, #tpu.memory_space<hbm>> -> memref<128x128xf32, #tpu.memory_space<hbm>>
        tpu.enqueue_dma source(%arg6 : memref<128x128xf32, #tpu.memory_space<vmem>>) target(%dma_start3A_68 : memref<128x128xf32, #tpu.memory_space<hbm>>) target_semaphore(%run_scoped3A : memref<!tpu.dma_semaphore, #tpu.memory_space<semaphore_mem>>)
        %dma_wait3A_69 = arith.constant 0 : i32
        %dma_wait3A_70 = tpu.memref_slice %arg4[%add3A_43, %dma_wait3A_69] : memref<163840x128xf32, #tpu.memory_space<hbm>> -> memref<128x128xf32, #tpu.memory_space<hbm>>
        %dma_wait3A_71 = arith.constant 0 : i32
        %dma_wait3A_72 = tpu.memref_slice %arg4[%add3A_43, %dma_wait3A_71] : memref<163840x128xf32, #tpu.memory_space<hbm>> -> memref<128x128xf32, #tpu.memory_space<hbm>>
        tpu.wait_dma2 semaphore(%run_scoped3A : memref<!tpu.dma_semaphore, #tpu.memory_space<semaphore_mem>>) src(%arg6 : memref<128x128xf32, #tpu.memory_space<vmem>>) dst(%dma_wait3A_72 : memref<128x128xf32, #tpu.memory_space<hbm>>)
        tpu.yield
      }) : () -> ()
      %lt3A_44 = arith.constant 19 : i32
      %lt3A_45 = arith.cmpi slt, %scan3A_20, %lt3A_44 : i32
      %convert_element_type3A_46 = arith.extui %lt3A_45 : i1 to i32
      %cond3A_47 = arith.constant 0 : i32
      %cond3A_48 = arith.cmpi ne, %convert_element_type3A_46, %cond3A_47 : i32
      scf.if %cond3A_48 {
        %mul3A_65 = arith.constant 2 : i32
        %mul3A_66 = arith.muli %mul3A_65, %scan3A_20 : i32
        %add3A_67 = arith.constant 2 : i32
        %add3A_68 = arith.addi %mul3A_66, %add3A_67 : i32
        %dma_start3A_69 = arith.constant 0 : i32
        %dma_start3A_70 = tpu.memref_slice %arg5[%add3A_68, %dma_start3A_69] : memref<40x128xi32, #tpu.memory_space<vmem>> -> memref<1x128xi32, #tpu.memory_space<vmem>>
        %dma_start3A_71 = tpu.memref_squeeze %dma_start3A_70 : memref<1x128xi32, #tpu.memory_space<vmem>> -> memref<128xi32, #tpu.memory_space<vmem>>
        %dma_start3A_72 = arith.constant 0 : i32
        %dma_start3A_73 = arith.constant 0 : i32
        %dma_start3A_74 = tpu.memref_slice %arg10[%dma_start3A_72, %dma_start3A_73] : memref<10240x128xf32, #tpu.memory_space<vmem_shared>> -> memref<10240x128xf32, #tpu.memory_space<vmem_shared>>
        tpu.enqueue_indirect_dma source(%dma_start3A_74 : memref<10240x128xf32, #tpu.memory_space<vmem_shared>>) target(%arg6 : memref<128x128xf32, #tpu.memory_space<vmem>>) offsets(%dma_start3A_71 : memref<128xi32, #tpu.memory_space<vmem>>) semaphore(%arg8 : memref<!tpu.dma_semaphore, #tpu.memory_space<semaphore_mem>>)
      } else {
      }
      %dma_wait3A_49 = arith.constant 0 : i32
      %dma_wait3A_50 = arith.constant 0 : i32
      %dma_wait3A_51 = tpu.memref_slice %arg5[%dma_wait3A_49, %dma_wait3A_50] : memref<40x128xi32, #tpu.memory_space<vmem>> -> memref<1x128xi32, #tpu.memory_space<vmem>>
      %dma_wait3A_52 = tpu.memref_squeeze %dma_wait3A_51 : memref<1x128xi32, #tpu.memory_space<vmem>> -> memref<128xi32, #tpu.memory_space<vmem>>
      %dma_wait3A_53 = arith.constant 0 : i32
      %dma_wait3A_54 = arith.constant 0 : i32
      %dma_wait3A_55 = tpu.memref_slice %arg10[%dma_wait3A_53, %dma_wait3A_54] : memref<10240x128xf32, #tpu.memory_space<vmem_shared>> -> memref<10240x128xf32, #tpu.memory_space<vmem_shared>>
      tpu.wait_indirect_dma semaphore(%arg9 : memref<!tpu.dma_semaphore, #tpu.memory_space<semaphore_mem>>) src(%dma_wait3A_55 : memref<10240x128xf32, #tpu.memory_space<vmem_shared>>) dst(%arg7 : memref<128x128xf32, #tpu.memory_space<vmem>>)
      %mul3A_56 = arith.constant 2 : i32
      %mul3A_57 = arith.muli %mul3A_56, %scan3A_20 : i32
      %add3A_58 = arith.constant 1 : i32
      %add3A_59 = arith.addi %mul3A_57, %add3A_58 : i32
      %mul3A_60 = arith.constant 5120 : i32
      %mul3A_61 = arith.muli %add3A, %mul3A_60 : i32
      %mul3A_62 = arith.constant 128 : i32
      %mul3A_63 = arith.muli %add3A_59, %mul3A_62 : i32
      %add3A_64 = arith.addi %mul3A_61, %mul3A_63 : i32
      "tpu.region"() ({
        %run_scoped3A = tpu.sem_alloc : memref<!tpu.dma_semaphore, #tpu.memory_space<semaphore_mem>>
        %dma_start3A_65 = arith.constant 0 : i32
        %dma_start3A_66 = tpu.memref_slice %arg4[%add3A_64, %dma_start3A_65] : memref<163840x128xf32, #tpu.memory_space<hbm>> -> memref<128x128xf32, #tpu.memory_space<hbm>>
        %dma_start3A_67 = arith.constant 0 : i32
        %dma_start3A_68 = tpu.memref_slice %arg4[%add3A_64, %dma_start3A_67] : memref<163840x128xf32, #tpu.memory_space<hbm>> -> memref<128x128xf32, #tpu.memory_space<hbm>>
        tpu.enqueue_dma source(%arg7 : memref<128x128xf32, #tpu.memory_space<vmem>>) target(%dma_start3A_68 : memref<128x128xf32, #tpu.memory_space<hbm>>) target_semaphore(%run_scoped3A : memref<!tpu.dma_semaphore, #tpu.memory_space<semaphore_mem>>)
        %dma_wait3A_69 = arith.constant 0 : i32
        %dma_wait3A_70 = tpu.memref_slice %arg4[%add3A_64, %dma_wait3A_69] : memref<163840x128xf32, #tpu.memory_space<hbm>> -> memref<128x128xf32, #tpu.memory_space<hbm>>
        %dma_wait3A_71 = arith.constant 0 : i32
        %dma_wait3A_72 = tpu.memref_slice %arg4[%add3A_64, %dma_wait3A_71] : memref<163840x128xf32, #tpu.memory_space<hbm>> -> memref<128x128xf32, #tpu.memory_space<hbm>>
        tpu.wait_dma2 semaphore(%run_scoped3A : memref<!tpu.dma_semaphore, #tpu.memory_space<semaphore_mem>>) src(%arg7 : memref<128x128xf32, #tpu.memory_space<vmem>>) dst(%dma_wait3A_72 : memref<128x128xf32, #tpu.memory_space<hbm>>)
        tpu.yield
      }) : () -> ()
    }
    %scan3A_19 = arith.constant 20 : i32
    return
  }
}

#map = affine_map<(d0, d1) -> (0, 0)>
module attributes {stable_mosaic.version = 14 : i64} {
  func.func @_sc_gather(%arg0: i32, %arg1: i32, %arg2: memref<10000x128xf32, #tpu.memory_space<hbm>>, %arg3: memref<1280x128xi32, #tpu.memory_space<hbm>>, %arg4: memref<163840x128xf32, #tpu.memory_space<hbm>>, %arg5: memref<40x128xi32, #tpu.memory_space<vmem>>, %arg6: memref<128x128xf32, #tpu.memory_space<vmem>>, %arg7: memref<128x128xf32, #tpu.memory_space<vmem>>, %arg8: memref<!tpu.dma_semaphore, #tpu.memory_space<semaphore_mem>>, %arg9: memref<!tpu.dma_semaphore, #tpu.memory_space<semaphore_mem>>, %arg10: memref<10240x128xf32, #tpu.memory_space<vmem_shared>>) attributes {dimension_semantics = [#tpu.dimension_semantics<core_parallel>, #tpu.dimension_semantics<subcore_parallel>], iteration_bounds = array<i64: 2, 16>, scalar_prefetch = 0 : i64, scratch_operands = 6 : i64, tpu.core_type = #tpu.core_type<sc_vector_subcore>, window_params = [{transform_indices = #map}, {transform_indices = #map}, {transform_indices = #map}]} {
    %mul3A = arith.constant 2 : i32
    %mul3A_0 = arith.muli %arg1, %mul3A : i32
    %add3A = arith.addi %mul3A_0, %arg0 : i32
    %lt3A = arith.constant 15 : i32
    %lt3A_1 = arith.cmpi slt, %arg1, %lt3A : i32
    %convert_element_type3A = arith.extui %lt3A_1 : i1 to i32
    %cond3A = arith.constant 0 : i32
    %cond3A_2 = arith.cmpi ne, %convert_element_type3A, %cond3A : i32
    scf.if %cond3A_2 {
      %mul3A_20 = arith.constant 640 : i32
      %mul3A_21 = arith.muli %arg1, %mul3A_20 : i32
      %mul3A_22 = arith.constant 640 : i32
      %mul3A_23 = arith.muli %arg1, %mul3A_22 : i32
      "tpu.region"() ({
        %run_scoped3A = tpu.sem_alloc : memref<!tpu.dma_semaphore, #tpu.memory_space<semaphore_mem>>
        %dma_start3A_24 = arith.constant 0 : i32
        %dma_start3A_25 = tpu.memref_slice %arg10[%mul3A_23, %dma_start3A_24] : memref<10240x128xf32, #tpu.memory_space<vmem_shared>> -> memref<640x128xf32, #tpu.memory_space<vmem_shared>>
        %dma_start3A_26 = arith.constant 0 : i32
        %dma_start3A_27 = tpu.memref_slice %arg2[%mul3A_21, %dma_start3A_26] : memref<10000x128xf32, #tpu.memory_space<hbm>> -> memref<640x128xf32, #tpu.memory_space<hbm>>
        tpu.enqueue_dma source(%dma_start3A_27 : memref<640x128xf32, #tpu.memory_space<hbm>>) target(%dma_start3A_25 : memref<640x128xf32, #tpu.memory_space<vmem_shared>>) target_semaphore(%run_scoped3A : memref<!tpu.dma_semaphore, #tpu.memory_space<semaphore_mem>>)
        %dma_wait3A = arith.constant 0 : i32
        %dma_wait3A_28 = tpu.memref_slice %arg10[%mul3A_23, %dma_wait3A] : memref<10240x128xf32, #tpu.memory_space<vmem_shared>> -> memref<640x128xf32, #tpu.memory_space<vmem_shared>>
        %dma_wait3A_29 = arith.constant 0 : i32
        %dma_wait3A_30 = tpu.memref_slice %arg2[%mul3A_21, %dma_wait3A_29] : memref<10000x128xf32, #tpu.memory_space<hbm>> -> memref<640x128xf32, #tpu.memory_space<hbm>>
        tpu.wait_dma2 semaphore(%run_scoped3A : memref<!tpu.dma_semaphore, #tpu.memory_space<semaphore_mem>>) src(%dma_wait3A_30 : memref<640x128xf32, #tpu.memory_space<hbm>>) dst(%dma_wait3A_28 : memref<640x128xf32, #tpu.memory_space<vmem_shared>>)
        tpu.yield
      }) : () -> ()
    } else {
    }
    %eq3A = arith.constant 15 : i32
    %eq3A_3 = arith.cmpi eq, %arg1, %eq3A : i32
    %convert_element_type3A_4 = arith.extui %eq3A_3 : i1 to i32
    %cond3A_5 = arith.constant 0 : i32
    %cond3A_6 = arith.cmpi ne, %convert_element_type3A_4, %cond3A_5 : i32
    scf.if %cond3A_6 {
      "tpu.region"() ({
        %run_scoped3A = tpu.sem_alloc : memref<!tpu.dma_semaphore, #tpu.memory_space<semaphore_mem>>
        %dma_start3A_20 = arith.constant 9600 : i32
        %dma_start3A_21 = arith.constant 0 : i32
        %dma_start3A_22 = tpu.memref_slice %arg10[%dma_start3A_20, %dma_start3A_21] : memref<10240x128xf32, #tpu.memory_space<vmem_shared>> -> memref<400x128xf32, #tpu.memory_space<vmem_shared>>
        %dma_start3A_23 = arith.constant 9600 : i32
        %dma_start3A_24 = arith.constant 0 : i32
        %dma_start3A_25 = tpu.memref_slice %arg2[%dma_start3A_23, %dma_start3A_24] : memref<10000x128xf32, #tpu.memory_space<hbm>> -> memref<400x128xf32, #tpu.memory_space<hbm>>
        tpu.enqueue_dma source(%dma_start3A_25 : memref<400x128xf32, #tpu.memory_space<hbm>>) target(%dma_start3A_22 : memref<400x128xf32, #tpu.memory_space<vmem_shared>>) target_semaphore(%run_scoped3A : memref<!tpu.dma_semaphore, #tpu.memory_space<semaphore_mem>>)
        %dma_wait3A = arith.constant 9600 : i32
        %dma_wait3A_26 = arith.constant 0 : i32
        %dma_wait3A_27 = tpu.memref_slice %arg10[%dma_wait3A, %dma_wait3A_26] : memref<10240x128xf32, #tpu.memory_space<vmem_shared>> -> memref<400x128xf32, #tpu.memory_space<vmem_shared>>
        %dma_wait3A_28 = arith.constant 9600 : i32
        %dma_wait3A_29 = arith.constant 0 : i32
        %dma_wait3A_30 = tpu.memref_slice %arg2[%dma_wait3A_28, %dma_wait3A_29] : memref<10000x128xf32, #tpu.memory_space<hbm>> -> memref<400x128xf32, #tpu.memory_space<hbm>>
        tpu.wait_dma2 semaphore(%run_scoped3A : memref<!tpu.dma_semaphore, #tpu.memory_space<semaphore_mem>>) src(%dma_wait3A_30 : memref<400x128xf32, #tpu.memory_space<hbm>>) dst(%dma_wait3A_27 : memref<400x128xf32, #tpu.memory_space<vmem_shared>>)
        tpu.yield
      }) : () -> ()
    } else {
    }
    %mul3A_7 = arith.constant 40 : i32
    %mul3A_8 = arith.muli %add3A, %mul3A_7 : i32
    "tpu.region"() ({
      %run_scoped3A = tpu.sem_alloc : memref<!tpu.dma_semaphore, #tpu.memory_space<semaphore_mem>>
      %dma_start3A_20 = arith.constant 0 : i32
      %dma_start3A_21 = tpu.memref_slice %arg3[%mul3A_8, %dma_start3A_20] : memref<1280x128xi32, #tpu.memory_space<hbm>> -> memref<40x128xi32, #tpu.memory_space<hbm>>
      %dma_start3A_22 = arith.constant 0 : i32
      %dma_start3A_23 = tpu.memref_slice %arg3[%mul3A_8, %dma_start3A_22] : memref<1280x128xi32, #tpu.memory_space<hbm>> -> memref<40x128xi32, #tpu.memory_space<hbm>>
      tpu.enqueue_dma source(%dma_start3A_23 : memref<40x128xi32, #tpu.memory_space<hbm>>) target(%arg5 : memref<40x128xi32, #tpu.memory_space<vmem>>) target_semaphore(%run_scoped3A : memref<!tpu.dma_semaphore, #tpu.memory_space<semaphore_mem>>)
      %dma_wait3A = arith.constant 0 : i32
      %dma_wait3A_24 = tpu.memref_slice %arg3[%mul3A_8, %dma_wait3A] : memref<1280x128xi32, #tpu.memory_space<hbm>> -> memref<40x128xi32, #tpu.memory_space<hbm>>
      %dma_wait3A_25 = arith.constant 0 : i32
      %dma_wait3A_26 = tpu.memref_slice %arg3[%mul3A_8, %dma_wait3A_25] : memref<1280x128xi32, #tpu.memory_space<hbm>> -> memref<40x128xi32, #tpu.memory_space<hbm>>
      tpu.wait_dma2 semaphore(%run_scoped3A : memref<!tpu.dma_semaphore, #tpu.memory_space<semaphore_mem>>) src(%dma_wait3A_26 : memref<40x128xi32, #tpu.memory_space<hbm>>) dst(%arg5 : memref<40x128xi32, #tpu.memory_space<vmem>>)
      tpu.yield
    }) : () -> ()
    %barrier3A = arith.constant 0 : index
    tpu.barrier barrier_id(%barrier3A)
    %dma_start3A = arith.constant 0 : i32
    %dma_start3A_9 = arith.constant 0 : i32
    %dma_start3A_10 = tpu.memref_slice %arg5[%dma_start3A, %dma_start3A_9] : memref<40x128xi32, #tpu.memory_space<vmem>> -> memref<1x128xi32, #tpu.memory_space<vmem>>
    %dma_start3A_11 = tpu.memref_squeeze %dma_start3A_10 : memref<1x128xi32, #tpu.memory_space<vmem>> -> memref<128xi32, #tpu.memory_space<vmem>>
    %dma_start3A_12 = arith.constant 0 : i32
    %dma_start3A_13 = arith.constant 0 : i32
    %dma_start3A_14 = tpu.memref_slice %arg10[%dma_start3A_12, %dma_start3A_13] : memref<10240x128xf32, #tpu.memory_space<vmem_shared>> -> memref<10240x128xf32, #tpu.memory_space<vmem_shared>>
    tpu.enqueue_indirect_dma source(%dma_start3A_14 : memref<10240x128xf32, #tpu.memory_space<vmem_shared>>) target(%arg6 : memref<128x128xf32, #tpu.memory_space<vmem>>) offsets(%dma_start3A_11 : memref<128xi32, #tpu.memory_space<vmem>>) semaphore(%arg8 : memref<!tpu.dma_semaphore, #tpu.memory_space<semaphore_mem>>)
    %scan3A = arith.constant 0 : i32
    %scan3A_15 = arith.constant 0 : i32
    %scan3A_16 = arith.constant 20 : i32
    %scan3A_17 = arith.addi %scan3A_15, %scan3A_16 : i32
    %scan3A_18 = arith.constant 1 : i32
    scf.for %scan3A_20 = %scan3A_15 to %scan3A_17 step %scan3A_18  : i32 {
      %mul3A_21 = arith.constant 2 : i32
      %mul3A_22 = arith.muli %mul3A_21, %scan3A_20 : i32
      %add3A_23 = arith.constant 1 : i32
      %add3A_24 = arith.addi %mul3A_22, %add3A_23 : i32
      %dma_start3A_25 = arith.constant 0 : i32
      %dma_start3A_26 = tpu.memref_slice %arg5[%add3A_24, %dma_start3A_25] : memref<40x128xi32, #tpu.memory_space<vmem>> -> memref<1x128xi32, #tpu.memory_space<vmem>>
      %dma_start3A_27 = tpu.memref_squeeze %dma_start3A_26 : memref<1x128xi32, #tpu.memory_space<vmem>> -> memref<128xi32, #tpu.memory_space<vmem>>
      %dma_start3A_28 = arith.constant 0 : i32
      %dma_start3A_29 = arith.constant 0 : i32
      %dma_start3A_30 = tpu.memref_slice %arg10[%dma_start3A_28, %dma_start3A_29] : memref<10240x128xf32, #tpu.memory_space<vmem_shared>> -> memref<10240x128xf32, #tpu.memory_space<vmem_shared>>
      tpu.enqueue_indirect_dma source(%dma_start3A_30 : memref<10240x128xf32, #tpu.memory_space<vmem_shared>>) target(%arg7 : memref<128x128xf32, #tpu.memory_space<vmem>>) offsets(%dma_start3A_27 : memref<128xi32, #tpu.memory_space<vmem>>) semaphore(%arg9 : memref<!tpu.dma_semaphore, #tpu.memory_space<semaphore_mem>>)
      %dma_wait3A = arith.constant 0 : i32
      %dma_wait3A_31 = arith.constant 0 : i32
      %dma_wait3A_32 = tpu.memref_slice %arg5[%dma_wait3A, %dma_wait3A_31] : memref<40x128xi32, #tpu.memory_space<vmem>> -> memref<1x128xi32, #tpu.memory_space<vmem>>
      %dma_wait3A_33 = tpu.memref_squeeze %dma_wait3A_32 : memref<1x128xi32, #tpu.memory_space<vmem>> -> memref<128xi32, #tpu.memory_space<vmem>>
      %dma_wait3A_34 = arith.constant 0 : i32
      %dma_wait3A_35 = arith.constant 0 : i32
      %dma_wait3A_36 = tpu.memref_slice %arg10[%dma_wait3A_34, %dma_wait3A_35] : memref<10240x128xf32, #tpu.memory_space<vmem_shared>> -> memref<10240x128xf32, #tpu.memory_space<vmem_shared>>
      tpu.wait_indirect_dma semaphore(%arg8 : memref<!tpu.dma_semaphore, #tpu.memory_space<semaphore_mem>>) src(%dma_wait3A_36 : memref<10240x128xf32, #tpu.memory_space<vmem_shared>>) dst(%arg6 : memref<128x128xf32, #tpu.memory_space<vmem>>)
      %mul3A_37 = arith.constant 2 : i32
      %mul3A_38 = arith.muli %mul3A_37, %scan3A_20 : i32
      %mul3A_39 = arith.constant 5120 : i32
      %mul3A_40 = arith.muli %add3A, %mul3A_39 : i32
      %mul3A_41 = arith.constant 128 : i32
      %mul3A_42 = arith.muli %mul3A_38, %mul3A_41 : i32
      %add3A_43 = arith.addi %mul3A_40, %mul3A_42 : i32
      "tpu.region"() ({
        %run_scoped3A = tpu.sem_alloc : memref<!tpu.dma_semaphore, #tpu.memory_space<semaphore_mem>>
        %dma_start3A_65 = arith.constant 0 : i32
        %dma_start3A_66 = tpu.memref_slice %arg4[%add3A_43, %dma_start3A_65] : memref<163840x128xf32, #tpu.memory_space<hbm>> -> memref<128x128xf32, #tpu.memory_space<hbm>>
        %dma_start3A_67 = arith.constant 0 : i32
        %dma_start3A_68 = tpu.memref_slice %arg4[%add3A_43, %dma_start3A_67] : memref<163840x128xf32, #tpu.memory_space<hbm>> -> memref<128x128xf32, #tpu.memory_space<hbm>>
        tpu.enqueue_dma source(%arg6 : memref<128x128xf32, #tpu.memory_space<vmem>>) target(%dma_start3A_68 : memref<128x128xf32, #tpu.memory_space<hbm>>) target_semaphore(%run_scoped3A : memref<!tpu.dma_semaphore, #tpu.memory_space<semaphore_mem>>)
        %dma_wait3A_69 = arith.constant 0 : i32
        %dma_wait3A_70 = tpu.memref_slice %arg4[%add3A_43, %dma_wait3A_69] : memref<163840x128xf32, #tpu.memory_space<hbm>> -> memref<128x128xf32, #tpu.memory_space<hbm>>
        %dma_wait3A_71 = arith.constant 0 : i32
        %dma_wait3A_72 = tpu.memref_slice %arg4[%add3A_43, %dma_wait3A_71] : memref<163840x128xf32, #tpu.memory_space<hbm>> -> memref<128x128xf32, #tpu.memory_space<hbm>>
        tpu.wait_dma2 semaphore(%run_scoped3A : memref<!tpu.dma_semaphore, #tpu.memory_space<semaphore_mem>>) src(%arg6 : memref<128x128xf32, #tpu.memory_space<vmem>>) dst(%dma_wait3A_72 : memref<128x128xf32, #tpu.memory_space<hbm>>)
        tpu.yield
      }) : () -> ()
      %lt3A_44 = arith.constant 19 : i32
      %lt3A_45 = arith.cmpi slt, %scan3A_20, %lt3A_44 : i32
      %convert_element_type3A_46 = arith.extui %lt3A_45 : i1 to i32
      %cond3A_47 = arith.constant 0 : i32
      %cond3A_48 = arith.cmpi ne, %convert_element_type3A_46, %cond3A_47 : i32
      scf.if %cond3A_48 {
        %mul3A_65 = arith.constant 2 : i32
        %mul3A_66 = arith.muli %mul3A_65, %scan3A_20 : i32
        %add3A_67 = arith.constant 2 : i32
        %add3A_68 = arith.addi %mul3A_66, %add3A_67 : i32
        %dma_start3A_69 = arith.constant 0 : i32
        %dma_start3A_70 = tpu.memref_slice %arg5[%add3A_68, %dma_start3A_69] : memref<40x128xi32, #tpu.memory_space<vmem>> -> memref<1x128xi32, #tpu.memory_space<vmem>>
        %dma_start3A_71 = tpu.memref_squeeze %dma_start3A_70 : memref<1x128xi32, #tpu.memory_space<vmem>> -> memref<128xi32, #tpu.memory_space<vmem>>
        %dma_start3A_72 = arith.constant 0 : i32
        %dma_start3A_73 = arith.constant 0 : i32
        %dma_start3A_74 = tpu.memref_slice %arg10[%dma_start3A_72, %dma_start3A_73] : memref<10240x128xf32, #tpu.memory_space<vmem_shared>> -> memref<10240x128xf32, #tpu.memory_space<vmem_shared>>
        tpu.enqueue_indirect_dma source(%dma_start3A_74 : memref<10240x128xf32, #tpu.memory_space<vmem_shared>>) target(%arg6 : memref<128x128xf32, #tpu.memory_space<vmem>>) offsets(%dma_start3A_71 : memref<128xi32, #tpu.memory_space<vmem>>) semaphore(%arg8 : memref<!tpu.dma_semaphore, #tpu.memory_space<semaphore_mem>>)
      } else {
      }
      %dma_wait3A_49 = arith.constant 0 : i32
      %dma_wait3A_50 = arith.constant 0 : i32
      %dma_wait3A_51 = tpu.memref_slice %arg5[%dma_wait3A_49, %dma_wait3A_50] : memref<40x128xi32, #tpu.memory_space<vmem>> -> memref<1x128xi32, #tpu.memory_space<vmem>>
      %dma_wait3A_52 = tpu.memref_squeeze %dma_wait3A_51 : memref<1x128xi32, #tpu.memory_space<vmem>> -> memref<128xi32, #tpu.memory_space<vmem>>
      %dma_wait3A_53 = arith.constant 0 : i32
      %dma_wait3A_54 = arith.constant 0 : i32
      %dma_wait3A_55 = tpu.memref_slice %arg10[%dma_wait3A_53, %dma_wait3A_54] : memref<10240x128xf32, #tpu.memory_space<vmem_shared>> -> memref<10240x128xf32, #tpu.memory_space<vmem_shared>>
      tpu.wait_indirect_dma semaphore(%arg9 : memref<!tpu.dma_semaphore, #tpu.memory_space<semaphore_mem>>) src(%dma_wait3A_55 : memref<10240x128xf32, #tpu.memory_space<vmem_shared>>) dst(%arg7 : memref<128x128xf32, #tpu.memory_space<vmem>>)
      %mul3A_56 = arith.constant 2 : i32
      %mul3A_57 = arith.muli %mul3A_56, %scan3A_20 : i32
      %add3A_58 = arith.constant 1 : i32
      %add3A_59 = arith.addi %mul3A_57, %add3A_58 : i32
      %mul3A_60 = arith.constant 5120 : i32
      %mul3A_61 = arith.muli %add3A, %mul3A_60 : i32
      %mul3A_62 = arith.constant 128 : i32
      %mul3A_63 = arith.muli %add3A_59, %mul3A_62 : i32
      %add3A_64 = arith.addi %mul3A_61, %mul3A_63 : i32
      "tpu.region"() ({
        %run_scoped3A = tpu.sem_alloc : memref<!tpu.dma_semaphore, #tpu.memory_space<semaphore_mem>>
        %dma_start3A_65 = arith.constant 0 : i32
        %dma_start3A_66 = tpu.memref_slice %arg4[%add3A_64, %dma_start3A_65] : memref<163840x128xf32, #tpu.memory_space<hbm>> -> memref<128x128xf32, #tpu.memory_space<hbm>>
        %dma_start3A_67 = arith.constant 0 : i32
        %dma_start3A_68 = tpu.memref_slice %arg4[%add3A_64, %dma_start3A_67] : memref<163840x128xf32, #tpu.memory_space<hbm>> -> memref<128x128xf32, #tpu.memory_space<hbm>>
        tpu.enqueue_dma source(%arg7 : memref<128x128xf32, #tpu.memory_space<vmem>>) target(%dma_start3A_68 : memref<128x128xf32, #tpu.memory_space<hbm>>) target_semaphore(%run_scoped3A : memref<!tpu.dma_semaphore, #tpu.memory_space<semaphore_mem>>)
        %dma_wait3A_69 = arith.constant 0 : i32
        %dma_wait3A_70 = tpu.memref_slice %arg4[%add3A_64, %dma_wait3A_69] : memref<163840x128xf32, #tpu.memory_space<hbm>> -> memref<128x128xf32, #tpu.memory_space<hbm>>
        %dma_wait3A_71 = arith.constant 0 : i32
        %dma_wait3A_72 = tpu.memref_slice %arg4[%add3A_64, %dma_wait3A_71] : memref<163840x128xf32, #tpu.memory_space<hbm>> -> memref<128x128xf32, #tpu.memory_space<hbm>>
        tpu.wait_dma2 semaphore(%run_scoped3A : memref<!tpu.dma_semaphore, #tpu.memory_space<semaphore_mem>>) src(%arg7 : memref<128x128xf32, #tpu.memory_space<vmem>>) dst(%dma_wait3A_72 : memref<128x128xf32, #tpu.memory_space<hbm>>)
        tpu.yield
      }) : () -> ()
    }
    %scan3A_19 = arith.constant 20 : i32
    return
  }
}

#map = affine_map<(d0, d1) -> (0, 0)>
#map1 = affine_map<(d0, d1) -> (0)>
#map2 = affine_map<(d0, d1) -> (0, 0, 0)>
module attributes {stable_mosaic.version = 14 : i64} {
  func.func @_sc_scatter(%arg0: i32, %arg1: i32, %arg2: memref<163840x128xf32, #tpu.memory_space<hbm>>, %arg3: memref<1280x128xi32, #tpu.memory_space<hbm>>, %arg4: memref<10240x128xf32, #tpu.memory_space<hbm>>, %arg5: memref<10240xf32, #tpu.memory_space<hbm>>, %arg6: memref<128xf32, #tpu.memory_space<hbm>>, %arg7: memref<2x10240x128xf32, #tpu.memory_space<hbm>>, %arg8: memref<2x10240xf32, #tpu.memory_space<hbm>>, %arg9: memref<40x128xi32, #tpu.memory_space<vmem>>, %arg10: memref<128x128xf32, #tpu.memory_space<vmem>>, %arg11: memref<128x128xf32, #tpu.memory_space<vmem>>, %arg12: memref<128xf32, #tpu.memory_space<vmem>>, %arg13: memref<!tpu.dma_semaphore, #tpu.memory_space<semaphore_mem>>, %arg14: memref<!tpu.dma_semaphore, #tpu.memory_space<semaphore_mem>>, %arg15: memref<10240x128xf32, #tpu.memory_space<vmem_shared>>, %arg16: memref<10240xf32, #tpu.memory_space<vmem_shared>>) attributes {dimension_semantics = [#tpu.dimension_semantics<core_parallel>, #tpu.dimension_semantics<subcore_parallel>], iteration_bounds = array<i64: 2, 16>, scalar_prefetch = 0 : i64, scratch_operands = 8 : i64, tpu.core_type = #tpu.core_type<sc_vector_subcore>, window_params = [{transform_indices = #map}, {transform_indices = #map}, {transform_indices = #map}, {transform_indices = #map1}, {transform_indices = #map1}, {transform_indices = #map2}, {transform_indices = #map}]} {
    %mul3A = arith.constant 2 : i32
    %mul3A_0 = arith.muli %arg1, %mul3A : i32
    %add3A = arith.addi %mul3A_0, %arg0 : i32
    %mul3A_1 = arith.constant 640 : i32
    %mul3A_2 = arith.muli %arg1, %mul3A_1 : i32
    %mul3A_3 = arith.constant 640 : i32
    %mul3A_4 = arith.muli %arg1, %mul3A_3 : i32
    "tpu.region"() ({
      %run_scoped3A = tpu.sem_alloc : memref<!tpu.dma_semaphore, #tpu.memory_space<semaphore_mem>>
      %dma_start3A_32 = arith.constant 0 : i32
      %dma_start3A_33 = tpu.memref_slice %arg15[%mul3A_4, %dma_start3A_32] : memref<10240x128xf32, #tpu.memory_space<vmem_shared>> -> memref<640x128xf32, #tpu.memory_space<vmem_shared>>
      %dma_start3A_34 = arith.constant 0 : i32
      %dma_start3A_35 = tpu.memref_slice %arg4[%mul3A_2, %dma_start3A_34] : memref<10240x128xf32, #tpu.memory_space<hbm>> -> memref<640x128xf32, #tpu.memory_space<hbm>>
      tpu.enqueue_dma source(%dma_start3A_35 : memref<640x128xf32, #tpu.memory_space<hbm>>) target(%dma_start3A_33 : memref<640x128xf32, #tpu.memory_space<vmem_shared>>) target_semaphore(%run_scoped3A : memref<!tpu.dma_semaphore, #tpu.memory_space<semaphore_mem>>)
      %dma_wait3A = arith.constant 0 : i32
      %dma_wait3A_36 = tpu.memref_slice %arg15[%mul3A_4, %dma_wait3A] : memref<10240x128xf32, #tpu.memory_space<vmem_shared>> -> memref<640x128xf32, #tpu.memory_space<vmem_shared>>
      %dma_wait3A_37 = arith.constant 0 : i32
      %dma_wait3A_38 = tpu.memref_slice %arg4[%mul3A_2, %dma_wait3A_37] : memref<10240x128xf32, #tpu.memory_space<hbm>> -> memref<640x128xf32, #tpu.memory_space<hbm>>
      tpu.wait_dma2 semaphore(%run_scoped3A : memref<!tpu.dma_semaphore, #tpu.memory_space<semaphore_mem>>) src(%dma_wait3A_38 : memref<640x128xf32, #tpu.memory_space<hbm>>) dst(%dma_wait3A_36 : memref<640x128xf32, #tpu.memory_space<vmem_shared>>)
      tpu.yield
    }) : () -> ()
    %mul3A_5 = arith.constant 640 : i32
    %mul3A_6 = arith.muli %arg1, %mul3A_5 : i32
    %mul3A_7 = arith.constant 640 : i32
    %mul3A_8 = arith.muli %arg1, %mul3A_7 : i32
    "tpu.region"() ({
      %run_scoped3A = tpu.sem_alloc : memref<!tpu.dma_semaphore, #tpu.memory_space<semaphore_mem>>
      %dma_start3A_32 = tpu.memref_slice %arg16[%mul3A_8] : memref<10240xf32, #tpu.memory_space<vmem_shared>> -> memref<640xf32, #tpu.memory_space<vmem_shared>>
      %dma_start3A_33 = tpu.memref_slice %arg5[%mul3A_6] : memref<10240xf32, #tpu.memory_space<hbm>> -> memref<640xf32, #tpu.memory_space<hbm>>
      tpu.enqueue_dma source(%dma_start3A_33 : memref<640xf32, #tpu.memory_space<hbm>>) target(%dma_start3A_32 : memref<640xf32, #tpu.memory_space<vmem_shared>>) target_semaphore(%run_scoped3A : memref<!tpu.dma_semaphore, #tpu.memory_space<semaphore_mem>>)
      %dma_wait3A = tpu.memref_slice %arg16[%mul3A_8] : memref<10240xf32, #tpu.memory_space<vmem_shared>> -> memref<640xf32, #tpu.memory_space<vmem_shared>>
      %dma_wait3A_34 = tpu.memref_slice %arg5[%mul3A_6] : memref<10240xf32, #tpu.memory_space<hbm>> -> memref<640xf32, #tpu.memory_space<hbm>>
      tpu.wait_dma2 semaphore(%run_scoped3A : memref<!tpu.dma_semaphore, #tpu.memory_space<semaphore_mem>>) src(%dma_wait3A_34 : memref<640xf32, #tpu.memory_space<hbm>>) dst(%dma_wait3A : memref<640xf32, #tpu.memory_space<vmem_shared>>)
      tpu.yield
    }) : () -> ()
    "tpu.region"() ({
      %run_scoped3A = tpu.sem_alloc : memref<!tpu.dma_semaphore, #tpu.memory_space<semaphore_mem>>
      tpu.enqueue_dma source(%arg6 : memref<128xf32, #tpu.memory_space<hbm>>) target(%arg12 : memref<128xf32, #tpu.memory_space<vmem>>) target_semaphore(%run_scoped3A : memref<!tpu.dma_semaphore, #tpu.memory_space<semaphore_mem>>)
      tpu.wait_dma2 semaphore(%run_scoped3A : memref<!tpu.dma_semaphore, #tpu.memory_space<semaphore_mem>>) src(%arg6 : memref<128xf32, #tpu.memory_space<hbm>>) dst(%arg12 : memref<128xf32, #tpu.memory_space<vmem>>)
      tpu.yield
    }) : () -> ()
    %mul3A_9 = arith.constant 40 : i32
    %mul3A_10 = arith.muli %add3A, %mul3A_9 : i32
    "tpu.region"() ({
      %run_scoped3A = tpu.sem_alloc : memref<!tpu.dma_semaphore, #tpu.memory_space<semaphore_mem>>
      %dma_start3A_32 = arith.constant 0 : i32
      %dma_start3A_33 = tpu.memref_slice %arg3[%mul3A_10, %dma_start3A_32] : memref<1280x128xi32, #tpu.memory_space<hbm>> -> memref<40x128xi32, #tpu.memory_space<hbm>>
      %dma_start3A_34 = arith.constant 0 : i32
      %dma_start3A_35 = tpu.memref_slice %arg3[%mul3A_10, %dma_start3A_34] : memref<1280x128xi32, #tpu.memory_space<hbm>> -> memref<40x128xi32, #tpu.memory_space<hbm>>
      tpu.enqueue_dma source(%dma_start3A_35 : memref<40x128xi32, #tpu.memory_space<hbm>>) target(%arg9 : memref<40x128xi32, #tpu.memory_space<vmem>>) target_semaphore(%run_scoped3A : memref<!tpu.dma_semaphore, #tpu.memory_space<semaphore_mem>>)
      %dma_wait3A = arith.constant 0 : i32
      %dma_wait3A_36 = tpu.memref_slice %arg3[%mul3A_10, %dma_wait3A] : memref<1280x128xi32, #tpu.memory_space<hbm>> -> memref<40x128xi32, #tpu.memory_space<hbm>>
      %dma_wait3A_37 = arith.constant 0 : i32
      %dma_wait3A_38 = tpu.memref_slice %arg3[%mul3A_10, %dma_wait3A_37] : memref<1280x128xi32, #tpu.memory_space<hbm>> -> memref<40x128xi32, #tpu.memory_space<hbm>>
      tpu.wait_dma2 semaphore(%run_scoped3A : memref<!tpu.dma_semaphore, #tpu.memory_space<semaphore_mem>>) src(%dma_wait3A_38 : memref<40x128xi32, #tpu.memory_space<hbm>>) dst(%arg9 : memref<40x128xi32, #tpu.memory_space<vmem>>)
      tpu.yield
    }) : () -> ()
    %barrier3A = arith.constant 0 : index
    tpu.barrier barrier_id(%barrier3A)
    %mul3A_11 = arith.constant 5120 : i32
    %mul3A_12 = arith.muli %add3A, %mul3A_11 : i32
    %add3A_13 = arith.constant 0 : i32
    %add3A_14 = arith.addi %mul3A_12, %add3A_13 : i32
    %dma_start3A = arith.constant 0 : i32
    %dma_start3A_15 = tpu.memref_slice %arg2[%add3A_14, %dma_start3A] : memref<163840x128xf32, #tpu.memory_space<hbm>> -> memref<128x128xf32, #tpu.memory_space<hbm>>
    %dma_start3A_16 = arith.constant 0 : i32
    %dma_start3A_17 = tpu.memref_slice %arg2[%add3A_14, %dma_start3A_16] : memref<163840x128xf32, #tpu.memory_space<hbm>> -> memref<128x128xf32, #tpu.memory_space<hbm>>
    tpu.enqueue_dma source(%dma_start3A_17 : memref<128x128xf32, #tpu.memory_space<hbm>>) target(%arg10 : memref<128x128xf32, #tpu.memory_space<vmem>>) target_semaphore(%arg13 : memref<!tpu.dma_semaphore, #tpu.memory_space<semaphore_mem>>)
    %scan3A = arith.constant 0 : i32
    %scan3A_18 = arith.constant 0 : i32
    %scan3A_19 = arith.constant 20 : i32
    %scan3A_20 = arith.addi %scan3A_18, %scan3A_19 : i32
    %scan3A_21 = arith.constant 1 : i32
    scf.for %scan3A_32 = %scan3A_18 to %scan3A_20 step %scan3A_21  : i32 {
      %mul3A_33 = arith.constant 2 : i32
      %mul3A_34 = arith.muli %mul3A_33, %scan3A_32 : i32
      %add3A_35 = arith.constant 1 : i32
      %add3A_36 = arith.addi %mul3A_34, %add3A_35 : i32
      %mul3A_37 = arith.constant 128 : i32
      %mul3A_38 = arith.muli %add3A_36, %mul3A_37 : i32
      %add3A_39 = arith.addi %mul3A_12, %mul3A_38 : i32
      %dma_start3A_40 = arith.constant 0 : i32
      %dma_start3A_41 = tpu.memref_slice %arg2[%add3A_39, %dma_start3A_40] : memref<163840x128xf32, #tpu.memory_space<hbm>> -> memref<128x128xf32, #tpu.memory_space<hbm>>
      %dma_start3A_42 = arith.constant 0 : i32
      %dma_start3A_43 = tpu.memref_slice %arg2[%add3A_39, %dma_start3A_42] : memref<163840x128xf32, #tpu.memory_space<hbm>> -> memref<128x128xf32, #tpu.memory_space<hbm>>
      tpu.enqueue_dma source(%dma_start3A_43 : memref<128x128xf32, #tpu.memory_space<hbm>>) target(%arg11 : memref<128x128xf32, #tpu.memory_space<vmem>>) target_semaphore(%arg14 : memref<!tpu.dma_semaphore, #tpu.memory_space<semaphore_mem>>)
      %dma_wait3A = arith.constant 0 : i32
      %dma_wait3A_44 = arith.constant 0 : i32
      %dma_wait3A_45 = tpu.memref_slice %arg2[%dma_wait3A, %dma_wait3A_44] : memref<163840x128xf32, #tpu.memory_space<hbm>> -> memref<128x128xf32, #tpu.memory_space<hbm>>
      %dma_wait3A_46 = arith.constant 0 : i32
      %dma_wait3A_47 = arith.constant 0 : i32
      %dma_wait3A_48 = tpu.memref_slice %arg2[%dma_wait3A_46, %dma_wait3A_47] : memref<163840x128xf32, #tpu.memory_space<hbm>> -> memref<128x128xf32, #tpu.memory_space<hbm>>
      tpu.wait_dma2 semaphore(%arg13 : memref<!tpu.dma_semaphore, #tpu.memory_space<semaphore_mem>>) src(%dma_wait3A_48 : memref<128x128xf32, #tpu.memory_space<hbm>>) dst(%arg10 : memref<128x128xf32, #tpu.memory_space<vmem>>)
      %mul3A_49 = arith.constant 2 : i32
      %mul3A_50 = arith.muli %mul3A_49, %scan3A_32 : i32
      "tpu.region"() ({
        %run_scoped3A = tpu.sem_alloc : memref<!tpu.dma_semaphore, #tpu.memory_space<semaphore_mem>>
        %dma_start3A_63 = arith.constant 0 : i32
        %dma_start3A_64 = tpu.memref_slice %arg9[%mul3A_50, %dma_start3A_63] : memref<40x128xi32, #tpu.memory_space<vmem>> -> memref<1x128xi32, #tpu.memory_space<vmem>>
        %dma_start3A_65 = tpu.memref_squeeze %dma_start3A_64 : memref<1x128xi32, #tpu.memory_space<vmem>> -> memref<128xi32, #tpu.memory_space<vmem>>
        %dma_start3A_66 = arith.constant 0 : i32
        %dma_start3A_67 = arith.constant 0 : i32
        %dma_start3A_68 = tpu.memref_slice %arg15[%dma_start3A_66, %dma_start3A_67] : memref<10240x128xf32, #tpu.memory_space<vmem_shared>> -> memref<10240x128xf32, #tpu.memory_space<vmem_shared>>
        tpu.enqueue_indirect_dma source(%arg10 : memref<128x128xf32, #tpu.memory_space<vmem>>) target(%dma_start3A_68 : memref<10240x128xf32, #tpu.memory_space<vmem_shared>>) offsets(%dma_start3A_65 : memref<128xi32, #tpu.memory_space<vmem>>) semaphore(%run_scoped3A : memref<!tpu.dma_semaphore, #tpu.memory_space<semaphore_mem>>) {add = true}
        %dma_wait3A_69 = arith.constant 0 : i32
        %dma_wait3A_70 = tpu.memref_slice %arg9[%mul3A_50, %dma_wait3A_69] : memref<40x128xi32, #tpu.memory_space<vmem>> -> memref<1x128xi32, #tpu.memory_space<vmem>>
        %dma_wait3A_71 = tpu.memref_squeeze %dma_wait3A_70 : memref<1x128xi32, #tpu.memory_space<vmem>> -> memref<128xi32, #tpu.memory_space<vmem>>
        %dma_wait3A_72 = arith.constant 0 : i32
        %dma_wait3A_73 = arith.constant 0 : i32
        %dma_wait3A_74 = tpu.memref_slice %arg15[%dma_wait3A_72, %dma_wait3A_73] : memref<10240x128xf32, #tpu.memory_space<vmem_shared>> -> memref<10240x128xf32, #tpu.memory_space<vmem_shared>>
        tpu.wait_indirect_dma semaphore(%run_scoped3A : memref<!tpu.dma_semaphore, #tpu.memory_space<semaphore_mem>>) src(%arg10 : memref<128x128xf32, #tpu.memory_space<vmem>>) dst(%dma_wait3A_74 : memref<10240x128xf32, #tpu.memory_space<vmem_shared>>)
        tpu.yield
      }) : () -> ()
      "tpu.region"() ({
        %run_scoped3A = tpu.sem_alloc : memref<!tpu.dma_semaphore, #tpu.memory_space<semaphore_mem>>
        %dma_start3A_63 = arith.constant 0 : i32
        %dma_start3A_64 = tpu.memref_slice %arg9[%mul3A_50, %dma_start3A_63] : memref<40x128xi32, #tpu.memory_space<vmem>> -> memref<1x128xi32, #tpu.memory_space<vmem>>
        %dma_start3A_65 = tpu.memref_squeeze %dma_start3A_64 : memref<1x128xi32, #tpu.memory_space<vmem>> -> memref<128xi32, #tpu.memory_space<vmem>>
        %dma_start3A_66 = arith.constant 0 : i32
        %dma_start3A_67 = tpu.memref_slice %arg16[%dma_start3A_66] : memref<10240xf32, #tpu.memory_space<vmem_shared>> -> memref<10240xf32, #tpu.memory_space<vmem_shared>>
        tpu.enqueue_indirect_dma source(%arg12 : memref<128xf32, #tpu.memory_space<vmem>>) target(%dma_start3A_67 : memref<10240xf32, #tpu.memory_space<vmem_shared>>) offsets(%dma_start3A_65 : memref<128xi32, #tpu.memory_space<vmem>>) semaphore(%run_scoped3A : memref<!tpu.dma_semaphore, #tpu.memory_space<semaphore_mem>>) {add = true}
        %dma_wait3A_68 = arith.constant 0 : i32
        %dma_wait3A_69 = tpu.memref_slice %arg9[%mul3A_50, %dma_wait3A_68] : memref<40x128xi32, #tpu.memory_space<vmem>> -> memref<1x128xi32, #tpu.memory_space<vmem>>
        %dma_wait3A_70 = tpu.memref_squeeze %dma_wait3A_69 : memref<1x128xi32, #tpu.memory_space<vmem>> -> memref<128xi32, #tpu.memory_space<vmem>>
        %dma_wait3A_71 = arith.constant 0 : i32
        %dma_wait3A_72 = tpu.memref_slice %arg16[%dma_wait3A_71] : memref<10240xf32, #tpu.memory_space<vmem_shared>> -> memref<10240xf32, #tpu.memory_space<vmem_shared>>
        tpu.wait_indirect_dma semaphore(%run_scoped3A : memref<!tpu.dma_semaphore, #tpu.memory_space<semaphore_mem>>) src(%arg12 : memref<128xf32, #tpu.memory_space<vmem>>) dst(%dma_wait3A_72 : memref<10240xf32, #tpu.memory_space<vmem_shared>>)
        tpu.yield
      }) : () -> ()
      %lt3A = arith.constant 19 : i32
      %lt3A_51 = arith.cmpi slt, %scan3A_32, %lt3A : i32
      %convert_element_type3A = arith.extui %lt3A_51 : i1 to i32
      %cond3A = arith.constant 0 : i32
      %cond3A_52 = arith.cmpi ne, %convert_element_type3A, %cond3A : i32
      scf.if %cond3A_52 {
        %mul3A_63 = arith.constant 2 : i32
        %mul3A_64 = arith.muli %mul3A_63, %scan3A_32 : i32
        %add3A_65 = arith.constant 2 : i32
        %add3A_66 = arith.addi %mul3A_64, %add3A_65 : i32
        %mul3A_67 = arith.constant 128 : i32
        %mul3A_68 = arith.muli %add3A_66, %mul3A_67 : i32
        %add3A_69 = arith.addi %mul3A_12, %mul3A_68 : i32
        %dma_start3A_70 = arith.constant 0 : i32
        %dma_start3A_71 = tpu.memref_slice %arg2[%add3A_69, %dma_start3A_70] : memref<163840x128xf32, #tpu.memory_space<hbm>> -> memref<128x128xf32, #tpu.memory_space<hbm>>
        %dma_start3A_72 = arith.constant 0 : i32
        %dma_start3A_73 = tpu.memref_slice %arg2[%add3A_69, %dma_start3A_72] : memref<163840x128xf32, #tpu.memory_space<hbm>> -> memref<128x128xf32, #tpu.memory_space<hbm>>
        tpu.enqueue_dma source(%dma_start3A_73 : memref<128x128xf32, #tpu.memory_space<hbm>>) target(%arg10 : memref<128x128xf32, #tpu.memory_space<vmem>>) target_semaphore(%arg13 : memref<!tpu.dma_semaphore, #tpu.memory_space<semaphore_mem>>)
      } else {
      }
      %dma_wait3A_53 = arith.constant 0 : i32
      %dma_wait3A_54 = arith.constant 0 : i32
      %dma_wait3A_55 = tpu.memref_slice %arg2[%dma_wait3A_53, %dma_wait3A_54] : memref<163840x128xf32, #tpu.memory_space<hbm>> -> memref<128x128xf32, #tpu.memory_space<hbm>>
      %dma_wait3A_56 = arith.constant 0 : i32
      %dma_wait3A_57 = arith.constant 0 : i32
      %dma_wait3A_58 = tpu.memref_slice %arg2[%dma_wait3A_56, %dma_wait3A_57] : memref<163840x128xf32, #tpu.memory_space<hbm>> -> memref<128x128xf32, #tpu.memory_space<hbm>>
      tpu.wait_dma2 semaphore(%arg14 : memref<!tpu.dma_semaphore, #tpu.memory_space<semaphore_mem>>) src(%dma_wait3A_58 : memref<128x128xf32, #tpu.memory_space<hbm>>) dst(%arg11 : memref<128x128xf32, #tpu.memory_space<vmem>>)
      %mul3A_59 = arith.constant 2 : i32
      %mul3A_60 = arith.muli %mul3A_59, %scan3A_32 : i32
      %add3A_61 = arith.constant 1 : i32
      %add3A_62 = arith.addi %mul3A_60, %add3A_61 : i32
      "tpu.region"() ({
        %run_scoped3A = tpu.sem_alloc : memref<!tpu.dma_semaphore, #tpu.memory_space<semaphore_mem>>
        %dma_start3A_63 = arith.constant 0 : i32
        %dma_start3A_64 = tpu.memref_slice %arg9[%add3A_62, %dma_start3A_63] : memref<40x128xi32, #tpu.memory_space<vmem>> -> memref<1x128xi32, #tpu.memory_space<vmem>>
        %dma_start3A_65 = tpu.memref_squeeze %dma_start3A_64 : memref<1x128xi32, #tpu.memory_space<vmem>> -> memref<128xi32, #tpu.memory_space<vmem>>
        %dma_start3A_66 = arith.constant 0 : i32
        %dma_start3A_67 = arith.constant 0 : i32
        %dma_start3A_68 = tpu.memref_slice %arg15[%dma_start3A_66, %dma_start3A_67] : memref<10240x128xf32, #tpu.memory_space<vmem_shared>> -> memref<10240x128xf32, #tpu.memory_space<vmem_shared>>
        tpu.enqueue_indirect_dma source(%arg11 : memref<128x128xf32, #tpu.memory_space<vmem>>) target(%dma_start3A_68 : memref<10240x128xf32, #tpu.memory_space<vmem_shared>>) offsets(%dma_start3A_65 : memref<128xi32, #tpu.memory_space<vmem>>) semaphore(%run_scoped3A : memref<!tpu.dma_semaphore, #tpu.memory_space<semaphore_mem>>) {add = true}
        %dma_wait3A_69 = arith.constant 0 : i32
        %dma_wait3A_70 = tpu.memref_slice %arg9[%add3A_62, %dma_wait3A_69] : memref<40x128xi32, #tpu.memory_space<vmem>> -> memref<1x128xi32, #tpu.memory_space<vmem>>
        %dma_wait3A_71 = tpu.memref_squeeze %dma_wait3A_70 : memref<1x128xi32, #tpu.memory_space<vmem>> -> memref<128xi32, #tpu.memory_space<vmem>>
        %dma_wait3A_72 = arith.constant 0 : i32
        %dma_wait3A_73 = arith.constant 0 : i32
        %dma_wait3A_74 = tpu.memref_slice %arg15[%dma_wait3A_72, %dma_wait3A_73] : memref<10240x128xf32, #tpu.memory_space<vmem_shared>> -> memref<10240x128xf32, #tpu.memory_space<vmem_shared>>
        tpu.wait_indirect_dma semaphore(%run_scoped3A : memref<!tpu.dma_semaphore, #tpu.memory_space<semaphore_mem>>) src(%arg11 : memref<128x128xf32, #tpu.memory_space<vmem>>) dst(%dma_wait3A_74 : memref<10240x128xf32, #tpu.memory_space<vmem_shared>>)
        tpu.yield
      }) : () -> ()
      "tpu.region"() ({
        %run_scoped3A = tpu.sem_alloc : memref<!tpu.dma_semaphore, #tpu.memory_space<semaphore_mem>>
        %dma_start3A_63 = arith.constant 0 : i32
        %dma_start3A_64 = tpu.memref_slice %arg9[%add3A_62, %dma_start3A_63] : memref<40x128xi32, #tpu.memory_space<vmem>> -> memref<1x128xi32, #tpu.memory_space<vmem>>
        %dma_start3A_65 = tpu.memref_squeeze %dma_start3A_64 : memref<1x128xi32, #tpu.memory_space<vmem>> -> memref<128xi32, #tpu.memory_space<vmem>>
        %dma_start3A_66 = arith.constant 0 : i32
        %dma_start3A_67 = tpu.memref_slice %arg16[%dma_start3A_66] : memref<10240xf32, #tpu.memory_space<vmem_shared>> -> memref<10240xf32, #tpu.memory_space<vmem_shared>>
        tpu.enqueue_indirect_dma source(%arg12 : memref<128xf32, #tpu.memory_space<vmem>>) target(%dma_start3A_67 : memref<10240xf32, #tpu.memory_space<vmem_shared>>) offsets(%dma_start3A_65 : memref<128xi32, #tpu.memory_space<vmem>>) semaphore(%run_scoped3A : memref<!tpu.dma_semaphore, #tpu.memory_space<semaphore_mem>>) {add = true}
        %dma_wait3A_68 = arith.constant 0 : i32
        %dma_wait3A_69 = tpu.memref_slice %arg9[%add3A_62, %dma_wait3A_68] : memref<40x128xi32, #tpu.memory_space<vmem>> -> memref<1x128xi32, #tpu.memory_space<vmem>>
        %dma_wait3A_70 = tpu.memref_squeeze %dma_wait3A_69 : memref<1x128xi32, #tpu.memory_space<vmem>> -> memref<128xi32, #tpu.memory_space<vmem>>
        %dma_wait3A_71 = arith.constant 0 : i32
        %dma_wait3A_72 = tpu.memref_slice %arg16[%dma_wait3A_71] : memref<10240xf32, #tpu.memory_space<vmem_shared>> -> memref<10240xf32, #tpu.memory_space<vmem_shared>>
        tpu.wait_indirect_dma semaphore(%run_scoped3A : memref<!tpu.dma_semaphore, #tpu.memory_space<semaphore_mem>>) src(%arg12 : memref<128xf32, #tpu.memory_space<vmem>>) dst(%dma_wait3A_72 : memref<10240xf32, #tpu.memory_space<vmem_shared>>)
        tpu.yield
      }) : () -> ()
    }
    %scan3A_22 = arith.constant 20 : i32
    %barrier3A_23 = arith.constant 0 : index
    tpu.barrier barrier_id(%barrier3A_23)
    %mul3A_24 = arith.constant 640 : i32
    %mul3A_25 = arith.muli %arg1, %mul3A_24 : i32
    %mul3A_26 = arith.constant 640 : i32
    %mul3A_27 = arith.muli %arg1, %mul3A_26 : i32
    "tpu.region"() ({
      %run_scoped3A = tpu.sem_alloc : memref<!tpu.dma_semaphore, #tpu.memory_space<semaphore_mem>>
      %dma_start3A_32 = arith.constant 0 : i32
      %dma_start3A_33 = tpu.memref_slice %arg7[%arg0, %mul3A_27, %dma_start3A_32] : memref<2x10240x128xf32, #tpu.memory_space<hbm>> -> memref<1x640x128xf32, #tpu.memory_space<hbm>>
      %dma_start3A_34 = tpu.memref_squeeze %dma_start3A_33 : memref<1x640x128xf32, #tpu.memory_space<hbm>> -> memref<640x128xf32, #tpu.memory_space<hbm>>
      %dma_start3A_35 = arith.constant 0 : i32
      %dma_start3A_36 = tpu.memref_slice %arg15[%mul3A_25, %dma_start3A_35] : memref<10240x128xf32, #tpu.memory_space<vmem_shared>> -> memref<640x128xf32, #tpu.memory_space<vmem_shared>>
      tpu.enqueue_dma source(%dma_start3A_36 : memref<640x128xf32, #tpu.memory_space<vmem_shared>>) target(%dma_start3A_34 : memref<640x128xf32, #tpu.memory_space<hbm>>) target_semaphore(%run_scoped3A : memref<!tpu.dma_semaphore, #tpu.memory_space<semaphore_mem>>)
      %dma_wait3A = arith.constant 0 : i32
      %dma_wait3A_37 = tpu.memref_slice %arg7[%arg0, %mul3A_27, %dma_wait3A] : memref<2x10240x128xf32, #tpu.memory_space<hbm>> -> memref<1x640x128xf32, #tpu.memory_space<hbm>>
      %dma_wait3A_38 = tpu.memref_squeeze %dma_wait3A_37 : memref<1x640x128xf32, #tpu.memory_space<hbm>> -> memref<640x128xf32, #tpu.memory_space<hbm>>
      %dma_wait3A_39 = arith.constant 0 : i32
      %dma_wait3A_40 = tpu.memref_slice %arg15[%mul3A_25, %dma_wait3A_39] : memref<10240x128xf32, #tpu.memory_space<vmem_shared>> -> memref<640x128xf32, #tpu.memory_space<vmem_shared>>
      tpu.wait_dma2 semaphore(%run_scoped3A : memref<!tpu.dma_semaphore, #tpu.memory_space<semaphore_mem>>) src(%dma_wait3A_40 : memref<640x128xf32, #tpu.memory_space<vmem_shared>>) dst(%dma_wait3A_38 : memref<640x128xf32, #tpu.memory_space<hbm>>)
      tpu.yield
    }) : () -> ()
    %mul3A_28 = arith.constant 640 : i32
    %mul3A_29 = arith.muli %arg1, %mul3A_28 : i32
    %mul3A_30 = arith.constant 640 : i32
    %mul3A_31 = arith.muli %arg1, %mul3A_30 : i32
    "tpu.region"() ({
      %run_scoped3A = tpu.sem_alloc : memref<!tpu.dma_semaphore, #tpu.memory_space<semaphore_mem>>
      %dma_start3A_32 = tpu.memref_slice %arg8[%arg0, %mul3A_31] : memref<2x10240xf32, #tpu.memory_space<hbm>> -> memref<1x640xf32, #tpu.memory_space<hbm>>
      %dma_start3A_33 = tpu.memref_squeeze %dma_start3A_32 : memref<1x640xf32, #tpu.memory_space<hbm>> -> memref<640xf32, #tpu.memory_space<hbm>>
      %dma_start3A_34 = tpu.memref_slice %arg16[%mul3A_29] : memref<10240xf32, #tpu.memory_space<vmem_shared>> -> memref<640xf32, #tpu.memory_space<vmem_shared>>
      tpu.enqueue_dma source(%dma_start3A_34 : memref<640xf32, #tpu.memory_space<vmem_shared>>) target(%dma_start3A_33 : memref<640xf32, #tpu.memory_space<hbm>>) target_semaphore(%run_scoped3A : memref<!tpu.dma_semaphore, #tpu.memory_space<semaphore_mem>>)
      %dma_wait3A = tpu.memref_slice %arg8[%arg0, %mul3A_31] : memref<2x10240xf32, #tpu.memory_space<hbm>> -> memref<1x640xf32, #tpu.memory_space<hbm>>
      %dma_wait3A_35 = tpu.memref_squeeze %dma_wait3A : memref<1x640xf32, #tpu.memory_space<hbm>> -> memref<640xf32, #tpu.memory_space<hbm>>
      %dma_wait3A_36 = tpu.memref_slice %arg16[%mul3A_29] : memref<10240xf32, #tpu.memory_space<vmem_shared>> -> memref<640xf32, #tpu.memory_space<vmem_shared>>
      tpu.wait_dma2 semaphore(%run_scoped3A : memref<!tpu.dma_semaphore, #tpu.memory_space<semaphore_mem>>) src(%dma_wait3A_36 : memref<640xf32, #tpu.memory_space<vmem_shared>>) dst(%dma_wait3A_35 : memref<640xf32, #tpu.memory_space<hbm>>)
      tpu.yield
    }) : () -> ()
    return
  }
}

#map = affine_map<(d0, d1) -> (0, 0)>
#map1 = affine_map<(d0, d1) -> (0)>
#map2 = affine_map<(d0, d1) -> (0, 0, 0)>
module attributes {stable_mosaic.version = 14 : i64} {
  func.func @_sc_scatter(%arg0: i32, %arg1: i32, %arg2: memref<163840x128xf32, #tpu.memory_space<hbm>>, %arg3: memref<1280x128xi32, #tpu.memory_space<hbm>>, %arg4: memref<10240x128xf32, #tpu.memory_space<hbm>>, %arg5: memref<10240xf32, #tpu.memory_space<hbm>>, %arg6: memref<128xf32, #tpu.memory_space<hbm>>, %arg7: memref<2x10240x128xf32, #tpu.memory_space<hbm>>, %arg8: memref<2x10240xf32, #tpu.memory_space<hbm>>, %arg9: memref<40x128xi32, #tpu.memory_space<vmem>>, %arg10: memref<128x128xf32, #tpu.memory_space<vmem>>, %arg11: memref<128x128xf32, #tpu.memory_space<vmem>>, %arg12: memref<128xf32, #tpu.memory_space<vmem>>, %arg13: memref<!tpu.dma_semaphore, #tpu.memory_space<semaphore_mem>>, %arg14: memref<!tpu.dma_semaphore, #tpu.memory_space<semaphore_mem>>, %arg15: memref<10240x128xf32, #tpu.memory_space<vmem_shared>>, %arg16: memref<10240xf32, #tpu.memory_space<vmem_shared>>) attributes {dimension_semantics = [#tpu.dimension_semantics<core_parallel>, #tpu.dimension_semantics<subcore_parallel>], iteration_bounds = array<i64: 2, 16>, scalar_prefetch = 0 : i64, scratch_operands = 8 : i64, tpu.core_type = #tpu.core_type<sc_vector_subcore>, window_params = [{transform_indices = #map}, {transform_indices = #map}, {transform_indices = #map}, {transform_indices = #map1}, {transform_indices = #map1}, {transform_indices = #map2}, {transform_indices = #map}]} {
    %mul3A = arith.constant 2 : i32
    %mul3A_0 = arith.muli %arg1, %mul3A : i32
    %add3A = arith.addi %mul3A_0, %arg0 : i32
    %mul3A_1 = arith.constant 640 : i32
    %mul3A_2 = arith.muli %arg1, %mul3A_1 : i32
    %mul3A_3 = arith.constant 640 : i32
    %mul3A_4 = arith.muli %arg1, %mul3A_3 : i32
    "tpu.region"() ({
      %run_scoped3A = tpu.sem_alloc : memref<!tpu.dma_semaphore, #tpu.memory_space<semaphore_mem>>
      %dma_start3A_32 = arith.constant 0 : i32
      %dma_start3A_33 = tpu.memref_slice %arg15[%mul3A_4, %dma_start3A_32] : memref<10240x128xf32, #tpu.memory_space<vmem_shared>> -> memref<640x128xf32, #tpu.memory_space<vmem_shared>>
      %dma_start3A_34 = arith.constant 0 : i32
      %dma_start3A_35 = tpu.memref_slice %arg4[%mul3A_2, %dma_start3A_34] : memref<10240x128xf32, #tpu.memory_space<hbm>> -> memref<640x128xf32, #tpu.memory_space<hbm>>
      tpu.enqueue_dma source(%dma_start3A_35 : memref<640x128xf32, #tpu.memory_space<hbm>>) target(%dma_start3A_33 : memref<640x128xf32, #tpu.memory_space<vmem_shared>>) target_semaphore(%run_scoped3A : memref<!tpu.dma_semaphore, #tpu.memory_space<semaphore_mem>>)
      %dma_wait3A = arith.constant 0 : i32
      %dma_wait3A_36 = tpu.memref_slice %arg15[%mul3A_4, %dma_wait3A] : memref<10240x128xf32, #tpu.memory_space<vmem_shared>> -> memref<640x128xf32, #tpu.memory_space<vmem_shared>>
      %dma_wait3A_37 = arith.constant 0 : i32
      %dma_wait3A_38 = tpu.memref_slice %arg4[%mul3A_2, %dma_wait3A_37] : memref<10240x128xf32, #tpu.memory_space<hbm>> -> memref<640x128xf32, #tpu.memory_space<hbm>>
      tpu.wait_dma2 semaphore(%run_scoped3A : memref<!tpu.dma_semaphore, #tpu.memory_space<semaphore_mem>>) src(%dma_wait3A_38 : memref<640x128xf32, #tpu.memory_space<hbm>>) dst(%dma_wait3A_36 : memref<640x128xf32, #tpu.memory_space<vmem_shared>>)
      tpu.yield
    }) : () -> ()
    %mul3A_5 = arith.constant 640 : i32
    %mul3A_6 = arith.muli %arg1, %mul3A_5 : i32
    %mul3A_7 = arith.constant 640 : i32
    %mul3A_8 = arith.muli %arg1, %mul3A_7 : i32
    "tpu.region"() ({
      %run_scoped3A = tpu.sem_alloc : memref<!tpu.dma_semaphore, #tpu.memory_space<semaphore_mem>>
      %dma_start3A_32 = tpu.memref_slice %arg16[%mul3A_8] : memref<10240xf32, #tpu.memory_space<vmem_shared>> -> memref<640xf32, #tpu.memory_space<vmem_shared>>
      %dma_start3A_33 = tpu.memref_slice %arg5[%mul3A_6] : memref<10240xf32, #tpu.memory_space<hbm>> -> memref<640xf32, #tpu.memory_space<hbm>>
      tpu.enqueue_dma source(%dma_start3A_33 : memref<640xf32, #tpu.memory_space<hbm>>) target(%dma_start3A_32 : memref<640xf32, #tpu.memory_space<vmem_shared>>) target_semaphore(%run_scoped3A : memref<!tpu.dma_semaphore, #tpu.memory_space<semaphore_mem>>)
      %dma_wait3A = tpu.memref_slice %arg16[%mul3A_8] : memref<10240xf32, #tpu.memory_space<vmem_shared>> -> memref<640xf32, #tpu.memory_space<vmem_shared>>
      %dma_wait3A_34 = tpu.memref_slice %arg5[%mul3A_6] : memref<10240xf32, #tpu.memory_space<hbm>> -> memref<640xf32, #tpu.memory_space<hbm>>
      tpu.wait_dma2 semaphore(%run_scoped3A : memref<!tpu.dma_semaphore, #tpu.memory_space<semaphore_mem>>) src(%dma_wait3A_34 : memref<640xf32, #tpu.memory_space<hbm>>) dst(%dma_wait3A : memref<640xf32, #tpu.memory_space<vmem_shared>>)
      tpu.yield
    }) : () -> ()
    "tpu.region"() ({
      %run_scoped3A = tpu.sem_alloc : memref<!tpu.dma_semaphore, #tpu.memory_space<semaphore_mem>>
      tpu.enqueue_dma source(%arg6 : memref<128xf32, #tpu.memory_space<hbm>>) target(%arg12 : memref<128xf32, #tpu.memory_space<vmem>>) target_semaphore(%run_scoped3A : memref<!tpu.dma_semaphore, #tpu.memory_space<semaphore_mem>>)
      tpu.wait_dma2 semaphore(%run_scoped3A : memref<!tpu.dma_semaphore, #tpu.memory_space<semaphore_mem>>) src(%arg6 : memref<128xf32, #tpu.memory_space<hbm>>) dst(%arg12 : memref<128xf32, #tpu.memory_space<vmem>>)
      tpu.yield
    }) : () -> ()
    %mul3A_9 = arith.constant 40 : i32
    %mul3A_10 = arith.muli %add3A, %mul3A_9 : i32
    "tpu.region"() ({
      %run_scoped3A = tpu.sem_alloc : memref<!tpu.dma_semaphore, #tpu.memory_space<semaphore_mem>>
      %dma_start3A_32 = arith.constant 0 : i32
      %dma_start3A_33 = tpu.memref_slice %arg3[%mul3A_10, %dma_start3A_32] : memref<1280x128xi32, #tpu.memory_space<hbm>> -> memref<40x128xi32, #tpu.memory_space<hbm>>
      %dma_start3A_34 = arith.constant 0 : i32
      %dma_start3A_35 = tpu.memref_slice %arg3[%mul3A_10, %dma_start3A_34] : memref<1280x128xi32, #tpu.memory_space<hbm>> -> memref<40x128xi32, #tpu.memory_space<hbm>>
      tpu.enqueue_dma source(%dma_start3A_35 : memref<40x128xi32, #tpu.memory_space<hbm>>) target(%arg9 : memref<40x128xi32, #tpu.memory_space<vmem>>) target_semaphore(%run_scoped3A : memref<!tpu.dma_semaphore, #tpu.memory_space<semaphore_mem>>)
      %dma_wait3A = arith.constant 0 : i32
      %dma_wait3A_36 = tpu.memref_slice %arg3[%mul3A_10, %dma_wait3A] : memref<1280x128xi32, #tpu.memory_space<hbm>> -> memref<40x128xi32, #tpu.memory_space<hbm>>
      %dma_wait3A_37 = arith.constant 0 : i32
      %dma_wait3A_38 = tpu.memref_slice %arg3[%mul3A_10, %dma_wait3A_37] : memref<1280x128xi32, #tpu.memory_space<hbm>> -> memref<40x128xi32, #tpu.memory_space<hbm>>
      tpu.wait_dma2 semaphore(%run_scoped3A : memref<!tpu.dma_semaphore, #tpu.memory_space<semaphore_mem>>) src(%dma_wait3A_38 : memref<40x128xi32, #tpu.memory_space<hbm>>) dst(%arg9 : memref<40x128xi32, #tpu.memory_space<vmem>>)
      tpu.yield
    }) : () -> ()
    %barrier3A = arith.constant 0 : index
    tpu.barrier barrier_id(%barrier3A)
    %mul3A_11 = arith.constant 5120 : i32
    %mul3A_12 = arith.muli %add3A, %mul3A_11 : i32
    %add3A_13 = arith.constant 0 : i32
    %add3A_14 = arith.addi %mul3A_12, %add3A_13 : i32
    %dma_start3A = arith.constant 0 : i32
    %dma_start3A_15 = tpu.memref_slice %arg2[%add3A_14, %dma_start3A] : memref<163840x128xf32, #tpu.memory_space<hbm>> -> memref<128x128xf32, #tpu.memory_space<hbm>>
    %dma_start3A_16 = arith.constant 0 : i32
    %dma_start3A_17 = tpu.memref_slice %arg2[%add3A_14, %dma_start3A_16] : memref<163840x128xf32, #tpu.memory_space<hbm>> -> memref<128x128xf32, #tpu.memory_space<hbm>>
    tpu.enqueue_dma source(%dma_start3A_17 : memref<128x128xf32, #tpu.memory_space<hbm>>) target(%arg10 : memref<128x128xf32, #tpu.memory_space<vmem>>) target_semaphore(%arg13 : memref<!tpu.dma_semaphore, #tpu.memory_space<semaphore_mem>>)
    %scan3A = arith.constant 0 : i32
    %scan3A_18 = arith.constant 0 : i32
    %scan3A_19 = arith.constant 20 : i32
    %scan3A_20 = arith.addi %scan3A_18, %scan3A_19 : i32
    %scan3A_21 = arith.constant 1 : i32
    scf.for %scan3A_32 = %scan3A_18 to %scan3A_20 step %scan3A_21  : i32 {
      %mul3A_33 = arith.constant 2 : i32
      %mul3A_34 = arith.muli %mul3A_33, %scan3A_32 : i32
      %add3A_35 = arith.constant 1 : i32
      %add3A_36 = arith.addi %mul3A_34, %add3A_35 : i32
      %mul3A_37 = arith.constant 128 : i32
      %mul3A_38 = arith.muli %add3A_36, %mul3A_37 : i32
      %add3A_39 = arith.addi %mul3A_12, %mul3A_38 : i32
      %dma_start3A_40 = arith.constant 0 : i32
      %dma_start3A_41 = tpu.memref_slice %arg2[%add3A_39, %dma_start3A_40] : memref<163840x128xf32, #tpu.memory_space<hbm>> -> memref<128x128xf32, #tpu.memory_space<hbm>>
      %dma_start3A_42 = arith.constant 0 : i32
      %dma_start3A_43 = tpu.memref_slice %arg2[%add3A_39, %dma_start3A_42] : memref<163840x128xf32, #tpu.memory_space<hbm>> -> memref<128x128xf32, #tpu.memory_space<hbm>>
      tpu.enqueue_dma source(%dma_start3A_43 : memref<128x128xf32, #tpu.memory_space<hbm>>) target(%arg11 : memref<128x128xf32, #tpu.memory_space<vmem>>) target_semaphore(%arg14 : memref<!tpu.dma_semaphore, #tpu.memory_space<semaphore_mem>>)
      %dma_wait3A = arith.constant 0 : i32
      %dma_wait3A_44 = arith.constant 0 : i32
      %dma_wait3A_45 = tpu.memref_slice %arg2[%dma_wait3A, %dma_wait3A_44] : memref<163840x128xf32, #tpu.memory_space<hbm>> -> memref<128x128xf32, #tpu.memory_space<hbm>>
      %dma_wait3A_46 = arith.constant 0 : i32
      %dma_wait3A_47 = arith.constant 0 : i32
      %dma_wait3A_48 = tpu.memref_slice %arg2[%dma_wait3A_46, %dma_wait3A_47] : memref<163840x128xf32, #tpu.memory_space<hbm>> -> memref<128x128xf32, #tpu.memory_space<hbm>>
      tpu.wait_dma2 semaphore(%arg13 : memref<!tpu.dma_semaphore, #tpu.memory_space<semaphore_mem>>) src(%dma_wait3A_48 : memref<128x128xf32, #tpu.memory_space<hbm>>) dst(%arg10 : memref<128x128xf32, #tpu.memory_space<vmem>>)
      %mul3A_49 = arith.constant 2 : i32
      %mul3A_50 = arith.muli %mul3A_49, %scan3A_32 : i32
      "tpu.region"() ({
        %run_scoped3A = tpu.sem_alloc : memref<!tpu.dma_semaphore, #tpu.memory_space<semaphore_mem>>
        %dma_start3A_63 = arith.constant 0 : i32
        %dma_start3A_64 = tpu.memref_slice %arg9[%mul3A_50, %dma_start3A_63] : memref<40x128xi32, #tpu.memory_space<vmem>> -> memref<1x128xi32, #tpu.memory_space<vmem>>
        %dma_start3A_65 = tpu.memref_squeeze %dma_start3A_64 : memref<1x128xi32, #tpu.memory_space<vmem>> -> memref<128xi32, #tpu.memory_space<vmem>>
        %dma_start3A_66 = arith.constant 0 : i32
        %dma_start3A_67 = arith.constant 0 : i32
        %dma_start3A_68 = tpu.memref_slice %arg15[%dma_start3A_66, %dma_start3A_67] : memref<10240x128xf32, #tpu.memory_space<vmem_shared>> -> memref<10240x128xf32, #tpu.memory_space<vmem_shared>>
        tpu.enqueue_indirect_dma source(%arg10 : memref<128x128xf32, #tpu.memory_space<vmem>>) target(%dma_start3A_68 : memref<10240x128xf32, #tpu.memory_space<vmem_shared>>) offsets(%dma_start3A_65 : memref<128xi32, #tpu.memory_space<vmem>>) semaphore(%run_scoped3A : memref<!tpu.dma_semaphore, #tpu.memory_space<semaphore_mem>>) {add = true}
        %dma_wait3A_69 = arith.constant 0 : i32
        %dma_wait3A_70 = tpu.memref_slice %arg9[%mul3A_50, %dma_wait3A_69] : memref<40x128xi32, #tpu.memory_space<vmem>> -> memref<1x128xi32, #tpu.memory_space<vmem>>
        %dma_wait3A_71 = tpu.memref_squeeze %dma_wait3A_70 : memref<1x128xi32, #tpu.memory_space<vmem>> -> memref<128xi32, #tpu.memory_space<vmem>>
        %dma_wait3A_72 = arith.constant 0 : i32
        %dma_wait3A_73 = arith.constant 0 : i32
        %dma_wait3A_74 = tpu.memref_slice %arg15[%dma_wait3A_72, %dma_wait3A_73] : memref<10240x128xf32, #tpu.memory_space<vmem_shared>> -> memref<10240x128xf32, #tpu.memory_space<vmem_shared>>
        tpu.wait_indirect_dma semaphore(%run_scoped3A : memref<!tpu.dma_semaphore, #tpu.memory_space<semaphore_mem>>) src(%arg10 : memref<128x128xf32, #tpu.memory_space<vmem>>) dst(%dma_wait3A_74 : memref<10240x128xf32, #tpu.memory_space<vmem_shared>>)
        tpu.yield
      }) : () -> ()
      "tpu.region"() ({
        %run_scoped3A = tpu.sem_alloc : memref<!tpu.dma_semaphore, #tpu.memory_space<semaphore_mem>>
        %dma_start3A_63 = arith.constant 0 : i32
        %dma_start3A_64 = tpu.memref_slice %arg9[%mul3A_50, %dma_start3A_63] : memref<40x128xi32, #tpu.memory_space<vmem>> -> memref<1x128xi32, #tpu.memory_space<vmem>>
        %dma_start3A_65 = tpu.memref_squeeze %dma_start3A_64 : memref<1x128xi32, #tpu.memory_space<vmem>> -> memref<128xi32, #tpu.memory_space<vmem>>
        %dma_start3A_66 = arith.constant 0 : i32
        %dma_start3A_67 = tpu.memref_slice %arg16[%dma_start3A_66] : memref<10240xf32, #tpu.memory_space<vmem_shared>> -> memref<10240xf32, #tpu.memory_space<vmem_shared>>
        tpu.enqueue_indirect_dma source(%arg12 : memref<128xf32, #tpu.memory_space<vmem>>) target(%dma_start3A_67 : memref<10240xf32, #tpu.memory_space<vmem_shared>>) offsets(%dma_start3A_65 : memref<128xi32, #tpu.memory_space<vmem>>) semaphore(%run_scoped3A : memref<!tpu.dma_semaphore, #tpu.memory_space<semaphore_mem>>) {add = true}
        %dma_wait3A_68 = arith.constant 0 : i32
        %dma_wait3A_69 = tpu.memref_slice %arg9[%mul3A_50, %dma_wait3A_68] : memref<40x128xi32, #tpu.memory_space<vmem>> -> memref<1x128xi32, #tpu.memory_space<vmem>>
        %dma_wait3A_70 = tpu.memref_squeeze %dma_wait3A_69 : memref<1x128xi32, #tpu.memory_space<vmem>> -> memref<128xi32, #tpu.memory_space<vmem>>
        %dma_wait3A_71 = arith.constant 0 : i32
        %dma_wait3A_72 = tpu.memref_slice %arg16[%dma_wait3A_71] : memref<10240xf32, #tpu.memory_space<vmem_shared>> -> memref<10240xf32, #tpu.memory_space<vmem_shared>>
        tpu.wait_indirect_dma semaphore(%run_scoped3A : memref<!tpu.dma_semaphore, #tpu.memory_space<semaphore_mem>>) src(%arg12 : memref<128xf32, #tpu.memory_space<vmem>>) dst(%dma_wait3A_72 : memref<10240xf32, #tpu.memory_space<vmem_shared>>)
        tpu.yield
      }) : () -> ()
      %lt3A = arith.constant 19 : i32
      %lt3A_51 = arith.cmpi slt, %scan3A_32, %lt3A : i32
      %convert_element_type3A = arith.extui %lt3A_51 : i1 to i32
      %cond3A = arith.constant 0 : i32
      %cond3A_52 = arith.cmpi ne, %convert_element_type3A, %cond3A : i32
      scf.if %cond3A_52 {
        %mul3A_63 = arith.constant 2 : i32
        %mul3A_64 = arith.muli %mul3A_63, %scan3A_32 : i32
        %add3A_65 = arith.constant 2 : i32
        %add3A_66 = arith.addi %mul3A_64, %add3A_65 : i32
        %mul3A_67 = arith.constant 128 : i32
        %mul3A_68 = arith.muli %add3A_66, %mul3A_67 : i32
        %add3A_69 = arith.addi %mul3A_12, %mul3A_68 : i32
        %dma_start3A_70 = arith.constant 0 : i32
        %dma_start3A_71 = tpu.memref_slice %arg2[%add3A_69, %dma_start3A_70] : memref<163840x128xf32, #tpu.memory_space<hbm>> -> memref<128x128xf32, #tpu.memory_space<hbm>>
        %dma_start3A_72 = arith.constant 0 : i32
        %dma_start3A_73 = tpu.memref_slice %arg2[%add3A_69, %dma_start3A_72] : memref<163840x128xf32, #tpu.memory_space<hbm>> -> memref<128x128xf32, #tpu.memory_space<hbm>>
        tpu.enqueue_dma source(%dma_start3A_73 : memref<128x128xf32, #tpu.memory_space<hbm>>) target(%arg10 : memref<128x128xf32, #tpu.memory_space<vmem>>) target_semaphore(%arg13 : memref<!tpu.dma_semaphore, #tpu.memory_space<semaphore_mem>>)
      } else {
      }
      %dma_wait3A_53 = arith.constant 0 : i32
      %dma_wait3A_54 = arith.constant 0 : i32
      %dma_wait3A_55 = tpu.memref_slice %arg2[%dma_wait3A_53, %dma_wait3A_54] : memref<163840x128xf32, #tpu.memory_space<hbm>> -> memref<128x128xf32, #tpu.memory_space<hbm>>
      %dma_wait3A_56 = arith.constant 0 : i32
      %dma_wait3A_57 = arith.constant 0 : i32
      %dma_wait3A_58 = tpu.memref_slice %arg2[%dma_wait3A_56, %dma_wait3A_57] : memref<163840x128xf32, #tpu.memory_space<hbm>> -> memref<128x128xf32, #tpu.memory_space<hbm>>
      tpu.wait_dma2 semaphore(%arg14 : memref<!tpu.dma_semaphore, #tpu.memory_space<semaphore_mem>>) src(%dma_wait3A_58 : memref<128x128xf32, #tpu.memory_space<hbm>>) dst(%arg11 : memref<128x128xf32, #tpu.memory_space<vmem>>)
      %mul3A_59 = arith.constant 2 : i32
      %mul3A_60 = arith.muli %mul3A_59, %scan3A_32 : i32
      %add3A_61 = arith.constant 1 : i32
      %add3A_62 = arith.addi %mul3A_60, %add3A_61 : i32
      "tpu.region"() ({
        %run_scoped3A = tpu.sem_alloc : memref<!tpu.dma_semaphore, #tpu.memory_space<semaphore_mem>>
        %dma_start3A_63 = arith.constant 0 : i32
        %dma_start3A_64 = tpu.memref_slice %arg9[%add3A_62, %dma_start3A_63] : memref<40x128xi32, #tpu.memory_space<vmem>> -> memref<1x128xi32, #tpu.memory_space<vmem>>
        %dma_start3A_65 = tpu.memref_squeeze %dma_start3A_64 : memref<1x128xi32, #tpu.memory_space<vmem>> -> memref<128xi32, #tpu.memory_space<vmem>>
        %dma_start3A_66 = arith.constant 0 : i32
        %dma_start3A_67 = arith.constant 0 : i32
        %dma_start3A_68 = tpu.memref_slice %arg15[%dma_start3A_66, %dma_start3A_67] : memref<10240x128xf32, #tpu.memory_space<vmem_shared>> -> memref<10240x128xf32, #tpu.memory_space<vmem_shared>>
        tpu.enqueue_indirect_dma source(%arg11 : memref<128x128xf32, #tpu.memory_space<vmem>>) target(%dma_start3A_68 : memref<10240x128xf32, #tpu.memory_space<vmem_shared>>) offsets(%dma_start3A_65 : memref<128xi32, #tpu.memory_space<vmem>>) semaphore(%run_scoped3A : memref<!tpu.dma_semaphore, #tpu.memory_space<semaphore_mem>>) {add = true}
        %dma_wait3A_69 = arith.constant 0 : i32
        %dma_wait3A_70 = tpu.memref_slice %arg9[%add3A_62, %dma_wait3A_69] : memref<40x128xi32, #tpu.memory_space<vmem>> -> memref<1x128xi32, #tpu.memory_space<vmem>>
        %dma_wait3A_71 = tpu.memref_squeeze %dma_wait3A_70 : memref<1x128xi32, #tpu.memory_space<vmem>> -> memref<128xi32, #tpu.memory_space<vmem>>
        %dma_wait3A_72 = arith.constant 0 : i32
        %dma_wait3A_73 = arith.constant 0 : i32
        %dma_wait3A_74 = tpu.memref_slice %arg15[%dma_wait3A_72, %dma_wait3A_73] : memref<10240x128xf32, #tpu.memory_space<vmem_shared>> -> memref<10240x128xf32, #tpu.memory_space<vmem_shared>>
        tpu.wait_indirect_dma semaphore(%run_scoped3A : memref<!tpu.dma_semaphore, #tpu.memory_space<semaphore_mem>>) src(%arg11 : memref<128x128xf32, #tpu.memory_space<vmem>>) dst(%dma_wait3A_74 : memref<10240x128xf32, #tpu.memory_space<vmem_shared>>)
        tpu.yield
      }) : () -> ()
      "tpu.region"() ({
        %run_scoped3A = tpu.sem_alloc : memref<!tpu.dma_semaphore, #tpu.memory_space<semaphore_mem>>
        %dma_start3A_63 = arith.constant 0 : i32
        %dma_start3A_64 = tpu.memref_slice %arg9[%add3A_62, %dma_start3A_63] : memref<40x128xi32, #tpu.memory_space<vmem>> -> memref<1x128xi32, #tpu.memory_space<vmem>>
        %dma_start3A_65 = tpu.memref_squeeze %dma_start3A_64 : memref<1x128xi32, #tpu.memory_space<vmem>> -> memref<128xi32, #tpu.memory_space<vmem>>
        %dma_start3A_66 = arith.constant 0 : i32
        %dma_start3A_67 = tpu.memref_slice %arg16[%dma_start3A_66] : memref<10240xf32, #tpu.memory_space<vmem_shared>> -> memref<10240xf32, #tpu.memory_space<vmem_shared>>
        tpu.enqueue_indirect_dma source(%arg12 : memref<128xf32, #tpu.memory_space<vmem>>) target(%dma_start3A_67 : memref<10240xf32, #tpu.memory_space<vmem_shared>>) offsets(%dma_start3A_65 : memref<128xi32, #tpu.memory_space<vmem>>) semaphore(%run_scoped3A : memref<!tpu.dma_semaphore, #tpu.memory_space<semaphore_mem>>) {add = true}
        %dma_wait3A_68 = arith.constant 0 : i32
        %dma_wait3A_69 = tpu.memref_slice %arg9[%add3A_62, %dma_wait3A_68] : memref<40x128xi32, #tpu.memory_space<vmem>> -> memref<1x128xi32, #tpu.memory_space<vmem>>
        %dma_wait3A_70 = tpu.memref_squeeze %dma_wait3A_69 : memref<1x128xi32, #tpu.memory_space<vmem>> -> memref<128xi32, #tpu.memory_space<vmem>>
        %dma_wait3A_71 = arith.constant 0 : i32
        %dma_wait3A_72 = tpu.memref_slice %arg16[%dma_wait3A_71] : memref<10240xf32, #tpu.memory_space<vmem_shared>> -> memref<10240xf32, #tpu.memory_space<vmem_shared>>
        tpu.wait_indirect_dma semaphore(%run_scoped3A : memref<!tpu.dma_semaphore, #tpu.memory_space<semaphore_mem>>) src(%arg12 : memref<128xf32, #tpu.memory_space<vmem>>) dst(%dma_wait3A_72 : memref<10240xf32, #tpu.memory_space<vmem_shared>>)
        tpu.yield
      }) : () -> ()
    }
    %scan3A_22 = arith.constant 20 : i32
    %barrier3A_23 = arith.constant 0 : index
    tpu.barrier barrier_id(%barrier3A_23)
    %mul3A_24 = arith.constant 640 : i32
    %mul3A_25 = arith.muli %arg1, %mul3A_24 : i32
    %mul3A_26 = arith.constant 640 : i32
    %mul3A_27 = arith.muli %arg1, %mul3A_26 : i32
    "tpu.region"() ({
      %run_scoped3A = tpu.sem_alloc : memref<!tpu.dma_semaphore, #tpu.memory_space<semaphore_mem>>
      %dma_start3A_32 = arith.constant 0 : i32
      %dma_start3A_33 = tpu.memref_slice %arg7[%arg0, %mul3A_27, %dma_start3A_32] : memref<2x10240x128xf32, #tpu.memory_space<hbm>> -> memref<1x640x128xf32, #tpu.memory_space<hbm>>
      %dma_start3A_34 = tpu.memref_squeeze %dma_start3A_33 : memref<1x640x128xf32, #tpu.memory_space<hbm>> -> memref<640x128xf32, #tpu.memory_space<hbm>>
      %dma_start3A_35 = arith.constant 0 : i32
      %dma_start3A_36 = tpu.memref_slice %arg15[%mul3A_25, %dma_start3A_35] : memref<10240x128xf32, #tpu.memory_space<vmem_shared>> -> memref<640x128xf32, #tpu.memory_space<vmem_shared>>
      tpu.enqueue_dma source(%dma_start3A_36 : memref<640x128xf32, #tpu.memory_space<vmem_shared>>) target(%dma_start3A_34 : memref<640x128xf32, #tpu.memory_space<hbm>>) target_semaphore(%run_scoped3A : memref<!tpu.dma_semaphore, #tpu.memory_space<semaphore_mem>>)
      %dma_wait3A = arith.constant 0 : i32
      %dma_wait3A_37 = tpu.memref_slice %arg7[%arg0, %mul3A_27, %dma_wait3A] : memref<2x10240x128xf32, #tpu.memory_space<hbm>> -> memref<1x640x128xf32, #tpu.memory_space<hbm>>
      %dma_wait3A_38 = tpu.memref_squeeze %dma_wait3A_37 : memref<1x640x128xf32, #tpu.memory_space<hbm>> -> memref<640x128xf32, #tpu.memory_space<hbm>>
      %dma_wait3A_39 = arith.constant 0 : i32
      %dma_wait3A_40 = tpu.memref_slice %arg15[%mul3A_25, %dma_wait3A_39] : memref<10240x128xf32, #tpu.memory_space<vmem_shared>> -> memref<640x128xf32, #tpu.memory_space<vmem_shared>>
      tpu.wait_dma2 semaphore(%run_scoped3A : memref<!tpu.dma_semaphore, #tpu.memory_space<semaphore_mem>>) src(%dma_wait3A_40 : memref<640x128xf32, #tpu.memory_space<vmem_shared>>) dst(%dma_wait3A_38 : memref<640x128xf32, #tpu.memory_space<hbm>>)
      tpu.yield
    }) : () -> ()
    %mul3A_28 = arith.constant 640 : i32
    %mul3A_29 = arith.muli %arg1, %mul3A_28 : i32
    %mul3A_30 = arith.constant 640 : i32
    %mul3A_31 = arith.muli %arg1, %mul3A_30 : i32
    "tpu.region"() ({
      %run_scoped3A = tpu.sem_alloc : memref<!tpu.dma_semaphore, #tpu.memory_space<semaphore_mem>>
      %dma_start3A_32 = tpu.memref_slice %arg8[%arg0, %mul3A_31] : memref<2x10240xf32, #tpu.memory_space<hbm>> -> memref<1x640xf32, #tpu.memory_space<hbm>>
      %dma_start3A_33 = tpu.memref_squeeze %dma_start3A_32 : memref<1x640xf32, #tpu.memory_space<hbm>> -> memref<640xf32, #tpu.memory_space<hbm>>
      %dma_start3A_34 = tpu.memref_slice %arg16[%mul3A_29] : memref<10240xf32, #tpu.memory_space<vmem_shared>> -> memref<640xf32, #tpu.memory_space<vmem_shared>>
      tpu.enqueue_dma source(%dma_start3A_34 : memref<640xf32, #tpu.memory_space<vmem_shared>>) target(%dma_start3A_33 : memref<640xf32, #tpu.memory_space<hbm>>) target_semaphore(%run_scoped3A : memref<!tpu.dma_semaphore, #tpu.memory_space<semaphore_mem>>)
      %dma_wait3A = tpu.memref_slice %arg8[%arg0, %mul3A_31] : memref<2x10240xf32, #tpu.memory_space<hbm>> -> memref<1x640xf32, #tpu.memory_space<hbm>>
      %dma_wait3A_35 = tpu.memref_squeeze %dma_wait3A : memref<1x640xf32, #tpu.memory_space<hbm>> -> memref<640xf32, #tpu.memory_space<hbm>>
      %dma_wait3A_36 = tpu.memref_slice %arg16[%mul3A_29] : memref<10240xf32, #tpu.memory_space<vmem_shared>> -> memref<640xf32, #tpu.memory_space<vmem_shared>>
      tpu.wait_dma2 semaphore(%run_scoped3A : memref<!tpu.dma_semaphore, #tpu.memory_space<semaphore_mem>>) src(%dma_wait3A_36 : memref<640xf32, #tpu.memory_space<vmem_shared>>) dst(%dma_wait3A_35 : memref<640xf32, #tpu.memory_space<hbm>>)
      tpu.yield
    }) : () -> ()
    return
  }
}

module attributes {stable_mosaic.version = 14 : i64} {
  func.func @_edge_mlp_body(%arg0: i32, %arg1: memref<2560x128xf32, #tpu.memory_space<vmem>>, %arg2: memref<16x2560xf32, #tpu.memory_space<vmem>>, %arg3: memref<144x128xf32, #tpu.memory_space<vmem>>, %arg4: memref<1x128xf32, #tpu.memory_space<vmem>>, %arg5: memref<128x128xf32, #tpu.memory_space<vmem>>, %arg6: memref<1x128xf32, #tpu.memory_space<vmem>>, %arg7: memref<2560x128xf32, #tpu.memory_space<vmem>>) attributes {dimension_semantics = [#tpu.dimension_semantics<arbitrary>], iteration_bounds = array<i64: 64>, scalar_prefetch = 0 : i64, scratch_operands = 0 : i64, tpu.core_type = #tpu.core_type<tc>, window_params = [{transform_indices = @transform_0, window_bounds = array<i64: 2560, 128>}, {transform_indices = @transform_1, window_bounds = array<i64: 16, 2560>}, {pipeline_mode = #tpu.pipeline_mode<synchronous>, transform_indices = @transform_2, window_bounds = array<i64: 144, 128>}, {pipeline_mode = #tpu.pipeline_mode<synchronous>, transform_indices = @transform_3, window_bounds = array<i64: 1, 128>}, {pipeline_mode = #tpu.pipeline_mode<synchronous>, transform_indices = @transform_4, window_bounds = array<i64: 128, 128>}, {pipeline_mode = #tpu.pipeline_mode<synchronous>, transform_indices = @transform_5, window_bounds = array<i64: 1, 128>}, {transform_indices = @transform_6, window_bounds = array<i64: 2560, 128>}]} {
    %get3A = arith.constant 0 : index
    %get3A_0 = arith.constant 0 : index
    %get3A_1 = vector.load %arg1[%get3A, %get3A_0] : memref<2560x128xf32, #tpu.memory_space<vmem>>, vector<2560x128xf32>
    %get3A_2 = arith.constant 0 : index
    %get3A_3 = arith.constant 0 : index
    %get3A_4 = vector.load %arg2[%get3A_2, %get3A_3] : memref<16x2560xf32, #tpu.memory_space<vmem>>, vector<16x2560xf32>
    %get3A_5 = arith.constant 0 : index
    %get3A_6 = arith.constant 0 : index
    %get3A_7 = vector.load %arg3[%get3A_5, %get3A_6] : memref<144x128xf32, #tpu.memory_space<vmem>>, vector<128x128xf32>
    %dot_general3A = arith.constant dense<0.000000e+00> : vector<2560x128xf32>
    %dot_general3A_8 = tpu.matmul %get3A_1, %get3A_7, %dot_general3A {dimension_numbers = #tpu.dot_dimension_numbers<[1], [0], [0], [1], [0, 0, 1, 1], [], []>, transpose_lhs_hint = false} : vector<2560x128xf32>, vector<128x128xf32>, vector<2560x128xf32> -> vector<2560x128xf32>
    %get3A_9 = arith.constant 128 : index
    %get3A_10 = arith.constant 0 : index
    %get3A_11 = vector.load %arg3[%get3A_9, %get3A_10] : memref<144x128xf32, #tpu.memory_space<vmem>>, vector<16x128xf32>
    %dot_general3A_12 = arith.constant dense<0.000000e+00> : vector<2560x128xf32>
    %dot_general3A_13 = tpu.matmul %get3A_4, %get3A_11, %dot_general3A_12 {dimension_numbers = #tpu.dot_dimension_numbers<[0], [0], [1], [1], [0, 1, 1, 1], [], []>, transpose_lhs_hint = false} : vector<16x2560xf32>, vector<16x128xf32>, vector<2560x128xf32> -> vector<2560x128xf32>
    %add3A = arith.addf %dot_general3A_8, %dot_general3A_13 : vector<2560x128xf32>
    %get3A_14 = arith.constant 0 : index
    %get3A_15 = arith.constant 0 : index
    %get3A_16 = vector.load %arg4[%get3A_14, %get3A_15] : memref<1x128xf32, #tpu.memory_space<vmem>>, vector<1x128xf32>
    %add3A_17 = vector.broadcast %get3A_16 : vector<1x128xf32> to vector<2560x128xf32>
    %add3A_18 = arith.addf %add3A, %add3A_17 : vector<2560x128xf32>
    %max3A = arith.constant 0.000000e+00 : f32
    %max3A_19 = vector.broadcast %max3A : f32 to vector<2560x128xf32>
    %max3A_20 = arith.maximumf %add3A_18, %max3A_19 : vector<2560x128xf32>
    %get3A_21 = arith.constant 0 : index
    %get3A_22 = arith.constant 0 : index
    %get3A_23 = vector.load %arg5[%get3A_21, %get3A_22] : memref<128x128xf32, #tpu.memory_space<vmem>>, vector<128x128xf32>
    %dot_general3A_24 = arith.constant dense<0.000000e+00> : vector<2560x128xf32>
    %dot_general3A_25 = tpu.matmul %max3A_20, %get3A_23, %dot_general3A_24 {dimension_numbers = #tpu.dot_dimension_numbers<[1], [0], [0], [1], [0, 0, 1, 1], [], []>, transpose_lhs_hint = false} : vector<2560x128xf32>, vector<128x128xf32>, vector<2560x128xf32> -> vector<2560x128xf32>
    %get3A_26 = arith.constant 0 : index
    %get3A_27 = arith.constant 0 : index
    %get3A_28 = vector.load %arg6[%get3A_26, %get3A_27] : memref<1x128xf32, #tpu.memory_space<vmem>>, vector<1x128xf32>
    %add3A_29 = vector.broadcast %get3A_28 : vector<1x128xf32> to vector<2560x128xf32>
    %add3A_30 = arith.addf %dot_general3A_25, %add3A_29 : vector<2560x128xf32>
    %max3A_31 = arith.constant 0.000000e+00 : f32
    %max3A_32 = vector.broadcast %max3A_31 : f32 to vector<2560x128xf32>
    %max3A_33 = arith.maximumf %add3A_30, %max3A_32 : vector<2560x128xf32>
    %swap3A = arith.constant 0 : index
    %swap3A_34 = arith.constant 0 : index
    %swap3A_35 = vector.load %arg7[%swap3A, %swap3A_34] : memref<2560x128xf32, #tpu.memory_space<vmem>>, vector<2560x128xf32>
    tpu.vector_store %arg7[%swap3A, %swap3A_34], %max3A_33 {strides = array<i32>} : memref<2560x128xf32, #tpu.memory_space<vmem>>, vector<2560x128xf32>,
    return
  }
  func.func @transform_0(%arg0: i32) -> (i32, i32) {
    %c0_i32 = arith.constant 0 : i32
    %c0_i32_0 = arith.constant 0 : i32
    return %arg0, %c0_i32 : i32, i32
  }
  func.func @transform_1(%arg0: i32) -> (i32, i32) {
    %add3A = arith.constant 0 : i32
    %add3A_0 = arith.addi %arg0, %add3A : i32
    %c0_i32 = arith.constant 0 : i32
    %c0_i32_1 = arith.constant 0 : i32
    return %c0_i32, %add3A_0 : i32, i32
  }
  func.func @transform_2(%arg0: i32) -> (i32, i32) {
    %c0_i32 = arith.constant 0 : i32
    %c0_i32_0 = arith.constant 0 : i32
    %c0_i32_1 = arith.constant 0 : i32
    return %c0_i32, %c0_i32_0 : i32, i32
  }
  func.func @transform_3(%arg0: i32) -> (i32, i32) {
    %c0_i32 = arith.constant 0 : i32
    %c0_i32_0 = arith.constant 0 : i32
    %c0_i32_1 = arith.constant 0 : i32
    return %c0_i32, %c0_i32_0 : i32, i32
  }
  func.func @transform_4(%arg0: i32) -> (i32, i32) {
    %c0_i32 = arith.constant 0 : i32
    %c0_i32_0 = arith.constant 0 : i32
    %c0_i32_1 = arith.constant 0 : i32
    return %c0_i32, %c0_i32_0 : i32, i32
  }
  func.func @transform_5(%arg0: i32) -> (i32, i32) {
    %c0_i32 = arith.constant 0 : i32
    %c0_i32_0 = arith.constant 0 : i32
    %c0_i32_1 = arith.constant 0 : i32
    return %c0_i32, %c0_i32_0 : i32, i32
  }
  func.func @transform_6(%arg0: i32) -> (i32, i32) {
    %c0_i32 = arith.constant 0 : i32
    %c0_i32_0 = arith.constant 0 : i32
    return %arg0, %c0_i32 : i32, i32
  }
}

module attributes {stable_mosaic.version = 14 : i64} {
  func.func @_edge_mlp_body(%arg0: i32, %arg1: memref<2560x128xf32, #tpu.memory_space<vmem>>, %arg2: memref<16x2560xf32, #tpu.memory_space<vmem>>, %arg3: memref<144x128xf32, #tpu.memory_space<vmem>>, %arg4: memref<1x128xf32, #tpu.memory_space<vmem>>, %arg5: memref<128x128xf32, #tpu.memory_space<vmem>>, %arg6: memref<1x128xf32, #tpu.memory_space<vmem>>, %arg7: memref<2560x128xf32, #tpu.memory_space<vmem>>) attributes {dimension_semantics = [#tpu.dimension_semantics<arbitrary>], iteration_bounds = array<i64: 61>, scalar_prefetch = 0 : i64, scratch_operands = 0 : i64, tpu.core_type = #tpu.core_type<tc>, window_params = [{transform_indices = @transform_0, window_bounds = array<i64: 2560, 128>}, {transform_indices = @transform_1, window_bounds = array<i64: 16, 2560>}, {pipeline_mode = #tpu.pipeline_mode<synchronous>, transform_indices = @transform_2, window_bounds = array<i64: 144, 128>}, {pipeline_mode = #tpu.pipeline_mode<synchronous>, transform_indices = @transform_3, window_bounds = array<i64: 1, 128>}, {pipeline_mode = #tpu.pipeline_mode<synchronous>, transform_indices = @transform_4, window_bounds = array<i64: 128, 128>}, {pipeline_mode = #tpu.pipeline_mode<synchronous>, transform_indices = @transform_5, window_bounds = array<i64: 1, 128>}, {transform_indices = @transform_6, window_bounds = array<i64: 2560, 128>}]} {
    %get3A = arith.constant 0 : index
    %get3A_0 = arith.constant 0 : index
    %get3A_1 = vector.load %arg1[%get3A, %get3A_0] : memref<2560x128xf32, #tpu.memory_space<vmem>>, vector<2560x128xf32>
    %get3A_2 = arith.constant 0 : index
    %get3A_3 = arith.constant 0 : index
    %get3A_4 = vector.load %arg2[%get3A_2, %get3A_3] : memref<16x2560xf32, #tpu.memory_space<vmem>>, vector<16x2560xf32>
    %get3A_5 = arith.constant 0 : index
    %get3A_6 = arith.constant 0 : index
    %get3A_7 = vector.load %arg3[%get3A_5, %get3A_6] : memref<144x128xf32, #tpu.memory_space<vmem>>, vector<128x128xf32>
    %dot_general3A = arith.constant dense<0.000000e+00> : vector<2560x128xf32>
    %dot_general3A_8 = tpu.matmul %get3A_1, %get3A_7, %dot_general3A {dimension_numbers = #tpu.dot_dimension_numbers<[1], [0], [0], [1], [0, 0, 1, 1], [], []>, transpose_lhs_hint = false} : vector<2560x128xf32>, vector<128x128xf32>, vector<2560x128xf32> -> vector<2560x128xf32>
    %get3A_9 = arith.constant 128 : index
    %get3A_10 = arith.constant 0 : index
    %get3A_11 = vector.load %arg3[%get3A_9, %get3A_10] : memref<144x128xf32, #tpu.memory_space<vmem>>, vector<16x128xf32>
    %dot_general3A_12 = arith.constant dense<0.000000e+00> : vector<2560x128xf32>
    %dot_general3A_13 = tpu.matmul %get3A_4, %get3A_11, %dot_general3A_12 {dimension_numbers = #tpu.dot_dimension_numbers<[0], [0], [1], [1], [0, 1, 1, 1], [], []>, transpose_lhs_hint = false} : vector<16x2560xf32>, vector<16x128xf32>, vector<2560x128xf32> -> vector<2560x128xf32>
    %add3A = arith.addf %dot_general3A_8, %dot_general3A_13 : vector<2560x128xf32>
    %get3A_14 = arith.constant 0 : index
    %get3A_15 = arith.constant 0 : index
    %get3A_16 = vector.load %arg4[%get3A_14, %get3A_15] : memref<1x128xf32, #tpu.memory_space<vmem>>, vector<1x128xf32>
    %add3A_17 = vector.broadcast %get3A_16 : vector<1x128xf32> to vector<2560x128xf32>
    %add3A_18 = arith.addf %add3A, %add3A_17 : vector<2560x128xf32>
    %max3A = arith.constant 0.000000e+00 : f32
    %max3A_19 = vector.broadcast %max3A : f32 to vector<2560x128xf32>
    %max3A_20 = arith.maximumf %add3A_18, %max3A_19 : vector<2560x128xf32>
    %get3A_21 = arith.constant 0 : index
    %get3A_22 = arith.constant 0 : index
    %get3A_23 = vector.load %arg5[%get3A_21, %get3A_22] : memref<128x128xf32, #tpu.memory_space<vmem>>, vector<128x128xf32>
    %dot_general3A_24 = arith.constant dense<0.000000e+00> : vector<2560x128xf32>
    %dot_general3A_25 = tpu.matmul %max3A_20, %get3A_23, %dot_general3A_24 {dimension_numbers = #tpu.dot_dimension_numbers<[1], [0], [0], [1], [0, 0, 1, 1], [], []>, transpose_lhs_hint = false} : vector<2560x128xf32>, vector<128x128xf32>, vector<2560x128xf32> -> vector<2560x128xf32>
    %get3A_26 = arith.constant 0 : index
    %get3A_27 = arith.constant 0 : index
    %get3A_28 = vector.load %arg6[%get3A_26, %get3A_27] : memref<1x128xf32, #tpu.memory_space<vmem>>, vector<1x128xf32>
    %add3A_29 = vector.broadcast %get3A_28 : vector<1x128xf32> to vector<2560x128xf32>
    %add3A_30 = arith.addf %dot_general3A_25, %add3A_29 : vector<2560x128xf32>
    %max3A_31 = arith.constant 0.000000e+00 : f32
    %max3A_32 = vector.broadcast %max3A_31 : f32 to vector<2560x128xf32>
    %max3A_33 = arith.maximumf %add3A_30, %max3A_32 : vector<2560x128xf32>
    %swap3A = arith.constant 0 : index
    %swap3A_34 = arith.constant 0 : index
    %swap3A_35 = vector.load %arg7[%swap3A, %swap3A_34] : memref<2560x128xf32, #tpu.memory_space<vmem>>, vector<2560x128xf32>
    tpu.vector_store %arg7[%swap3A, %swap3A_34], %max3A_33 {strides = array<i32>} : memref<2560x128xf32, #tpu.memory_space<vmem>>, vector<2560x128xf32>,
    return
  }
  func.func @transform_0(%arg0: i32) -> (i32, i32) {
    %c0_i32 = arith.constant 0 : i32
    %c0_i32_0 = arith.constant 0 : i32
    return %arg0, %c0_i32 : i32, i32
  }
  func.func @transform_1(%arg0: i32) -> (i32, i32) {
    %add3A = arith.constant 64 : i32
    %add3A_0 = arith.addi %arg0, %add3A : i32
    %c0_i32 = arith.constant 0 : i32
    %c0_i32_1 = arith.constant 0 : i32
    return %c0_i32, %add3A_0 : i32, i32
  }
  func.func @transform_2(%arg0: i32) -> (i32, i32) {
    %c0_i32 = arith.constant 0 : i32
    %c0_i32_0 = arith.constant 0 : i32
    %c0_i32_1 = arith.constant 0 : i32
    return %c0_i32, %c0_i32_0 : i32, i32
  }
  func.func @transform_3(%arg0: i32) -> (i32, i32) {
    %c0_i32 = arith.constant 0 : i32
    %c0_i32_0 = arith.constant 0 : i32
    %c0_i32_1 = arith.constant 0 : i32
    return %c0_i32, %c0_i32_0 : i32, i32
  }
  func.func @transform_4(%arg0: i32) -> (i32, i32) {
    %c0_i32 = arith.constant 0 : i32
    %c0_i32_0 = arith.constant 0 : i32
    %c0_i32_1 = arith.constant 0 : i32
    return %c0_i32, %c0_i32_0 : i32, i32
  }
  func.func @transform_5(%arg0: i32) -> (i32, i32) {
    %c0_i32 = arith.constant 0 : i32
    %c0_i32_0 = arith.constant 0 : i32
    %c0_i32_1 = arith.constant 0 : i32
    return %c0_i32, %c0_i32_0 : i32, i32
  }
  func.func @transform_6(%arg0: i32) -> (i32, i32) {
    %c0_i32 = arith.constant 0 : i32
    %c0_i32_0 = arith.constant 0 : i32
    return %arg0, %c0_i32 : i32, i32
  }
}

module attributes {stable_mosaic.version = 14 : i64} {
  func.func @_node_mlp_body(%arg0: i32, %arg1: memref<2000x128xf32, #tpu.memory_space<vmem>>, %arg2: memref<2x2000x128xf32, #tpu.memory_space<vmem>>, %arg3: memref<2x2000x128xf32, #tpu.memory_space<vmem>>, %arg4: memref<2x2000x1xf32, #tpu.memory_space<vmem>>, %arg5: memref<2x2000x1xf32, #tpu.memory_space<vmem>>, %arg6: memref<2000x1xi32, #tpu.memory_space<vmem>>, %arg7: memref<16x64xf32, #tpu.memory_space<vmem>>, %arg8: memref<320x128xf32, #tpu.memory_space<vmem>>, %arg9: memref<1x128xf32, #tpu.memory_space<vmem>>, %arg10: memref<128x128xf32, #tpu.memory_space<vmem>>, %arg11: memref<1x128xf32, #tpu.memory_space<vmem>>, %arg12: memref<2000x128xf32, #tpu.memory_space<vmem>>) attributes {dimension_semantics = [#tpu.dimension_semantics<arbitrary>], iteration_bounds = array<i64: 5>, scalar_prefetch = 0 : i64, scratch_operands = 0 : i64, tpu.core_type = #tpu.core_type<tc>, window_params = [{transform_indices = @transform_0, window_bounds = array<i64: 2000, 128>}, {transform_indices = @transform_1, window_bounds = array<i64: 2, 2000, 128>}, {transform_indices = @transform_2, window_bounds = array<i64: 2, 2000, 128>}, {transform_indices = @transform_3, window_bounds = array<i64: 2, 2000, 1>}, {transform_indices = @transform_4, window_bounds = array<i64: 2, 2000, 1>}, {transform_indices = @transform_5, window_bounds = array<i64: 2000, 1>}, {pipeline_mode = #tpu.pipeline_mode<synchronous>, transform_indices = @transform_6, window_bounds = array<i64: 16, 64>}, {pipeline_mode = #tpu.pipeline_mode<synchronous>, transform_indices = @transform_7, window_bounds = array<i64: 320, 128>}, {pipeline_mode = #tpu.pipeline_mode<synchronous>, transform_indices = @transform_8, window_bounds = array<i64: 1, 128>}, {pipeline_mode = #tpu.pipeline_mode<synchronous>, transform_indices = @transform_9, window_bounds = array<i64: 128, 128>}, {pipeline_mode = #tpu.pipeline_mode<synchronous>, transform_indices = @transform_10, window_bounds = array<i64: 1, 128>}, {transform_indices = @transform_11, window_bounds = array<i64: 2000, 128>}]} {
    %get3A = arith.constant 0 : index
    %get3A_0 = arith.constant 0 : index
    %get3A_1 = vector.load %arg1[%get3A, %get3A_0] : memref<2000x128xf32, #tpu.memory_space<vmem>>, vector<2000x128xf32>
    %get3A_2 = arith.constant 0 : index
    %get3A_3 = arith.constant 0 : index
    %get3A_4 = arith.constant 0 : index
    %get3A_5 = vector.load %arg2[%get3A_2, %get3A_3, %get3A_4] : memref<2x2000x128xf32, #tpu.memory_space<vmem>>, vector<1x2000x128xf32>
    %get3A_6 = vector.shape_cast %get3A_5 : vector<1x2000x128xf32> to vector<2000x128xf32>
    %get3A_7 = arith.constant 1 : index
    %get3A_8 = arith.constant 0 : index
    %get3A_9 = arith.constant 0 : index
    %get3A_10 = vector.load %arg2[%get3A_7, %get3A_8, %get3A_9] : memref<2x2000x128xf32, #tpu.memory_space<vmem>>, vector<1x2000x128xf32>
    %get3A_11 = vector.shape_cast %get3A_10 : vector<1x2000x128xf32> to vector<2000x128xf32>
    %add3A = arith.addf %get3A_6, %get3A_11 : vector<2000x128xf32>
    %get3A_12 = arith.constant 0 : index
    %get3A_13 = arith.constant 0 : index
    %get3A_14 = arith.constant 0 : index
    %get3A_15 = vector.load %arg3[%get3A_12, %get3A_13, %get3A_14] : memref<2x2000x128xf32, #tpu.memory_space<vmem>>, vector<1x2000x128xf32>
    %get3A_16 = vector.shape_cast %get3A_15 : vector<1x2000x128xf32> to vector<2000x128xf32>
    %get3A_17 = arith.constant 1 : index
    %get3A_18 = arith.constant 0 : index
    %get3A_19 = arith.constant 0 : index
    %get3A_20 = vector.load %arg3[%get3A_17, %get3A_18, %get3A_19] : memref<2x2000x128xf32, #tpu.memory_space<vmem>>, vector<1x2000x128xf32>
    %get3A_21 = vector.shape_cast %get3A_20 : vector<1x2000x128xf32> to vector<2000x128xf32>
    %add3A_22 = arith.addf %get3A_16, %get3A_21 : vector<2000x128xf32>
    %add3A_23 = arith.addf %add3A, %add3A_22 : vector<2000x128xf32>
    %get3A_24 = arith.constant 0 : index
    %get3A_25 = arith.constant 0 : index
    %get3A_26 = arith.constant 0 : index
    %get3A_27 = vector.load %arg4[%get3A_24, %get3A_25, %get3A_26] : memref<2x2000x1xf32, #tpu.memory_space<vmem>>, vector<1x2000x1xf32>
    %get3A_28 = vector.shape_cast %get3A_27 : vector<1x2000x1xf32> to vector<2000x1xf32>
    %get3A_29 = arith.constant 1 : index
    %get3A_30 = arith.constant 0 : index
    %get3A_31 = arith.constant 0 : index
    %get3A_32 = vector.load %arg4[%get3A_29, %get3A_30, %get3A_31] : memref<2x2000x1xf32, #tpu.memory_space<vmem>>, vector<1x2000x1xf32>
    %get3A_33 = vector.shape_cast %get3A_32 : vector<1x2000x1xf32> to vector<2000x1xf32>
    %add3A_34 = arith.addf %get3A_28, %get3A_33 : vector<2000x1xf32>
    %get3A_35 = arith.constant 0 : index
    %get3A_36 = arith.constant 0 : index
    %get3A_37 = arith.constant 0 : index
    %get3A_38 = vector.load %arg5[%get3A_35, %get3A_36, %get3A_37] : memref<2x2000x1xf32, #tpu.memory_space<vmem>>, vector<1x2000x1xf32>
    %get3A_39 = vector.shape_cast %get3A_38 : vector<1x2000x1xf32> to vector<2000x1xf32>
    %get3A_40 = arith.constant 1 : index
    %get3A_41 = arith.constant 0 : index
    %get3A_42 = arith.constant 0 : index
    %get3A_43 = vector.load %arg5[%get3A_40, %get3A_41, %get3A_42] : memref<2x2000x1xf32, #tpu.memory_space<vmem>>, vector<1x2000x1xf32>
    %get3A_44 = vector.shape_cast %get3A_43 : vector<1x2000x1xf32> to vector<2000x1xf32>
    %add3A_45 = arith.addf %get3A_39, %get3A_44 : vector<2000x1xf32>
    %add3A_46 = arith.addf %add3A_34, %add3A_45 : vector<2000x1xf32>
    %max3A = arith.constant 1.000000e+00 : f32
    %max3A_47 = vector.broadcast %max3A : f32 to vector<2000x1xf32>
    %max3A_48 = arith.maximumf %add3A_46, %max3A_47 : vector<2000x1xf32>
    %div3A = vector.broadcast %max3A_48 : vector<2000x1xf32> to vector<2000x128xf32>
    %div3A_49 = arith.divf %add3A_23, %div3A : vector<2000x128xf32>
    %get3A_50 = arith.constant 0 : index
    %get3A_51 = arith.constant 0 : index
    %get3A_52 = vector.load %arg6[%get3A_50, %get3A_51] : memref<2000x1xi32, #tpu.memory_space<vmem>>, vector<2000x1xi32>
    %iota3A = tpu.iota {dimensions = array<i32: 1>} : vector<1x16xi32>
    %eq3A = vector.broadcast %get3A_52 : vector<2000x1xi32> to vector<2000x16xi32>
    %eq3A_53 = vector.broadcast %iota3A : vector<1x16xi32> to vector<2000x16xi32>
    %eq3A_54 = arith.cmpi eq, %eq3A, %eq3A_53 : vector<2000x16xi32>
    %convert_element_type3A = arith.extui %eq3A_54 : vector<2000x16xi1> to vector<2000x16xi32>
    %convert_element_type3A_55 = arith.sitofp %convert_element_type3A : vector<2000x16xi32> to vector<2000x16xf32>
    %get3A_56 = arith.constant 0 : index
    %get3A_57 = arith.constant 0 : index
    %get3A_58 = vector.load %arg7[%get3A_56, %get3A_57] : memref<16x64xf32, #tpu.memory_space<vmem>>, vector<16x64xf32>
    %dot_general3A = arith.constant dense<0.000000e+00> : vector<2000x64xf32>
    %dot_general3A_59 = tpu.matmul %convert_element_type3A_55, %get3A_58, %dot_general3A {dimension_numbers = #tpu.dot_dimension_numbers<[1], [0], [0], [1], [0, 0, 1, 1], [], []>, transpose_lhs_hint = false} : vector<2000x16xf32>, vector<16x64xf32>, vector<2000x64xf32> -> vector<2000x64xf32>
    %get3A_60 = arith.constant 0 : index
    %get3A_61 = arith.constant 0 : index
    %get3A_62 = vector.load %arg8[%get3A_60, %get3A_61] : memref<320x128xf32, #tpu.memory_space<vmem>>, vector<128x128xf32>
    %dot_general3A_63 = arith.constant dense<0.000000e+00> : vector<2000x128xf32>
    %dot_general3A_64 = tpu.matmul %get3A_1, %get3A_62, %dot_general3A_63 {dimension_numbers = #tpu.dot_dimension_numbers<[1], [0], [0], [1], [0, 0, 1, 1], [], []>, transpose_lhs_hint = false} : vector<2000x128xf32>, vector<128x128xf32>, vector<2000x128xf32> -> vector<2000x128xf32>
    %get3A_65 = arith.constant 128 : index
    %get3A_66 = arith.constant 0 : index
    %get3A_67 = vector.load %arg8[%get3A_65, %get3A_66] : memref<320x128xf32, #tpu.memory_space<vmem>>, vector<128x128xf32>
    %dot_general3A_68 = arith.constant dense<0.000000e+00> : vector<2000x128xf32>
    %dot_general3A_69 = tpu.matmul %div3A_49, %get3A_67, %dot_general3A_68 {dimension_numbers = #tpu.dot_dimension_numbers<[1], [0], [0], [1], [0, 0, 1, 1], [], []>, transpose_lhs_hint = false} : vector<2000x128xf32>, vector<128x128xf32>, vector<2000x128xf32> -> vector<2000x128xf32>
    %add3A_70 = arith.addf %dot_general3A_64, %dot_general3A_69 : vector<2000x128xf32>
    %get3A_71 = arith.constant 256 : index
    %get3A_72 = arith.constant 0 : index
    %get3A_73 = vector.load %arg8[%get3A_71, %get3A_72] : memref<320x128xf32, #tpu.memory_space<vmem>>, vector<64x128xf32>
    %dot_general3A_74 = arith.constant dense<0.000000e+00> : vector<2000x128xf32>
    %dot_general3A_75 = tpu.matmul %dot_general3A_59, %get3A_73, %dot_general3A_74 {dimension_numbers = #tpu.dot_dimension_numbers<[1], [0], [0], [1], [0, 0, 1, 1], [], []>, transpose_lhs_hint = false} : vector<2000x64xf32>, vector<64x128xf32>, vector<2000x128xf32> -> vector<2000x128xf32>
    %add3A_76 = arith.addf %add3A_70, %dot_general3A_75 : vector<2000x128xf32>
    %get3A_77 = arith.constant 0 : index
    %get3A_78 = arith.constant 0 : index
    %get3A_79 = vector.load %arg9[%get3A_77, %get3A_78] : memref<1x128xf32, #tpu.memory_space<vmem>>, vector<1x128xf32>
    %add3A_80 = vector.broadcast %get3A_79 : vector<1x128xf32> to vector<2000x128xf32>
    %add3A_81 = arith.addf %add3A_76, %add3A_80 : vector<2000x128xf32>
    %max3A_82 = arith.constant 0.000000e+00 : f32
    %max3A_83 = vector.broadcast %max3A_82 : f32 to vector<2000x128xf32>
    %max3A_84 = arith.maximumf %add3A_81, %max3A_83 : vector<2000x128xf32>
    %get3A_85 = arith.constant 0 : index
    %get3A_86 = arith.constant 0 : index
    %get3A_87 = vector.load %arg10[%get3A_85, %get3A_86] : memref<128x128xf32, #tpu.memory_space<vmem>>, vector<128x128xf32>
    %dot_general3A_88 = arith.constant dense<0.000000e+00> : vector<2000x128xf32>
    %dot_general3A_89 = tpu.matmul %max3A_84, %get3A_87, %dot_general3A_88 {dimension_numbers = #tpu.dot_dimension_numbers<[1], [0], [0], [1], [0, 0, 1, 1], [], []>, transpose_lhs_hint = false} : vector<2000x128xf32>, vector<128x128xf32>, vector<2000x128xf32> -> vector<2000x128xf32>
    %get3A_90 = arith.constant 0 : index
    %get3A_91 = arith.constant 0 : index
    %get3A_92 = vector.load %arg11[%get3A_90, %get3A_91] : memref<1x128xf32, #tpu.memory_space<vmem>>, vector<1x128xf32>
    %add3A_93 = vector.broadcast %get3A_92 : vector<1x128xf32> to vector<2000x128xf32>
    %add3A_94 = arith.addf %dot_general3A_89, %add3A_93 : vector<2000x128xf32>
    %swap3A = arith.constant 0 : index
    %swap3A_95 = arith.constant 0 : index
    %swap3A_96 = vector.load %arg12[%swap3A, %swap3A_95] : memref<2000x128xf32, #tpu.memory_space<vmem>>, vector<2000x128xf32>
    tpu.vector_store %arg12[%swap3A, %swap3A_95], %add3A_94 {strides = array<i32>} : memref<2000x128xf32, #tpu.memory_space<vmem>>, vector<2000x128xf32>,
    return
  }
  func.func @transform_0(%arg0: i32) -> (i32, i32) {
    %c0_i32 = arith.constant 0 : i32
    %c0_i32_0 = arith.constant 0 : i32
    return %arg0, %c0_i32 : i32, i32
  }
  func.func @transform_1(%arg0: i32) -> (i32, i32, i32) {
    %c0_i32 = arith.constant 0 : i32
    %c0_i32_0 = arith.constant 0 : i32
    %c0_i32_1 = arith.constant 0 : i32
    return %c0_i32, %arg0, %c0_i32_0 : i32, i32, i32
  }
  func.func @transform_2(%arg0: i32) -> (i32, i32, i32) {
    %c0_i32 = arith.constant 0 : i32
    %c0_i32_0 = arith.constant 0 : i32
    %c0_i32_1 = arith.constant 0 : i32
    return %c0_i32, %arg0, %c0_i32_0 : i32, i32, i32
  }
  func.func @transform_3(%arg0: i32) -> (i32, i32, i32) {
    %c0_i32 = arith.constant 0 : i32
    %c0_i32_0 = arith.constant 0 : i32
    %c0_i32_1 = arith.constant 0 : i32
    return %c0_i32, %arg0, %c0_i32_0 : i32, i32, i32
  }
  func.func @transform_4(%arg0: i32) -> (i32, i32, i32) {
    %c0_i32 = arith.constant 0 : i32
    %c0_i32_0 = arith.constant 0 : i32
    %c0_i32_1 = arith.constant 0 : i32
    return %c0_i32, %arg0, %c0_i32_0 : i32, i32, i32
  }
  func.func @transform_5(%arg0: i32) -> (i32, i32) {
    %c0_i32 = arith.constant 0 : i32
    %c0_i32_0 = arith.constant 0 : i32
    return %arg0, %c0_i32 : i32, i32
  }
  func.func @transform_6(%arg0: i32) -> (i32, i32) {
    %c0_i32 = arith.constant 0 : i32
    %c0_i32_0 = arith.constant 0 : i32
    %c0_i32_1 = arith.constant 0 : i32
    return %c0_i32, %c0_i32_0 : i32, i32
  }
  func.func @transform_7(%arg0: i32) -> (i32, i32) {
    %c0_i32 = arith.constant 0 : i32
    %c0_i32_0 = arith.constant 0 : i32
    %c0_i32_1 = arith.constant 0 : i32
    return %c0_i32, %c0_i32_0 : i32, i32
  }
  func.func @transform_8(%arg0: i32) -> (i32, i32) {
    %c0_i32 = arith.constant 0 : i32
    %c0_i32_0 = arith.constant 0 : i32
    %c0_i32_1 = arith.constant 0 : i32
    return %c0_i32, %c0_i32_0 : i32, i32
  }
  func.func @transform_9(%arg0: i32) -> (i32, i32) {
    %c0_i32 = arith.constant 0 : i32
    %c0_i32_0 = arith.constant 0 : i32
    %c0_i32_1 = arith.constant 0 : i32
    return %c0_i32, %c0_i32_0 : i32, i32
  }
  func.func @transform_10(%arg0: i32) -> (i32, i32) {
    %c0_i32 = arith.constant 0 : i32
    %c0_i32_0 = arith.constant 0 : i32
    %c0_i32_1 = arith.constant 0 : i32
    return %c0_i32, %c0_i32_0 : i32, i32
  }
  func.func @transform_11(%arg0: i32) -> (i32, i32) {
    %c0_i32 = arith.constant 0 : i32
    %c0_i32_0 = arith.constant 0 : i32
    return %arg0, %c0_i32 : i32, i32
  }
}

</mosaic_0001>

<sc_bundles>
// kernel: kernel.12.cloned.1.call-start
scs
__scs_entry_jumppad:
0x0: {  	(pc) =	sbr.rel $0x88, $3  }
0x1: {  	(tag) =	ssettag $0x0;
	lr =	simm.s32 $0x1  }
0x2: {  	[smem:$0x3F94] =	sst lr;
	_ =	strace $0xD0000000  }
0x3: {  	_ = 	snop  }
0x4: {  	_ = 	snop  }
0x5: {  	_ = 	snop  }
0x6: {  	_ = 	snop  }
0x7: {  	_ = 	snop  }
__scs_overlays_trampoline_lowered:
0x8: {  	[smem:$0x3FA3] =	sst s0  }
0x9: {  	[smem:$0x3FA4] =	sst s1  }
0xa: {  	[smem:$0x3FA5] =	sst s2  }
0xb: {  	[smem:$0x3FA6] =	sst s3  }
0xc: {  	[smem:$0x3FA7] =	sst s4  }
0xd: {  	[smem:$0x3FA8] =	sst s5  }
0xe: {  	[smem:$0x3FA9] =	sst s6  }
0xf: {  	[smem:$0x3FAA] =	sst s7  }
0x10: {  	[smem:$0x3FAB] =	sst s8  }
0x11: {  	[smem:$0x3FAC] =	sst s9;
	s0 =	simm.s32 @!p0 $0x0  }
0x12: {  	s1 =	sld [smem:$0x3F92];
	s0 =	simm.s32 @p0 $0x1  }
0x13: {  	[smem:$0x3FAD] =	sst s0;
	s0 =	simm.s32 @!p1 $0x0  }
0x14: {  	s2 =	sld [smem:$0x3F91];
	s0 =	simm.s32 @p1 $0x1  }
0x15: {  	[smem:$0x3FAE] =	sst s0;
	s0 =	simm.s32 @!p2 $0x0  }
0x16: {  	s3 =	sld [smem:$0x3FDB];
	s0 =	simm.s32 @p2 $0x1  }
0x17: {  	s4 =	simm.s32 $0x1BF5;
	[smem:$0x3FB0] =	sst s0  }
0x18: {  	s0 =	sld [smem:$0x3F93];
	_ =	swait.ge [sflag:s4], $0x0  }
0x19: {  	s7 =	sld [smem:$0x3F94]  }
0x1a: {  	s8 =	sadd.s32 $0xFFFFE003, lr  }
0x1b: {  	s9 =	sadd.s32 $0xFFFFFEF7, lr;
	s5 =	simm.s32 $0xFFFFFFFF;
	p2 =	slt.u32 s8, $0xFFFFF086  }
0x1c: {  	p1 =	slt.u32 s9, $0xF7A;
	s5 =	simm.s32 @!p2 $0x0  }
0x1d: {  	s5 =	simm.s32 @p1 $0x1;
	p0 =	seq.s32 s7, s2  }
0x1e: {  	s7 =	smul.u32 @!p0 $0xF7A, s2;
	p2 =	seq.s32 @!p0 s5, $0x0  }
0x1f: {  	s9 =	smul.u32 $0xF7A, s1;
	s8 =	simm.s32 @!p0 $0x1BF5;
	p2 =	por !p2, p0  }
0x20: {  	[sflag:s8] =	ssyncset.s32 @!p0 $0xFFFFF086;
	s6 =	sadd.s32 @!p0 s3, s7;
	s7 =	simm.s32 @!p0 $0x108  }
0x21: {  	s3 =	sadd.s32 s3, s9;
	s6 =	sadd.s32 @!p0 $0x88, s6;
	s7 =	simm.s32 @p2 $0x1082  }
0x22: {  	[simem:s7], [sflag:s8] =	dma.local @!p0 [hbm:s6], $0xF7A  }
0x23: {  	s9 =	sor.u32 $0xD0000000, s2;
	s6 =	simm.s32 $0x108;
	_ =	swait.ge @!p0 [sflag:s8], $0x0  }
0x24: {  	s3 =	sadd.s32 $0x88, s3;
	s6 =	simm.s32 @!p1 $0x1082;
	[sflag:s4] =	ssyncset.s32 $0xFFFFF086  }
0x25: {  	[simem:s6], [sflag:s4] =	dma.local [hbm:s3], $0xF7A  }
0x26: {  	[smem:$0x3F94] =	sst s1;
	(tag) =	ssettag s2;
	_ =	strace s9  }
0x27: {  	s1 =	sld [smem:$0x3FA4]  }
0x28: {  	s2 =	sld [smem:$0x3FA5]  }
0x29: {  	s4 =	sld [smem:$0x3FA7]  }
0x2a: {  	p0 =	seq.s32 s5, $0x0;
	s5 =	sld [smem:$0x3FA8]  }
0x2b: {  	s6 =	sld [smem:$0x3FA9]  }
0x2c: {  	s7 =	sld [smem:$0x3FAA]  }
0x2d: {  	s3 =	simm.s32 $0x108;
	s8 =	sld [smem:$0x3FAB]  }
0x2e: {  	s3 =	simm.s32 @!p0 $0x1082;
	s9 =	sld [smem:$0x3FAC]  }
0x2f: {  	lr =	sadd.s32 s0, s3;
	s0 =	sld [smem:$0x3FA3]  }
0x30: {  	s3 =	sld [smem:$0x3FA6]  }
0x31: {  	[smem:$0x3FAF] =	sst s10  }
0x32: {  	s10 =	sld [smem:$0x3FAD];
	_ =	sdelay $0x3  }
0x33: {  	p0 =	seq.s32 s10, $0x1;
	s10 =	sld [smem:$0x3FAF];
	_ =	sdelay $0x3  }
0x34: {  	[smem:$0x3FAF] =	sst s10  }
0x35: {  	s10 =	sld [smem:$0x3FAE];
	_ =	sdelay $0x3  }
0x36: {  	p1 =	seq.s32 s10, $0x1;
	s10 =	sld [smem:$0x3FAF];
	_ =	sdelay $0x3  }
0x37: {  	[smem:$0x3FAF] =	sst s10  }
0x38: {  	s10 =	sld [smem:$0x3FB0]  }
0x39: {  	_ = 	snop;
	(pc) =	sbr.ind lr, $3  }
0x3a: {  	_ = 	snop  }
0x3b: {  	_ = 	snop  }
0x3c: {  	p2 =	seq.s32 s10, $0x1;
	s10 =	sld [smem:$0x3FAF]  }
0x3d: {  	_ =	shalt  }
0x3e: {  	_ =	shalt  }
0x3f: {  	_ =	shalt  }
0x40: {  	_ =	shalt  }
0x41: {  	_ =	shalt  }
0x42: {  	_ =	shalt  }
0x43: {  	_ =	shalt  }
0x44: {  	_ =	shalt  }
0x45: {  	_ =	shalt  }
0x46: {  	_ =	shalt  }
0x47: {  	_ =	shalt  }
0x48: {  	_ =	shalt  }
0x49: {  	_ =	shalt  }
0x4a: {  	_ =	shalt  }
0x4b: {  	_ =	shalt  }
0x4c: {  	_ =	shalt  }
0x4d: {  	_ =	shalt  }
0x4e: {  	_ =	shalt  }
0x4f: {  	_ =	shalt  }
0x50: {  	_ =	shalt  }
0x51: {  	_ =	shalt  }
0x52: {  	_ =	shalt  }
0x53: {  	_ =	shalt  }
0x54: {  	_ =	shalt  }
0x55: {  	_ =	shalt  }
0x56: {  	_ =	shalt  }
0x57: {  	_ =	shalt  }
0x58: {  	_ =	shalt  }
0x59: {  	_ =	shalt  }
0x5a: {  	_ =	shalt  }
0x5b: {  	_ =	shalt  }
0x5c: {  	_ =	shalt  }
0x5d: {  	_ =	shalt  }
0x5e: {  	_ =	shalt  }
0x5f: {  	_ =	shalt  }
0x60: {  	_ =	shalt  }
0x61: {  	_ =	shalt  }
0x62: {  	_ =	shalt  }
0x63: {  	_ =	shalt  }
0x64: {  	_ =	shalt  }
0x65: {  	_ =	shalt  }
0x66: {  	_ =	shalt  }
0x67: {  	_ =	shalt  }
0x68: {  	_ =	shalt  }
0x69: {  	_ =	shalt  }
0x6a: {  	_ =	shalt  }
0x6b: {  	_ =	shalt  }
0x6c: {  	_ =	shalt  }
0x6d: {  	_ =	shalt  }
0x6e: {  	_ =	shalt  }
0x6f: {  	_ =	shalt  }
0x70: {  	_ =	shalt  }
0x71: {  	_ =	shalt  }
0x72: {  	_ =	shalt  }
0x73: {  	_ =	shalt  }
0x74: {  	_ =	shalt  }
0x75: {  	_ =	shalt  }
0x76: {  	_ =	shalt  }
0x77: {  	_ =	shalt  }
0x78: {  	_ =	shalt  }
0x79: {  	_ =	shalt  }
0x7a: {  	_ =	shalt  }
0x7b: {  	_ =	shalt  }
0x7c: {  	_ =	shalt  }
0x7d: {  	_ =	shalt  }
0x7e: {  	_ =	shalt  }
0x7f: {  	_ =	shalt  }
0x80: {  	_ =	shalt  }
0x81: {  	_ =	shalt  }
0x82: {  	_ =	shalt  }
0x83: {  	_ =	shalt  }
0x84: {  	_ =	shalt  }
0x85: {  	_ =	shalt  }
0x86: {  	_ =	shalt  }
0x87: {  	_ =	shalt  }
.Lfunc_end0:
.L_simem_size_0:
called_computation.1_lowered:
.L_overlay_start_0:
0x88: {  	s2 =	sld [smem:$0x3FD9]  }
0x89: {  	s3 =	sld [smem:$0x3FFE];
	_ =	sdelay $0x1  }
0x8a: {  	s1 =	srdreg.scid  }
0x8b: {  	s0 =	sand.u32 $0x1, s1  }
0x8c: {  	s17 =	sshll.u32 s0, $0xA;
	s2 =	sadd.s32 s3, s2  }
0x8d: {  	s2 =	sadd.s32 s2, s17  }
0x8e: {  	[smem:$0x3FBB] =	sst s2  }
0x8f: {  	_ = 	snop  }
0x90: {  	s18 =	sld [smem:$0x3FC9];
	(tm) =	ssettm $0x1  }
0x91: {  	s19 =	sld [smem:$0x3FFB];
	_ =	sdelay $0x3  }
0x92: {  	_ =	strace s19  }
0x93: {  	s2 =	sld [smem:$0x3FFC];
	_ =	sdelay $0x3  }
0x94: {  	_ =	strace s2  }
0x95: {  	s2 =	sld [smem:$0x3FFD];
	_ =	sdelay $0x3  }
0x96: {  	_ =	strace s2  }
0x97: {  	_ =	strace $0x8FFFFFFF  }
0x98: {  	s20 =	sld [smem:$0x3FDB];
	_ =	sdelay $0x1  }
0x99: {  	s4 =	simm.s32 $_scs_section_size  }
0x9a: {  	s5 =	simm.s32 $_size__tile_overlayer_lowered;
	s6 =	simm.s32 $_tile_overlayer_lowered  }
0x9b: {  	s7 =	simm.s32 $0x1BFF;
	s21 =	sshll.u32 s6, $0x1;
	s4 =	sadd.s32 s4, s20  }
0x9c: {  	s22 =	simm.s32 $0x0;
	s5 =	sshll.u32 s5, $0x1;
	s6 =	sadd.s32 s21, s4  }
0x9d: {  	[timem:s22], [sflag:s7] =	dma.local [hbm:s6], s5  }
0x9e: {  	_ =	swait.ge [sflag:s7], s5  }
0x9f: {  	s5 =	ssub.s32 $0x0, s5;
	[sflag:s7] =	ssyncset.done $0x0  }
0xa0: {  	[sflag:s7] =	ssyncadd.s32 s5;
	_ =	sdelay $0x1  }
0xa1: {  	s23 =	simm.s32 $0x1B8B  }
0xa2: {  	_ =	swait.ge [sflag:s23], $0x1  }
0xa3: {  	[sflag:s23] =	ssyncset.done $0x0  }
0xa4: {  	[sflag:s23] =	ssyncadd.s32 $0xFFFFFFFF  }
0xa5: {  	s5 =	sld [smem:$0x0]  }
0xa6: {  	s6 =	sand.u32 $0xFFFFFFFE, s1  }
0xa7: {  	p0 =	sne.s32 s1, s6  }
0xa8: {  	s6 =	sshll.u32 @p0 s6, $0xE  }
0xa9: {  	s6 =	sadd.s32 @p0 $0x11B8D, s6;
	s7 =	sshll.u32 @p0 s5, $0x11  }
0xaa: {  	s6 =	sor.u32 @p0 s7, s6  }
0xab: {  	[sflag:s6] =	ssyncadd.remote.s32 @p0 $0x1;
	_ =	sdelay $0x1  }
0xac: {  	s6 =	simm.s32 @p0 $0x1B8D  }
0xad: {  	_ =	swait.eq @p0 [sflag:s6], $0x1  }
0xae: {  	[sflag:s6] =	ssyncadd.s32 @p0 $0xFFFFFFFF  }
0xaf: {  	s7 =	sshll.u32 @!p0 s1, $0xE  }
0xb0: {  	s7 =	sor.u32 @!p0 $0x4000, s7;
	s6 =	simm.s32 @!p0 $0x1B8D  }
0xb1: {  	s5 =	sshll.u32 @!p0 s5, $0x11;
	s7 =	sadd.s32 @!p0 $0x11B8D, s7;
	_ =	swait.eq @!p0 [sflag:s6], $0x1  }
0xb2: {  	s5 =	sor.u32 @!p0 s5, s7;
	[sflag:s6] =	ssyncadd.s32 @!p0 $0xFFFFFFFF  }
0xb3: {  	s25 =	simm.s32 $0x1B8E;
	s24 =	sld [smem:$0x3FFE];
	[sflag:s5] =	ssyncadd.remote.s32 @!p0 $0x1  }
0xb4: {  	s26 =	simm.s32 $execute0_lowered;
	[smem:$0x3FD2] =	sst s25  }
0xb5: {  	s6 =	sshll.u32 s26, $0x1;
	_ =	strace $0x80000049;
	[dreg:$0x1] =	wrdreg $0xFFFFFFFF  }
0xb6: {  	s28 =	simm.s32 $_size_execute0_lowered;
	s4 =	sadd.s32 s4, s6;
	[dreg:$0x0] =	wrdreg $0x0  }
0xb7: {  	s6 =	sshll.u32 s28, $0x1;
	[dreg:$0x2] =	wrdreg s4  }
0xb8: {  	[dreg:$0x3] =	wrdreg s6  }
0xb9: {  	[dreg:$0x4] =	wrdreg $0xC0  }
0xba: {  	_ =	task [dreg:s22], $0x5FFFF  }
0xbb: {  	[dreg:$0x1] =	wrdreg $0xFFFFFFFF  }
0xbc: {  	[dreg:$0x0] =	wrdreg $0x60  }
0xbd: {  	[dreg:$0x2] =	wrdreg s18  }
0xbe: {  	[dreg:$0x3] =	wrdreg s24  }
0xbf: {  	[dreg:$0x4] =	wrdreg $0x94000  }
0xc0: {  	[dreg:$0x5] =	wrdreg $0x9  }
0xc1: {  	_ =	task.clear_ibuf [dreg:s22], $0x6FFFF;
	_ =	strace $0x90000049  }
0xc2: {  	s29 =	simm.s32 $0x9;
	_ =	strace $0x8000004B  }
0xc3: {  	_ =	swait.ge [sflag:s29], $0x1  }
0xc4: {  	[sflag:s29] =	ssyncadd.s32 $0xFFFFFFFF  }
0xc5: {  	_ =	strace $0x9000004B  }
0xc6: {  	_ =	sfence  }
0xc7: {  	s30 =	sld [smem:$0x0];
	_ =	sdelay $0x2  }
0xc8: {  	s31 =	sshll.u32 s1, $0xD;
	s1 =	sshrl.u32 s1, $0x2  }
0xc9: {  	s4 =	sand.u32 $0x4000, s31;
	s1 =	sadd.s32 s1, s30  }
0xca: {  	s0 =	sor.u32 s4, s0;
	s1 =	sshll.u32 s1, $0x11  }
0xcb: {  	s0 =	sor.u32 s1, s0  }
0xcc: {  	s0 =	sadd.s32 $0x8F2B, s0  }
0xcd: {  	[sflag:s0] =	ssyncadd.remote.s32 $0x1  }
0xce: {  	_ =	sfence.sel $0xFFFF  }
0xcf: {  	[dreg:$0x0] =	wrdreg $0xFFFFFFFF;
	(pc) =	sbr.abs _section_cstart, $3  }
0xd0: {  	[dreg:$0x1] =	wrdreg $0xFFFFFFFF  }
0xd1: {  	_ =	task.clear_ibuf [dreg:s22], $0x2FFFF;
	_ =	strace $0x9FFFFFFF  }
0xd2: {  	(tm) =	ssettm $0x7FFFFFFF  }
0xd3: {  	_ =	shalt  }
tec
execute0_lowered:
.L_overlay_start_1:
0x0: {  	(tag) =	ssettag $0x1  }
0x1: {  	s5 =	rddreg [dreg:$0x0]  }
0x2: {  	s4 =	rddreg [dreg:$0x1];
	s1 =	srdreg.scid  }
0x3: {  	s0 =	stileid.u32;
	s2 =	rddreg [dreg:$0x2];
	s3 =	simm.s32 $0x0  }
0x4: {  	s17 =	simm.s32 $0x80;
	s18 =	simm.s32 $0x5400;
	s9 =	smul.u32 $0x50000, s0  }
0x5: {  	s19 =	simm.s32 $0x1;
	s20 =	simm.s32 $0x2;
	s12 =	smul.u32 $0x2800, s0  }
0x6: {  	s21 =	simm.s32 $0x1380;
	s22 =	simm.s32 $0x0;
	s15 =	smul.u32 $0x140000, s0  }
0x7: {  	s10 =	sand.u32 $0x1, s1;
	s1 =	rddreg [dreg:$0x3];
	s29 =	smul.u32 $0x28000, s0  }
0x8: {  	s6 =	sshll.u32 s0, $0x1;
	[smem:$0x7FF] =	sst s3;
	s16 =	smul.u32 $0xA0000, s10  }
0x9: {  	s13 =	sadd.s32 $0x293A00, s4;
	s6 =	sor.u32 s10, s6;
	s30 =	smul.u32 $0x14000, s10  }
0xa: {  	p0 =	seq.s32 s0, $0xF;
	s8 =	ssub.s32 $0x2, s10;
	s7 =	smul.u32 $0x280, s6  }
0xb: {  	_ =	strace $0x8000004A;
	s11 =	sshrl.u32 s8, $0x1;
	s24 =	smul.u32 $0xA0000, s6  }
0xc: {  	s23 =	sshrl.u32 s9, $0x2;
	s25 =	smul.u32 $0x14000, s6;
	s8 =	ssub.s32 s8, s11  }
0xd: {  	s14 =	sadd.s32 s23, s2;
	s15 =	sadd.s32 s16, s15;
	s11 =	sadd.s32 s29, s13  }
0xe: {  	s16 =	simm.s32 $0x1400;
	s7 =	sadd.s32 s7, s4;
	s4 =	sadd.s32 s5, s12  }
0xf: {  	s12 =	sadd.s32 $0x12C000, s2;
	s5 =	sadd.s32 $0x25800, s5;
	s9 =	sshrl.u32 s24, $0x3  }
0x10: {  	s28 =	sadd.s32 s13, s25;
	s31 =	sshrl.u32 s15, $0x3;
	s11 =	sadd.s32 s30, s11  }
0x11: {  	s14 =	sshrl.u32 @!p0 s14, $0x3;
	s15 =	simm.s32 $0x3;
	s6 =	sadd.s32 $0x28EA00, s7  }
0x12: {  	s7 =	smax.u32 s8, $0x1;
	s26 =	sadd.s32 s13, s9;
	s9 =	sadd.s32 $0x13800, s28  }
0x13: {  	s10 =	sadd.s32 s31, s13;
	s13 =	sshll.u32 @!p0 s0, $0x6;
	s11 =	sadd.s32 $0x800, s11  }
0x14: {  	s12 =	sshrl.u32 @p0 s12, $0x3;
	s8 =	sadd.s32 $0x13000, s26;
	s13 =	sor.u32 @!p0 $0x1C03, s13  }
.LBB2_1:
0x15: {  	s23 =	simm.s32 @p0 $0x1FC3  }
0x16: {  	[spmem:s12], [sflag:s23] =	dma.local @p0 [hbm:s5], $0x1900  }
0x17: {  	s23 =	simm.s32 @p0 $0x3  }
0x18: {  	_ =	swait.ge @p0 [sflag:s23], $0x1900  }
0x19: {  	[sflag:s23] =	ssyncset.done @p0 $0x0  }
0x1a: {  	[sflag:s23] =	ssyncadd.s32 @p0 $0xFFFFE700;
	s23 =	simm.s32 @!p0 $0x3  }
0x1b: {  	[spmem:s14], [sflag:s13] =	dma.local @!p0 [hbm:s4], $0x2800  }
0x1c: {  	_ =	swait.ge @!p0 [sflag:s23], $0x2800  }
0x1d: {  	[sflag:s23] =	ssyncset.done @!p0 $0x0  }
0x1e: {  	[sflag:s23] =	ssyncadd.s32 @!p0 $0xFFFFD800  }
0x1f: {  	[tilespmem:s3], [sflag:$0x3] =	stream.linear.gather [hbm4b:s6+s3], $0x1400, $0x38;
	[tilespmem:$0x1D400] =	vst v63  }
0x20: {  	_ =	swait.ge [sflag:s15], $0x1400  }
0x21: {  	[sflag:s15] =	ssyncset.done $0x0  }
0x22: {  	[sflag:s15] =	ssyncadd.s32 $0xFFFFEC00  }
0x23: {  	[bflag:$0x0] =	sbarrier.arrive $0xFFFF  }
0x24: {  	[tilespmem:s16], [sflag:$0x1] =	stream.indirect.gather [spmem:s2], $0x80, s3, s17, $0xb8;
	[tilespmem:$0x1D400] =	vst v63  }
0x25: {  	_ = 	snop  }
0x26: {  	[tilespmem:s18], [sflag:$0x2] =	stream.indirect.gather [spmem:s2], $0x80, s17, s17, $0xb8;
	[tilespmem:$0x1D400] =	vst v63  }
0x27: {  	_ =	swait.ge [sflag:s19], $0x4000  }
0x28: {  	[sflag:s19] =	ssyncset.done $0x0  }
0x29: {  	s29 =	sadd.s32 $0x0, s10;
	[sflag:s19] =	ssyncadd.s32 $0xFFFFC000  }
0x2a: {  	[hbm4b:s29+s3] =	stream.linear.scatter [tilespmem:s16], [sflag:$0x3], $0x4000, $0x38;
	[tilespmem:$0x1D400] =	vst v63  }
0x2b: {  	_ =	swait.ge [sflag:s15], $0x4000  }
0x2c: {  	[sflag:s15] =	ssyncset.done $0x0  }
0x2d: {  	s30 =	simm.s32 $0x100;
	[sflag:s15] =	ssyncadd.s32 $0xFFFFC000  }
0x2e: {  	[tilespmem:s16], [sflag:$0x1] =	stream.indirect.gather [spmem:s2], $0x80, s30, s17, $0xb8;
	[tilespmem:$0x1D400] =	vst v63  }
0x2f: {  	_ =	swait.ge [sflag:s20], $0x4000  }
0x30: {  	[sflag:s20] =	ssyncset.done $0x0  }
0x31: {  	s31 =	sadd.s32 $0x0, s11;
	[sflag:s20] =	ssyncadd.s32 $0xFFFFC000  }
0x32: {  	[hbm4b:s31+s3] =	stream.linear.scatter [tilespmem:s18], [sflag:$0x3], $0x4000, $0x38;
	[tilespmem:$0x1D400] =	vst v63  }
0x33: {  	_ =	swait.ge [sflag:s15], $0x4000  }
0x34: {  	s24 =	simm.s32 $0x80;
	s23 =	simm.s32 $0x1000;
	[sflag:s15] =	ssyncset.done $0x0  }
.LBB2_2:
0x35: {  	p1 =	sne.s32 s23, $0x12000;
	[sflag:s15] =	ssyncadd.s32 $0xFFFFC000;
	s24 =	sadd.s32 $0x100, s24  }
0x36: {  	[tilespmem:s18], [sflag:$0x2] =	stream.indirect.gather [spmem:s2], $0x80, s24, s17, $0xb8;
	[tilespmem:$0x1D400] =	vst v63  }
0x37: {  	s25 =	smov.u32 s23;
	s23 =	sadd.s32 $0x1000, s23;
	_ =	swait.ge [sflag:s19], $0x4000  }
0x38: {  	[sflag:s19] =	ssyncset.done $0x0  }
0x39: {  	s26 =	sadd.s32 s25, s10;
	[sflag:s19] =	ssyncadd.s32 $0xFFFFC000  }
0x3a: {  	[hbm4b:s26+s3] =	stream.linear.scatter [tilespmem:s16], [sflag:$0x3], $0x4000, $0x38;
	[tilespmem:$0x1D400] =	vst v63  }
0x3b: {  	_ =	swait.ge [sflag:s15], $0x4000  }
0x3c: {  	[sflag:s15] =	ssyncset.done $0x0  }
0x3d: {  	s26 =	sadd.s32 $0x80, s24;
	[sflag:s15] =	ssyncadd.s32 $0xFFFFC000  }
0x3e: {  	[tilespmem:s16], [sflag:$0x1] =	stream.indirect.gather [spmem:s2], $0x80, s26, s17, $0xb8;
	[tilespmem:$0x1D400] =	vst v63  }
0x3f: {  	_ =	swait.ge [sflag:s20], $0x4000  }
.Ltmp0:
0x40: {  	[sflag:s20] =	ssyncset.done $0x0;
	(pc) =	sbr.rel @p1 .LBB2_2-.Ltmp0, $4  }
0x41: {  	s25 =	sadd.s32 s25, s11;
	[sflag:s20] =	ssyncadd.s32 $0xFFFFC000  }
0x42: {  	[hbm4b:s25+s3] =	stream.linear.scatter [tilespmem:s18], [sflag:$0x3], $0x4000, $0x38;
	[tilespmem:$0x1D400] =	vst v63  }
0x43: {  	_ =	swait.ge [sflag:s15], $0x4000  }
0x44: {  	[sflag:s15] =	ssyncset.done $0x0  }
0x45: {  	[sflag:s15] =	ssyncadd.s32 $0xFFFFC000  }
0x46: {  	[tilespmem:s18], [sflag:$0x2] =	stream.indirect.gather [spmem:s2], $0x80, s21, s17, $0xb8;
	[tilespmem:$0x1D400] =	vst v63  }
0x47: {  	_ =	swait.ge [sflag:s19], $0x4000  }
0x48: {  	[sflag:s19] =	ssyncset.done $0x0  }
0x49: {  	[sflag:s19] =	ssyncadd.s32 $0xFFFFC000  }
0x4a: {  	[hbm4b:s8+s3] =	stream.linear.scatter [tilespmem:s16], [sflag:$0x3], $0x4000, $0x38;
	[tilespmem:$0x1D400] =	vst v63  }
0x4b: {  	_ =	swait.ge [sflag:s15], $0x4000  }
0x4c: {  	[sflag:s15] =	ssyncset.done $0x0  }
0x4d: {  	[sflag:s15] =	ssyncadd.s32 $0xFFFFC000  }
0x4e: {  	s22 =	sadd.s32 $0x1, s22;
	_ =	swait.ge [sflag:s20], $0x4000  }
0x4f: {  	p1 =	sne.s32 s22, s7;
	[sflag:s20] =	ssyncset.done $0x0  }
.Ltmp1:
0x50: {  	[sflag:s20] =	ssyncadd.s32 $0xFFFFC000;
	(pc) =	sbr.rel @p1 .LBB2_1-.Ltmp1, $4  }
0x51: {  	[hbm4b:s9+s3] =	stream.linear.scatter [tilespmem:s18], [sflag:$0x3], $0x4000, $0x38;
	[tilespmem:$0x1D400] =	vst v63  }
0x52: {  	_ =	swait.ge [sflag:s15], $0x4000  }
0x53: {  	[sflag:s15] =	ssyncset.done $0x0  }
0x54: {  	[sflag:s15] =	ssyncadd.s32 $0xFFFFC000  }
0x55: {  	_ =	sfence.sel $0x180000  }
0x56: {  	[bflag:$0x0] =	sbarrier.arrive $0xFFFF  }
0x57: {  	p0 =	sne.s32 s0, $0x0;
	_ =	strace $0x9000004A  }
0x58: {  	s0 =	sadd.s32 @!p0 $0x100000, s1;
	[bflag:$0x2] =	sbarrier.arrive $0xFFFF  }
0x59: {  	[sflag:s0] =	ssyncadd.tile.s32 @!p0 $0x1;
	_ =	shalt  }
.Lfunc_end2:
_tile_overlayer_lowered:
.L_overlay_start_2:
0x5a: {  	(tag) =	ssettag $0x2  }
0x5b: {  	s0 =	rddreg [dreg:$0x0];
	s2 =	stileid.u32  }
0x5c: {  	s1 =	rddreg [dreg:$0x1];
	p0 =	sne.s32 s2, $0x0  }
0x5d: {  	s3 =	rddreg [dreg:$0x2];
	[bflag:$0x3] =	sbarrier.arrive $0xFFFF;
	s2 =	simm.s32 @!p0 $0x1C03  }
0x5e: {  	[timem:s3], [sflag:s2] =	dma.local @!p0 [hbm:s0], s1  }
0x5f: {  	s0 =	simm.s32 @!p0 $0x3  }
0x60: {  	_ =	swait.ge @!p0 [sflag:s0], s1  }
0x61: {  	s1 =	ssub.s32 @!p0 $0x0, s1;
	[sflag:s0] =	ssyncset.done @!p0 $0x0  }
0x62: {  	[sflag:s0] =	ssyncadd.s32 @!p0 s1  }
0x63: {  	[bflag:$0x3] =	sbarrier.arrive $0xFFFF  }
0x64: {  	_ =	shalt  }

// kernel: kernel.15.cloned.1.call-start
scs
__scs_entry_jumppad:
0x0: {  	(pc) =	sbr.rel $0x88, $3  }
0x1: {  	(tag) =	ssettag $0x0;
	lr =	simm.s32 $0x1  }
0x2: {  	[smem:$0x3F94] =	sst lr;
	_ =	strace $0xD0000000  }
0x3: {  	_ = 	snop  }
0x4: {  	_ = 	snop  }
0x5: {  	_ = 	snop  }
0x6: {  	_ = 	snop  }
0x7: {  	_ = 	snop  }
__scs_overlays_trampoline_lowered:
0x8: {  	[smem:$0x3FA3] =	sst s0  }
0x9: {  	[smem:$0x3FA4] =	sst s1  }
0xa: {  	[smem:$0x3FA5] =	sst s2  }
0xb: {  	[smem:$0x3FA6] =	sst s3  }
0xc: {  	[smem:$0x3FA7] =	sst s4  }
0xd: {  	[smem:$0x3FA8] =	sst s5  }
0xe: {  	[smem:$0x3FA9] =	sst s6  }
0xf: {  	[smem:$0x3FAA] =	sst s7  }
0x10: {  	[smem:$0x3FAB] =	sst s8  }
0x11: {  	[smem:$0x3FAC] =	sst s9;
	s0 =	simm.s32 @!p0 $0x0  }
0x12: {  	s1 =	sld [smem:$0x3F92];
	s0 =	simm.s32 @p0 $0x1  }
0x13: {  	[smem:$0x3FAD] =	sst s0;
	s0 =	simm.s32 @!p1 $0x0  }
0x14: {  	s2 =	sld [smem:$0x3F91];
	s0 =	simm.s32 @p1 $0x1  }
0x15: {  	[smem:$0x3FAE] =	sst s0;
	s0 =	simm.s32 @!p2 $0x0  }
0x16: {  	s3 =	sld [smem:$0x3FDB];
	s0 =	simm.s32 @p2 $0x1  }
0x17: {  	s4 =	simm.s32 $0x1BF5;
	[smem:$0x3FB0] =	sst s0  }
0x18: {  	s0 =	sld [smem:$0x3F93];
	_ =	swait.ge [sflag:s4], $0x0  }
0x19: {  	s7 =	sld [smem:$0x3F94]  }
0x1a: {  	s8 =	sadd.s32 $0xFFFFE003, lr  }
0x1b: {  	s9 =	sadd.s32 $0xFFFFFEF7, lr;
	s5 =	simm.s32 $0xFFFFFFFF;
	p2 =	slt.u32 s8, $0xFFFFF086  }
0x1c: {  	p1 =	slt.u32 s9, $0xF7A;
	s5 =	simm.s32 @!p2 $0x0  }
0x1d: {  	s5 =	simm.s32 @p1 $0x1;
	p0 =	seq.s32 s7, s2  }
0x1e: {  	s7 =	smul.u32 @!p0 $0xF7A, s2;
	p2 =	seq.s32 @!p0 s5, $0x0  }
0x1f: {  	s9 =	smul.u32 $0xF7A, s1;
	s8 =	simm.s32 @!p0 $0x1BF5;
	p2 =	por !p2, p0  }
0x20: {  	[sflag:s8] =	ssyncset.s32 @!p0 $0xFFFFF086;
	s6 =	sadd.s32 @!p0 s3, s7;
	s7 =	simm.s32 @!p0 $0x108  }
0x21: {  	s3 =	sadd.s32 s3, s9;
	s6 =	sadd.s32 @!p0 $0x88, s6;
	s7 =	simm.s32 @p2 $0x1082  }
0x22: {  	[simem:s7], [sflag:s8] =	dma.local @!p0 [hbm:s6], $0xF7A  }
0x23: {  	s9 =	sor.u32 $0xD0000000, s2;
	s6 =	simm.s32 $0x108;
	_ =	swait.ge @!p0 [sflag:s8], $0x0  }
0x24: {  	s3 =	sadd.s32 $0x88, s3;
	s6 =	simm.s32 @!p1 $0x1082;
	[sflag:s4] =	ssyncset.s32 $0xFFFFF086  }
0x25: {  	[simem:s6], [sflag:s4] =	dma.local [hbm:s3], $0xF7A  }
0x26: {  	[smem:$0x3F94] =	sst s1;
	(tag) =	ssettag s2;
	_ =	strace s9  }
0x27: {  	s1 =	sld [smem:$0x3FA4]  }
0x28: {  	s2 =	sld [smem:$0x3FA5]  }
0x29: {  	s4 =	sld [smem:$0x3FA7]  }
0x2a: {  	p0 =	seq.s32 s5, $0x0;
	s5 =	sld [smem:$0x3FA8]  }
0x2b: {  	s6 =	sld [smem:$0x3FA9]  }
0x2c: {  	s7 =	sld [smem:$0x3FAA]  }
0x2d: {  	s3 =	simm.s32 $0x108;
	s8 =	sld [smem:$0x3FAB]  }
0x2e: {  	s3 =	simm.s32 @!p0 $0x1082;
	s9 =	sld [smem:$0x3FAC]  }
0x2f: {  	lr =	sadd.s32 s0, s3;
	s0 =	sld [smem:$0x3FA3]  }
0x30: {  	s3 =	sld [smem:$0x3FA6]  }
0x31: {  	[smem:$0x3FAF] =	sst s10  }
0x32: {  	s10 =	sld [smem:$0x3FAD];
	_ =	sdelay $0x3  }
0x33: {  	p0 =	seq.s32 s10, $0x1;
	s10 =	sld [smem:$0x3FAF];
	_ =	sdelay $0x3  }
0x34: {  	[smem:$0x3FAF] =	sst s10  }
0x35: {  	s10 =	sld [smem:$0x3FAE];
	_ =	sdelay $0x3  }
0x36: {  	p1 =	seq.s32 s10, $0x1;
	s10 =	sld [smem:$0x3FAF];
	_ =	sdelay $0x3  }
0x37: {  	[smem:$0x3FAF] =	sst s10  }
0x38: {  	s10 =	sld [smem:$0x3FB0]  }
0x39: {  	_ = 	snop;
	(pc) =	sbr.ind lr, $3  }
0x3a: {  	_ = 	snop  }
0x3b: {  	_ = 	snop  }
0x3c: {  	p2 =	seq.s32 s10, $0x1;
	s10 =	sld [smem:$0x3FAF]  }
0x3d: {  	_ =	shalt  }
0x3e: {  	_ =	shalt  }
0x3f: {  	_ =	shalt  }
0x40: {  	_ =	shalt  }
0x41: {  	_ =	shalt  }
0x42: {  	_ =	shalt  }
0x43: {  	_ =	shalt  }
0x44: {  	_ =	shalt  }
0x45: {  	_ =	shalt  }
0x46: {  	_ =	shalt  }
0x47: {  	_ =	shalt  }
0x48: {  	_ =	shalt  }
0x49: {  	_ =	shalt  }
0x4a: {  	_ =	shalt  }
0x4b: {  	_ =	shalt  }
0x4c: {  	_ =	shalt  }
0x4d: {  	_ =	shalt  }
0x4e: {  	_ =	shalt  }
0x4f: {  	_ =	shalt  }
0x50: {  	_ =	shalt  }
0x51: {  	_ =	shalt  }
0x52: {  	_ =	shalt  }
0x53: {  	_ =	shalt  }
0x54: {  	_ =	shalt  }
0x55: {  	_ =	shalt  }
0x56: {  	_ =	shalt  }
0x57: {  	_ =	shalt  }
0x58: {  	_ =	shalt  }
0x59: {  	_ =	shalt  }
0x5a: {  	_ =	shalt  }
0x5b: {  	_ =	shalt  }
0x5c: {  	_ =	shalt  }
0x5d: {  	_ =	shalt  }
0x5e: {  	_ =	shalt  }
0x5f: {  	_ =	shalt  }
0x60: {  	_ =	shalt  }
0x61: {  	_ =	shalt  }
0x62: {  	_ =	shalt  }
0x63: {  	_ =	shalt  }
0x64: {  	_ =	shalt  }
0x65: {  	_ =	shalt  }
0x66: {  	_ =	shalt  }
0x67: {  	_ =	shalt  }
0x68: {  	_ =	shalt  }
0x69: {  	_ =	shalt  }
0x6a: {  	_ =	shalt  }
0x6b: {  	_ =	shalt  }
0x6c: {  	_ =	shalt  }
0x6d: {  	_ =	shalt  }
0x6e: {  	_ =	shalt  }
0x6f: {  	_ =	shalt  }
0x70: {  	_ =	shalt  }
0x71: {  	_ =	shalt  }
0x72: {  	_ =	shalt  }
0x73: {  	_ =	shalt  }
0x74: {  	_ =	shalt  }
0x75: {  	_ =	shalt  }
0x76: {  	_ =	shalt  }
0x77: {  	_ =	shalt  }
0x78: {  	_ =	shalt  }
0x79: {  	_ =	shalt  }
0x7a: {  	_ =	shalt  }
0x7b: {  	_ =	shalt  }
0x7c: {  	_ =	shalt  }
0x7d: {  	_ =	shalt  }
0x7e: {  	_ =	shalt  }
0x7f: {  	_ =	shalt  }
0x80: {  	_ =	shalt  }
0x81: {  	_ =	shalt  }
0x82: {  	_ =	shalt  }
0x83: {  	_ =	shalt  }
0x84: {  	_ =	shalt  }
0x85: {  	_ =	shalt  }
0x86: {  	_ =	shalt  }
0x87: {  	_ =	shalt  }
.Lfunc_end0:
.L_simem_size_0:
called_computation.2_lowered:
.L_overlay_start_0:
0x88: {  	s2 =	sld [smem:$0x3FD9]  }
0x89: {  	s3 =	sld [smem:$0x3FFE];
	_ =	sdelay $0x1  }
0x8a: {  	s1 =	srdreg.scid  }
0x8b: {  	s0 =	sand.u32 $0x1, s1  }
0x8c: {  	s17 =	sshll.u32 s0, $0xA;
	s2 =	sadd.s32 s3, s2  }
0x8d: {  	s2 =	sadd.s32 s2, s17  }
0x8e: {  	[smem:$0x3FBB] =	sst s2  }
0x8f: {  	_ = 	snop  }
0x90: {  	s18 =	sld [smem:$0x3FD0];
	(tm) =	ssettm $0x1  }
0x91: {  	s19 =	sld [smem:$0x3FFB];
	_ =	sdelay $0x3  }
0x92: {  	_ =	strace s19  }
0x93: {  	s2 =	sld [smem:$0x3FFC];
	_ =	sdelay $0x3  }
0x94: {  	_ =	strace s2  }
0x95: {  	s2 =	sld [smem:$0x3FFD];
	_ =	sdelay $0x3  }
0x96: {  	_ =	strace s2  }
0x97: {  	_ =	strace $0x8FFFFFFF  }
0x98: {  	s20 =	sld [smem:$0x3FDB];
	_ =	sdelay $0x1  }
0x99: {  	s4 =	simm.s32 $_scs_section_size  }
0x9a: {  	s5 =	simm.s32 $_size__tile_overlayer_lowered;
	s6 =	simm.s32 $_tile_overlayer_lowered  }
0x9b: {  	s7 =	simm.s32 $0x1BFF;
	s21 =	sshll.u32 s6, $0x1;
	s4 =	sadd.s32 s4, s20  }
0x9c: {  	s22 =	simm.s32 $0x0;
	s5 =	sshll.u32 s5, $0x1;
	s6 =	sadd.s32 s21, s4  }
0x9d: {  	[timem:s22], [sflag:s7] =	dma.local [hbm:s6], s5  }
0x9e: {  	_ =	swait.ge [sflag:s7], s5  }
0x9f: {  	s5 =	ssub.s32 $0x0, s5;
	[sflag:s7] =	ssyncset.done $0x0  }
0xa0: {  	[sflag:s7] =	ssyncadd.s32 s5;
	_ =	sdelay $0x1  }
0xa1: {  	s23 =	simm.s32 $0x1B8B  }
0xa2: {  	_ =	swait.ge [sflag:s23], $0x1  }
0xa3: {  	[sflag:s23] =	ssyncset.done $0x0  }
0xa4: {  	[sflag:s23] =	ssyncadd.s32 $0xFFFFFFFF  }
0xa5: {  	s5 =	sld [smem:$0x0]  }
0xa6: {  	s6 =	sand.u32 $0xFFFFFFFE, s1  }
0xa7: {  	p0 =	sne.s32 s1, s6  }
0xa8: {  	s6 =	sshll.u32 @p0 s6, $0xE  }
0xa9: {  	s6 =	sadd.s32 @p0 $0x11B8D, s6;
	s7 =	sshll.u32 @p0 s5, $0x11  }
0xaa: {  	s6 =	sor.u32 @p0 s7, s6  }
0xab: {  	[sflag:s6] =	ssyncadd.remote.s32 @p0 $0x1;
	_ =	sdelay $0x1  }
0xac: {  	s6 =	simm.s32 @p0 $0x1B8D  }
0xad: {  	_ =	swait.eq @p0 [sflag:s6], $0x1  }
0xae: {  	[sflag:s6] =	ssyncadd.s32 @p0 $0xFFFFFFFF  }
0xaf: {  	s7 =	sshll.u32 @!p0 s1, $0xE  }
0xb0: {  	s7 =	sor.u32 @!p0 $0x4000, s7;
	s6 =	simm.s32 @!p0 $0x1B8D  }
0xb1: {  	s5 =	sshll.u32 @!p0 s5, $0x11;
	s7 =	sadd.s32 @!p0 $0x11B8D, s7;
	_ =	swait.eq @!p0 [sflag:s6], $0x1  }
0xb2: {  	s5 =	sor.u32 @!p0 s5, s7;
	[sflag:s6] =	ssyncadd.s32 @!p0 $0xFFFFFFFF  }
0xb3: {  	s25 =	simm.s32 $0x1B8E;
	s24 =	sld [smem:$0x3FFE];
	[sflag:s5] =	ssyncadd.remote.s32 @!p0 $0x1  }
0xb4: {  	s26 =	simm.s32 $execute0_lowered;
	[smem:$0x3FD2] =	sst s25  }
0xb5: {  	s6 =	sshll.u32 s26, $0x1;
	_ =	strace $0x8000004F;
	[dreg:$0x1] =	wrdreg $0xFFFFFFFF  }
0xb6: {  	s28 =	simm.s32 $_size_execute0_lowered;
	s4 =	sadd.s32 s4, s6;
	[dreg:$0x0] =	wrdreg $0x0  }
0xb7: {  	s6 =	sshll.u32 s28, $0x1;
	[dreg:$0x2] =	wrdreg s4  }
0xb8: {  	[dreg:$0x3] =	wrdreg s6  }
0xb9: {  	[dreg:$0x4] =	wrdreg $0xC0  }
0xba: {  	_ =	task [dreg:s22], $0x5FFFF  }
0xbb: {  	[dreg:$0x1] =	wrdreg $0xFFFFFFFF  }
0xbc: {  	[dreg:$0x0] =	wrdreg $0x60  }
0xbd: {  	[dreg:$0x2] =	wrdreg s24  }
0xbe: {  	[dreg:$0x3] =	wrdreg s18  }
0xbf: {  	[dreg:$0x4] =	wrdreg $0x94800  }
0xc0: {  	[dreg:$0x5] =	wrdreg $0x1D4800  }
0xc1: {  	[dreg:$0x6] =	wrdreg $0x9  }
0xc2: {  	_ =	task.clear_ibuf [dreg:s22], $0x7FFFF;
	_ =	strace $0x9000004F  }
0xc3: {  	s29 =	simm.s32 $0x9;
	_ =	strace $0x80000051  }
0xc4: {  	_ =	swait.ge [sflag:s29], $0x1  }
0xc5: {  	[sflag:s29] =	ssyncadd.s32 $0xFFFFFFFF  }
0xc6: {  	_ =	strace $0x90000051  }
0xc7: {  	_ =	sfence  }
0xc8: {  	s30 =	sld [smem:$0x0];
	_ =	sdelay $0x2  }
0xc9: {  	s31 =	sshll.u32 s1, $0xD;
	s1 =	sshrl.u32 s1, $0x2  }
0xca: {  	s4 =	sand.u32 $0x4000, s31;
	s1 =	sadd.s32 s1, s30  }
0xcb: {  	s0 =	sor.u32 s4, s0;
	s1 =	sshll.u32 s1, $0x11  }
0xcc: {  	s0 =	sor.u32 s1, s0  }
0xcd: {  	s0 =	sadd.s32 $0x8F2B, s0  }
0xce: {  	[sflag:s0] =	ssyncadd.remote.s32 $0x1  }
0xcf: {  	_ =	sfence.sel $0xFFFF  }
0xd0: {  	[dreg:$0x0] =	wrdreg $0xFFFFFFFF;
	(pc) =	sbr.abs _section_cstart, $3  }
0xd1: {  	[dreg:$0x1] =	wrdreg $0xFFFFFFFF  }
0xd2: {  	_ =	task.clear_ibuf [dreg:s22], $0x2FFFF;
	_ =	strace $0x9FFFFFFF  }
0xd3: {  	(tm) =	ssettm $0x7FFFFFFF  }
tec
execute0_lowered:
.L_overlay_start_1:
0x0: {  	(tag) =	ssettag $0x1  }
0x1: {  	s0 =	rddreg [dreg:$0x0]  }
0x2: {  	s1 =	rddreg [dreg:$0x1]  }
0x3: {  	s2 =	rddreg [dreg:$0x2];
	s19 =	stileid.u32  }
0x4: {  	s3 =	rddreg [dreg:$0x3];
	s5 =	smul.u32 $0x14000, s19  }
0x5: {  	s6 =	srdreg.scid;
	s8 =	smul.u32 $0x280, s19  }
0x6: {  	s4 =	simm.s32 $0x0;
	s30 =	simm.s32 $0x0;
	s18 =	smul.u32 $0x500, s19  }
0x7: {  	s11 =	sand.u32 $0x1, s6;
	[smem:$0x7FF] =	sst s4;
	s21 =	smul.u32 $0x50000, s19  }
0x8: {  	s13 =	sadd.s32 $0x793A00, s0;
	s15 =	sshll.u32 s19, $0x1;
	s28 =	smul.u32 $0x28000, s19  }
0x9: {  	s25 =	sshll.u32 s19, $0x6;
	s19 =	simm.s32 $0x9400;
	s7 =	smul.u32 $0x140000, s11  }
0xa: {  	_ =	strace $0x80000050;
	s12 =	sshll.u32 s11, $0x7;
	s20 =	ssub.s32 $0x2, s11  }
0xb: {  	s23 =	sor.u32 s11, s15;
	s29 =	smul.u32 $0x14000, s11;
	s17 =	sshrl.u32 s5, $0x3  }
0xc: {  	s9 =	sshrl.u32 s8, $0x3;
	s22 =	sshrl.u32 s20, $0x1;
	s24 =	sshrl.u32 s21, $0x2  }
0xd: {  	s26 =	smul.u32 $0x280, s23;
	s31 =	sadd.s32 s28, s13;
	s21 =	simm.s32 $0x5400  }
0xe: {  	s6 =	sadd.s32 s17, s0;
	s5 =	sadd.s32 s5, s7;
	s9 =	sadd.s32 s9, s0  }
0xf: {  	s7 =	sor.u32 s12, s18;
	s16 =	ssub.s32 s20, s22;
	s17 =	sadd.s32 s24, s2  }
0x10: {  	s18 =	sadd.s32 s8, s3;
	s20 =	simm.s32 $0x1400;
	s22 =	simm.s32 $0x1  }
0x11: {  	s24 =	simm.s32 $0x2;
	s10 =	sshrl.u32 s5, $0x3;
	s5 =	sadd.s32 $0x5000, s0  }
0x12: {  	s7 =	sshrl.u32 s7, $0x3;
	s6 =	sadd.s32 $0xEA00, s6;
	s8 =	sadd.s32 $0x4A00, s9  }
0x13: {  	s9 =	sadd.s32 s1, s26;
	s18 =	sshrl.u32 s18, $0x3;
	s26 =	simm.s32 $0x1380  }
0x14: {  	s14 =	sadd.s32 s10, s0;
	s0 =	sadd.s32 s7, s0;
	s7 =	sor.u32 $0x1C03, s25  }
0x15: {  	s10 =	smul.u32 $0x14000, s23;
	s23 =	simm.s32 $0x80;
	s25 =	simm.s32 $0x1300  }
0x16: {  	s11 =	sadd.s32 $0x86A00, s14;
	s12 =	sadd.s32 $0x5C00, s0;
	s0 =	sadd.s32 s29, s31  }
0x17: {  	s10 =	sadd.s32 s13, s10;
	s13 =	smax.u32 s16, $0x1;
	s15 =	sadd.s32 $0x1000, s0  }
0x18: {  	s16 =	sshrl.u32 s17, $0x3;
	s17 =	simm.s32 $0x3;
	s14 =	sadd.s32 $0x13800, s10  }
.LBB2_1:
0x19: {  	[spmem:s16], [sflag:s7] =	dma.local [hbm:s6], $0x2800  }
0x1a: {  	_ =	swait.ge [sflag:s17], $0x2800  }
0x1b: {  	[sflag:s17] =	ssyncset.done $0x0  }
0x1c: {  	[sflag:s17] =	ssyncadd.s32 $0xFFFFD800  }
0x1d: {  	[spmem:s18], [sflag:s7] =	dma.local [hbm:s8], $0x50  }
0x1e: {  	_ =	swait.ge [sflag:s17], $0x50  }
0x1f: {  	[sflag:s17] =	ssyncset.done $0x0  }
0x20: {  	[sflag:s17] =	ssyncadd.s32 $0xFFFFFFB0  }
0x21: {  	[tilespmem:s19], [sflag:$0x3] =	stream.linear.gather [hbm4b:s5+s4], $0x80, $0x38;
	[tilespmem:$0x1D700] =	vst v63  }
0x22: {  	_ =	swait.ge [sflag:s17], $0x80  }
0x23: {  	[sflag:s17] =	ssyncset.done $0x0  }
0x24: {  	[sflag:s17] =	ssyncadd.s32 $0xFFFFFF80  }
0x25: {  	[tilespmem:s4], [sflag:$0x3] =	stream.linear.gather [hbm4b:s9+s4], $0x1400, $0x38;
	[tilespmem:$0x1D700] =	vst v63  }
0x26: {  	_ =	swait.ge [sflag:s17], $0x1400  }
0x27: {  	[sflag:s17] =	ssyncset.done $0x0  }
0x28: {  	[sflag:s17] =	ssyncadd.s32 $0xFFFFEC00  }
0x29: {  	[bflag:$0x0] =	sbarrier.arrive $0xFFFF  }
0x2a: {  	[tilespmem:s20], [sflag:$0x1] =	stream.linear.gather [hbm4b:s10+s4], $0x4000, $0x38;
	[tilespmem:$0x1D700] =	vst v63  }
0x2b: {  	s0 =	sadd.s32 $0xFFFFF800, s15  }
0x2c: {  	[tilespmem:s21], [sflag:$0x2] =	stream.linear.gather [hbm4b:s0+s4], $0x4000, $0x38;
	[tilespmem:$0x1D700] =	vst v63  }
0x2d: {  	_ =	swait.ge [sflag:s22], $0x4000  }
0x2e: {  	[sflag:s22] =	ssyncset.done $0x0  }
0x2f: {  	s28 =	simm.s32 $0x0;
	[sflag:s22] =	ssyncadd.s32 $0xFFFFC000  }
0x30: {  	[spmem:s2] =	stream.indirect.scatter.add.f32 [tilespmem:s20], [sflag:$0x3], $0x80, s28, s23, $0xb8;
	[tilespmem:$0x1D700] =	vst v63  }
0x31: {  	_ =	swait.ge [sflag:s17], $0x4000  }
0x32: {  	[sflag:s17] =	ssyncset.done $0x0  }
0x33: {  	[sflag:s17] =	ssyncadd.s32 $0xFFFFC000  }
0x34: {  	[spmem:s3] =	stream.indirect.scatter.add.f32 [tilespmem:s19], [sflag:$0x3], $0x1, s28, s23, $0xb8;
	[tilespmem:$0x1D700] =	vst v63  }
0x35: {  	_ =	swait.ge [sflag:s17], $0x80  }
0x36: {  	[sflag:s17] =	ssyncset.done $0x0  }
0x37: {  	[sflag:s17] =	ssyncadd.s32 $0xFFFFFF80  }
0x38: {  	[tilespmem:s20], [sflag:$0x1] =	stream.linear.gather [hbm4b:s15+s4], $0x4000, $0x38;
	[tilespmem:$0x1D700] =	vst v63  }
0x39: {  	_ =	swait.ge [sflag:s24], $0x4000  }
0x3a: {  	[sflag:s24] =	ssyncset.done $0x0  }
0x3b: {  	s29 =	simm.s32 $0x80;
	[sflag:s24] =	ssyncadd.s32 $0xFFFFC000  }
0x3c: {  	[spmem:s2] =	stream.indirect.scatter.add.f32 [tilespmem:s21], [sflag:$0x3], $0x80, s29, s23, $0xb8;
	[tilespmem:$0x1D700] =	vst v63  }
0x3d: {  	_ =	swait.ge [sflag:s17], $0x4000  }
0x3e: {  	[sflag:s17] =	ssyncset.done $0x0  }
0x3f: {  	[sflag:s17] =	ssyncadd.s32 $0xFFFFC000  }
0x40: {  	[spmem:s3] =	stream.indirect.scatter.add.f32 [tilespmem:s19], [sflag:$0x3], $0x1, s29, s23, $0xb8;
	[tilespmem:$0x1D700] =	vst v63  }
0x41: {  	s1 =	simm.s32 $0x800;
	_ =	swait.ge [sflag:s17], $0x80  }
0x42: {  	s31 =	sadd.s32 $0x1000, s15;
	s0 =	simm.s32 $0x400;
	[sflag:s17] =	ssyncset.done $0x0  }
.LBB2_2:
0x43: {  	p0 =	sne.s32 s1, $0x4800;
	s28 =	sadd.s32 $0xFFFFF800, s31;
	[sflag:s17] =	ssyncadd.s32 $0xFFFFFF80  }
0x44: {  	[tilespmem:s21], [sflag:$0x2] =	stream.linear.gather [hbm4b:s28+s4], $0x4000, $0x38;
	[tilespmem:$0x1D700] =	vst v63  }
0x45: {  	s28 =	smov.u32 s1;
	s1 =	sadd.s32 $0x400, s1;
	_ =	swait.ge [sflag:s22], $0x4000  }
0x46: {  	[sflag:s22] =	ssyncset.done $0x0  }
0x47: {  	s29 =	sshra.s32 s0, $0x2;
	s0 =	smov.u32 s28;
	[sflag:s22] =	ssyncadd.s32 $0xFFFFC000  }
0x48: {  	[spmem:s2] =	stream.indirect.scatter.add.f32 [tilespmem:s20], [sflag:$0x3], $0x80, s29, s23, $0xb8;
	[tilespmem:$0x1D700] =	vst v63  }
0x49: {  	_ =	swait.ge [sflag:s17], $0x4000  }
0x4a: {  	[sflag:s17] =	ssyncset.done $0x0  }
0x4b: {  	[sflag:s17] =	ssyncadd.s32 $0xFFFFC000  }
0x4c: {  	[spmem:s3] =	stream.indirect.scatter.add.f32 [tilespmem:s19], [sflag:$0x3], $0x1, s29, s23, $0xb8;
	[tilespmem:$0x1D700] =	vst v63  }
0x4d: {  	_ =	swait.ge [sflag:s17], $0x80  }
0x4e: {  	[sflag:s17] =	ssyncset.done $0x0  }
0x4f: {  	[sflag:s17] =	ssyncadd.s32 $0xFFFFFF80  }
0x50: {  	[tilespmem:s20], [sflag:$0x1] =	stream.linear.gather [hbm4b:s31+s4], $0x4000, $0x38;
	[tilespmem:$0x1D700] =	vst v63  }
0x51: {  	_ =	swait.ge [sflag:s24], $0x4000  }
0x52: {  	[sflag:s24] =	ssyncset.done $0x0  }
0x53: {  	s28 =	sadd.s32 $0x80, s29;
	[sflag:s24] =	ssyncadd.s32 $0xFFFFC000  }
0x54: {  	[spmem:s2] =	stream.indirect.scatter.add.f32 [tilespmem:s21], [sflag:$0x3], $0x80, s28, s23, $0xb8;
	[tilespmem:$0x1D700] =	vst v63  }
0x55: {  	_ =	swait.ge [sflag:s17], $0x4000  }
.Ltmp0:
0x56: {  	[sflag:s17] =	ssyncset.done $0x0;
	(pc) =	sbr.rel @p0 .LBB2_2-.Ltmp0, $4  }
0x57: {  	[sflag:s17] =	ssyncadd.s32 $0xFFFFC000  }
0x58: {  	[spmem:s3] =	stream.indirect.scatter.add.f32 [tilespmem:s19], [sflag:$0x3], $0x1, s28, s23, $0xb8;
	[tilespmem:$0x1D700] =	vst v63  }
0x59: {  	_ =	swait.ge [sflag:s17], $0x80  }
0x5a: {  	s31 =	sadd.s32 $0x1000, s31;
	[sflag:s17] =	ssyncset.done $0x0  }
0x5b: {  	s1 =	sadd.s32 $0xFFFFF800, s31;
	[sflag:s17] =	ssyncadd.s32 $0xFFFFFF80  }
0x5c: {  	[tilespmem:s21], [sflag:$0x2] =	stream.linear.gather [hbm4b:s1+s4], $0x4000, $0x38;
	[tilespmem:$0x1D700] =	vst v63  }
0x5d: {  	_ =	swait.ge [sflag:s22], $0x4000  }
0x5e: {  	[sflag:s22] =	ssyncset.done $0x0  }
0x5f: {  	s0 =	sshra.s32 s0, $0x2;
	[sflag:s22] =	ssyncadd.s32 $0xFFFFC000  }
0x60: {  	[spmem:s2] =	stream.indirect.scatter.add.f32 [tilespmem:s20], [sflag:$0x3], $0x80, s0, s23, $0xb8;
	[tilespmem:$0x1D700] =	vst v63  }
0x61: {  	_ =	swait.ge [sflag:s17], $0x4000  }
0x62: {  	[sflag:s17] =	ssyncset.done $0x0  }
0x63: {  	[sflag:s17] =	ssyncadd.s32 $0xFFFFC000  }
0x64: {  	[spmem:s3] =	stream.indirect.scatter.add.f32 [tilespmem:s19], [sflag:$0x3], $0x1, s0, s23, $0xb8;
	[tilespmem:$0x1D700] =	vst v63  }
0x65: {  	_ =	swait.ge [sflag:s17], $0x80  }
0x66: {  	[sflag:s17] =	ssyncset.done $0x0  }
0x67: {  	[sflag:s17] =	ssyncadd.s32 $0xFFFFFF80  }
0x68: {  	[tilespmem:s20], [sflag:$0x1] =	stream.linear.gather [hbm4b:s31+s4], $0x4000, $0x38;
	[tilespmem:$0x1D700] =	vst v63  }
0x69: {  	_ =	swait.ge [sflag:s24], $0x4000  }
0x6a: {  	[sflag:s24] =	ssyncset.done $0x0  }
0x6b: {  	s0 =	sadd.s32 $0x80, s0;
	[sflag:s24] =	ssyncadd.s32 $0xFFFFC000  }
0x6c: {  	[spmem:s2] =	stream.indirect.scatter.add.f32 [tilespmem:s21], [sflag:$0x3], $0x80, s0, s23, $0xb8;
	[tilespmem:$0x1D700] =	vst v63  }
0x6d: {  	_ =	swait.ge [sflag:s17], $0x4000  }
0x6e: {  	[sflag:s17] =	ssyncset.done $0x0  }
0x6f: {  	[sflag:s17] =	ssyncadd.s32 $0xFFFFC000  }
0x70: {  	[spmem:s3] =	stream.indirect.scatter.add.f32 [tilespmem:s19], [sflag:$0x3], $0x1, s0, s23, $0xb8;
	[tilespmem:$0x1D700] =	vst v63  }
0x71: {  	_ =	swait.ge [sflag:s17], $0x80  }
0x72: {  	[sflag:s17] =	ssyncset.done $0x0  }
0x73: {  	[sflag:s17] =	ssyncadd.s32 $0xFFFFFF80  }
0x74: {  	[tilespmem:s21], [sflag:$0x2] =	stream.linear.gather [hbm4b:s14+s4], $0x4000, $0x38;
	[tilespmem:$0x1D700] =	vst v63  }
0x75: {  	_ =	swait.ge [sflag:s22], $0x4000  }
0x76: {  	[sflag:s22] =	ssyncset.done $0x0  }
0x77: {  	[sflag:s22] =	ssyncadd.s32 $0xFFFFC000  }
0x78: {  	[spmem:s2] =	stream.indirect.scatter.add.f32 [tilespmem:s20], [sflag:$0x3], $0x80, s25, s23, $0xb8;
	[tilespmem:$0x1D700] =	vst v63  }
0x79: {  	_ =	swait.ge [sflag:s17], $0x4000  }
0x7a: {  	[sflag:s17] =	ssyncset.done $0x0  }
0x7b: {  	[sflag:s17] =	ssyncadd.s32 $0xFFFFC000  }
0x7c: {  	[spmem:s3] =	stream.indirect.scatter.add.f32 [tilespmem:s19], [sflag:$0x3], $0x1, s25, s23, $0xb8;
	[tilespmem:$0x1D700] =	vst v63  }
0x7d: {  	_ =	swait.ge [sflag:s17], $0x80  }
0x7e: {  	[sflag:s17] =	ssyncset.done $0x0  }
0x7f: {  	[sflag:s17] =	ssyncadd.s32 $0xFFFFFF80  }
0x80: {  	_ =	swait.ge [sflag:s24], $0x4000  }
0x81: {  	[sflag:s24] =	ssyncset.done $0x0  }
0x82: {  	[sflag:s24] =	ssyncadd.s32 $0xFFFFC000  }
0x83: {  	[spmem:s2] =	stream.indirect.scatter.add.f32 [tilespmem:s21], [sflag:$0x3], $0x80, s26, s23, $0xb8;
	[tilespmem:$0x1D700] =	vst v63  }
0x84: {  	_ =	swait.ge [sflag:s17], $0x4000  }
0x85: {  	[sflag:s17] =	ssyncset.done $0x0  }
0x86: {  	[sflag:s17] =	ssyncadd.s32 $0xFFFFC000  }
0x87: {  	[spmem:s3] =	stream.indirect.scatter.add.f32 [tilespmem:s19], [sflag:$0x3], $0x1, s26, s23, $0xb8;
	[tilespmem:$0x1D700] =	vst v63  }
0x88: {  	_ =	swait.ge [sflag:s17], $0x80  }
0x89: {  	[sflag:s17] =	ssyncset.done $0x0  }
0x8a: {  	[sflag:s17] =	ssyncadd.s32 $0xFFFFFF80  }
0x8b: {  	[bflag:$0x0] =	sbarrier.arrive $0xFFFF  }
0x8c: {  	[hbm:s11], [sflag:s7] =	dma.local [spmem:s16], $0x2800  }
0x8d: {  	s30 =	sadd.s32 $0x1, s30;
	_ =	swait.ge [sflag:s17], $0x2800  }
0x8e: {  	s29 =	simm.s32 $0x20;
	p0 =	sne.s32 s30, s13;
	[sflag:s17] =	ssyncset.done $0x0  }
.Ltmp1:
0x8f: {  	s31 =	simm.s32 $0x10;
	[sflag:s17] =	ssyncadd.s32 $0xFFFFD800;
	(pc) =	sbr.rel @p0 .LBB2_1-.Ltmp1, $4  }
0x90: {  	[hbm:s12@s29], [sflag:s7] =	dma.strided [spmem:s18@s31], $0x50, s22, $0x10   }
0x91: {  	_ =	swait.ge [sflag:s17], $0x50  }
0x92: {  	[sflag:s17] =	ssyncset.done $0x0  }
0x93: {  	[sflag:s17] =	ssyncadd.s32 $0xFFFFFFB0  }
0x94: {  	_ =	sfence.sel $0x180000  }
0x95: {  	[bflag:$0x0] =	sbarrier.arrive $0xFFFF  }
0x96: {  	_ =	strace $0x90000050  }
0x97: {  	s0 =	stileid.u32;
	[bflag:$0x2] =	sbarrier.arrive $0xFFFF  }
0x98: {  	p0 =	sne.s32 s0, $0x0;
	s0 =	rddreg [dreg:$0x4]  }
0x99: {  	s0 =	sadd.s32 @!p0 $0x100000, s0  }
0x9a: {  	[sflag:s0] =	ssyncadd.tile.s32 @!p0 $0x1;
	_ =	shalt  }
.Lfunc_end2:
_tile_overlayer_lowered:
.L_overlay_start_2:
0x9b: {  	(tag) =	ssettag $0x2  }
0x9c: {  	s0 =	rddreg [dreg:$0x0];
	s2 =	stileid.u32  }
0x9d: {  	s1 =	rddreg [dreg:$0x1];
	p0 =	sne.s32 s2, $0x0  }
0x9e: {  	s3 =	rddreg [dreg:$0x2];
	[bflag:$0x3] =	sbarrier.arrive $0xFFFF;
	s2 =	simm.s32 @!p0 $0x1C03  }
0x9f: {  	[timem:s3], [sflag:s2] =	dma.local @!p0 [hbm:s0], s1  }
0xa0: {  	s0 =	simm.s32 @!p0 $0x3  }
0xa1: {  	_ =	swait.ge @!p0 [sflag:s0], s1  }
0xa2: {  	s1 =	ssub.s32 @!p0 $0x0, s1;
	[sflag:s0] =	ssyncset.done @!p0 $0x0  }
0xa3: {  	[sflag:s0] =	ssyncadd.s32 @!p0 s1  }
0xa4: {  	[bflag:$0x3] =	sbarrier.arrive $0xFFFF  }
0xa5: {  	_ =	shalt  }

// kernel: kernel.18.cloned.1.call-start
scs
__scs_entry_jumppad:
0x0: {  	(pc) =	sbr.rel $0x88, $3  }
0x1: {  	(tag) =	ssettag $0x0;
	lr =	simm.s32 $0x1  }
0x2: {  	[smem:$0x3F94] =	sst lr;
	_ =	strace $0xD0000000  }
0x3: {  	_ = 	snop  }
0x4: {  	_ = 	snop  }
0x5: {  	_ = 	snop  }
0x6: {  	_ = 	snop  }
0x7: {  	_ = 	snop  }
__scs_overlays_trampoline_lowered:
0x8: {  	[smem:$0x3FA3] =	sst s0  }
0x9: {  	[smem:$0x3FA4] =	sst s1  }
0xa: {  	[smem:$0x3FA5] =	sst s2  }
0xb: {  	[smem:$0x3FA6] =	sst s3  }
0xc: {  	[smem:$0x3FA7] =	sst s4  }
0xd: {  	[smem:$0x3FA8] =	sst s5  }
0xe: {  	[smem:$0x3FA9] =	sst s6  }
0xf: {  	[smem:$0x3FAA] =	sst s7  }
0x10: {  	[smem:$0x3FAB] =	sst s8  }
0x11: {  	[smem:$0x3FAC] =	sst s9;
	s0 =	simm.s32 @!p0 $0x0  }
0x12: {  	s1 =	sld [smem:$0x3F92];
	s0 =	simm.s32 @p0 $0x1  }
0x13: {  	[smem:$0x3FAD] =	sst s0;
	s0 =	simm.s32 @!p1 $0x0  }
0x14: {  	s2 =	sld [smem:$0x3F91];
	s0 =	simm.s32 @p1 $0x1  }
0x15: {  	[smem:$0x3FAE] =	sst s0;
	s0 =	simm.s32 @!p2 $0x0  }
0x16: {  	s3 =	sld [smem:$0x3FDB];
	s0 =	simm.s32 @p2 $0x1  }
0x17: {  	s4 =	simm.s32 $0x1BF5;
	[smem:$0x3FB0] =	sst s0  }
0x18: {  	s0 =	sld [smem:$0x3F93];
	_ =	swait.ge [sflag:s4], $0x0  }
0x19: {  	s7 =	sld [smem:$0x3F94]  }
0x1a: {  	s8 =	sadd.s32 $0xFFFFE003, lr  }
0x1b: {  	s9 =	sadd.s32 $0xFFFFFEF7, lr;
	s5 =	simm.s32 $0xFFFFFFFF;
	p2 =	slt.u32 s8, $0xFFFFF086  }
0x1c: {  	p1 =	slt.u32 s9, $0xF7A;
	s5 =	simm.s32 @!p2 $0x0  }
0x1d: {  	s5 =	simm.s32 @p1 $0x1;
	p0 =	seq.s32 s7, s2  }
0x1e: {  	s7 =	smul.u32 @!p0 $0xF7A, s2;
	p2 =	seq.s32 @!p0 s5, $0x0  }
0x1f: {  	s9 =	smul.u32 $0xF7A, s1;
	s8 =	simm.s32 @!p0 $0x1BF5;
	p2 =	por !p2, p0  }
0x20: {  	[sflag:s8] =	ssyncset.s32 @!p0 $0xFFFFF086;
	s6 =	sadd.s32 @!p0 s3, s7;
	s7 =	simm.s32 @!p0 $0x108  }
0x21: {  	s3 =	sadd.s32 s3, s9;
	s6 =	sadd.s32 @!p0 $0x88, s6;
	s7 =	simm.s32 @p2 $0x1082  }
0x22: {  	[simem:s7], [sflag:s8] =	dma.local @!p0 [hbm:s6], $0xF7A  }
0x23: {  	s9 =	sor.u32 $0xD0000000, s2;
	s6 =	simm.s32 $0x108;
	_ =	swait.ge @!p0 [sflag:s8], $0x0  }
0x24: {  	s3 =	sadd.s32 $0x88, s3;
	s6 =	simm.s32 @!p1 $0x1082;
	[sflag:s4] =	ssyncset.s32 $0xFFFFF086  }
0x25: {  	[simem:s6], [sflag:s4] =	dma.local [hbm:s3], $0xF7A  }
0x26: {  	[smem:$0x3F94] =	sst s1;
	(tag) =	ssettag s2;
	_ =	strace s9  }
0x27: {  	s1 =	sld [smem:$0x3FA4]  }
0x28: {  	s2 =	sld [smem:$0x3FA5]  }
0x29: {  	s4 =	sld [smem:$0x3FA7]  }
0x2a: {  	p0 =	seq.s32 s5, $0x0;
	s5 =	sld [smem:$0x3FA8]  }
0x2b: {  	s6 =	sld [smem:$0x3FA9]  }
0x2c: {  	s7 =	sld [smem:$0x3FAA]  }
0x2d: {  	s3 =	simm.s32 $0x108;
	s8 =	sld [smem:$0x3FAB]  }
0x2e: {  	s3 =	simm.s32 @!p0 $0x1082;
	s9 =	sld [smem:$0x3FAC]  }
0x2f: {  	lr =	sadd.s32 s0, s3;
	s0 =	sld [smem:$0x3FA3]  }
0x30: {  	s3 =	sld [smem:$0x3FA6]  }
0x31: {  	[smem:$0x3FAF] =	sst s10  }
0x32: {  	s10 =	sld [smem:$0x3FAD];
	_ =	sdelay $0x3  }
0x33: {  	p0 =	seq.s32 s10, $0x1;
	s10 =	sld [smem:$0x3FAF];
	_ =	sdelay $0x3  }
0x34: {  	[smem:$0x3FAF] =	sst s10  }
0x35: {  	s10 =	sld [smem:$0x3FAE];
	_ =	sdelay $0x3  }
0x36: {  	p1 =	seq.s32 s10, $0x1;
	s10 =	sld [smem:$0x3FAF];
	_ =	sdelay $0x3  }
0x37: {  	[smem:$0x3FAF] =	sst s10  }
0x38: {  	s10 =	sld [smem:$0x3FB0]  }
0x39: {  	_ = 	snop;
	(pc) =	sbr.ind lr, $3  }
0x3a: {  	_ = 	snop  }
0x3b: {  	_ = 	snop  }
0x3c: {  	p2 =	seq.s32 s10, $0x1;
	s10 =	sld [smem:$0x3FAF]  }
0x3d: {  	_ =	shalt  }
0x3e: {  	_ =	shalt  }
0x3f: {  	_ =	shalt  }
0x40: {  	_ =	shalt  }
0x41: {  	_ =	shalt  }
0x42: {  	_ =	shalt  }
0x43: {  	_ =	shalt  }
0x44: {  	_ =	shalt  }
0x45: {  	_ =	shalt  }
0x46: {  	_ =	shalt  }
0x47: {  	_ =	shalt  }
0x48: {  	_ =	shalt  }
0x49: {  	_ =	shalt  }
0x4a: {  	_ =	shalt  }
0x4b: {  	_ =	shalt  }
0x4c: {  	_ =	shalt  }
0x4d: {  	_ =	shalt  }
0x4e: {  	_ =	shalt  }
0x4f: {  	_ =	shalt  }
0x50: {  	_ =	shalt  }
0x51: {  	_ =	shalt  }
0x52: {  	_ =	shalt  }
0x53: {  	_ =	shalt  }
0x54: {  	_ =	shalt  }
0x55: {  	_ =	shalt  }
0x56: {  	_ =	shalt  }
0x57: {  	_ =	shalt  }
0x58: {  	_ =	shalt  }
0x59: {  	_ =	shalt  }
0x5a: {  	_ =	shalt  }
0x5b: {  	_ =	shalt  }
0x5c: {  	_ =	shalt  }
0x5d: {  	_ =	shalt  }
0x5e: {  	_ =	shalt  }
0x5f: {  	_ =	shalt  }
0x60: {  	_ =	shalt  }
0x61: {  	_ =	shalt  }
0x62: {  	_ =	shalt  }
0x63: {  	_ =	shalt  }
0x64: {  	_ =	shalt  }
0x65: {  	_ =	shalt  }
0x66: {  	_ =	shalt  }
0x67: {  	_ =	shalt  }
0x68: {  	_ =	shalt  }
0x69: {  	_ =	shalt  }
0x6a: {  	_ =	shalt  }
0x6b: {  	_ =	shalt  }
0x6c: {  	_ =	shalt  }
0x6d: {  	_ =	shalt  }
0x6e: {  	_ =	shalt  }
0x6f: {  	_ =	shalt  }
0x70: {  	_ =	shalt  }
0x71: {  	_ =	shalt  }
0x72: {  	_ =	shalt  }
0x73: {  	_ =	shalt  }
0x74: {  	_ =	shalt  }
0x75: {  	_ =	shalt  }
0x76: {  	_ =	shalt  }
0x77: {  	_ =	shalt  }
0x78: {  	_ =	shalt  }
0x79: {  	_ =	shalt  }
0x7a: {  	_ =	shalt  }
0x7b: {  	_ =	shalt  }
0x7c: {  	_ =	shalt  }
0x7d: {  	_ =	shalt  }
0x7e: {  	_ =	shalt  }
0x7f: {  	_ =	shalt  }
0x80: {  	_ =	shalt  }
0x81: {  	_ =	shalt  }
0x82: {  	_ =	shalt  }
0x83: {  	_ =	shalt  }
0x84: {  	_ =	shalt  }
0x85: {  	_ =	shalt  }
0x86: {  	_ =	shalt  }
0x87: {  	_ =	shalt  }
.Lfunc_end0:
.L_simem_size_0:
called_computation.3_lowered:
.L_overlay_start_0:
0x88: {  	s2 =	sld [smem:$0x3FD9]  }
0x89: {  	s3 =	sld [smem:$0x3FFE];
	_ =	sdelay $0x1  }
0x8a: {  	s1 =	srdreg.scid  }
0x8b: {  	s0 =	sand.u32 $0x1, s1  }
0x8c: {  	s17 =	sshll.u32 s0, $0xA;
	s2 =	sadd.s32 s3, s2  }
0x8d: {  	s2 =	sadd.s32 s2, s17  }
0x8e: {  	[smem:$0x3FBB] =	sst s2  }
0x8f: {  	_ = 	snop  }
0x90: {  	(tm) =	ssettm $0x1  }
0x91: {  	s18 =	sld [smem:$0x3FFB];
	_ =	sdelay $0x3  }
0x92: {  	_ =	strace s18  }
0x93: {  	s2 =	sld [smem:$0x3FFC];
	_ =	sdelay $0x3  }
0x94: {  	_ =	strace s2  }
0x95: {  	s2 =	sld [smem:$0x3FFD];
	_ =	sdelay $0x3  }
0x96: {  	_ =	strace s2  }
0x97: {  	_ =	strace $0x8FFFFFFF  }
0x98: {  	s19 =	sld [smem:$0x3FDB];
	_ =	sdelay $0x1  }
0x99: {  	s20 =	simm.s32 $_scs_section_size  }
0x9a: {  	s4 =	simm.s32 $_size__tile_overlayer_lowered;
	s5 =	simm.s32 $_tile_overlayer_lowered  }
0x9b: {  	s6 =	simm.s32 $0x1BFF;
	s21 =	sshll.u32 s5, $0x1;
	s3 =	sadd.s32 s20, s19  }
0x9c: {  	s22 =	simm.s32 $0x0;
	s4 =	sshll.u32 s4, $0x1;
	s5 =	sadd.s32 s21, s3  }
0x9d: {  	[timem:s22], [sflag:s6] =	dma.local [hbm:s5], s4  }
0x9e: {  	_ =	swait.ge [sflag:s6], s4  }
0x9f: {  	s4 =	ssub.s32 $0x0, s4;
	[sflag:s6] =	ssyncset.done $0x0  }
0xa0: {  	[sflag:s6] =	ssyncadd.s32 s4;
	_ =	sdelay $0x1  }
0xa1: {  	s23 =	simm.s32 $0x1B8B  }
0xa2: {  	_ =	swait.ge [sflag:s23], $0x1  }
0xa3: {  	[sflag:s23] =	ssyncset.done $0x0  }
0xa4: {  	[sflag:s23] =	ssyncadd.s32 $0xFFFFFFFF  }
0xa5: {  	s4 =	sld [smem:$0x0]  }
0xa6: {  	s5 =	sand.u32 $0xFFFFFFFE, s1  }
0xa7: {  	p0 =	sne.s32 s1, s5  }
0xa8: {  	s5 =	sshll.u32 @p0 s5, $0xE  }
0xa9: {  	s5 =	sadd.s32 @p0 $0x11B8D, s5;
	s6 =	sshll.u32 @p0 s4, $0x11  }
0xaa: {  	s5 =	sor.u32 @p0 s6, s5  }
0xab: {  	[sflag:s5] =	ssyncadd.remote.s32 @p0 $0x1;
	_ =	sdelay $0x1  }
0xac: {  	s5 =	simm.s32 @p0 $0x1B8D  }
0xad: {  	_ =	swait.eq @p0 [sflag:s5], $0x1  }
0xae: {  	[sflag:s5] =	ssyncadd.s32 @p0 $0xFFFFFFFF  }
0xaf: {  	s6 =	sshll.u32 @!p0 s1, $0xE  }
0xb0: {  	s6 =	sor.u32 @!p0 $0x4000, s6;
	s5 =	simm.s32 @!p0 $0x1B8D  }
0xb1: {  	s4 =	sshll.u32 @!p0 s4, $0x11;
	s6 =	sadd.s32 @!p0 $0x11B8D, s6;
	_ =	swait.eq @!p0 [sflag:s5], $0x1  }
0xb2: {  	s4 =	sor.u32 @!p0 s4, s6;
	[sflag:s5] =	ssyncadd.s32 @!p0 $0xFFFFFFFF  }
0xb3: {  	s25 =	simm.s32 $0x1B8E;
	s24 =	sld [smem:$0x3FFE];
	[sflag:s4] =	ssyncadd.remote.s32 @!p0 $0x1  }
0xb4: {  	s26 =	simm.s32 $execute0_lowered;
	[smem:$0x3FD2] =	sst s25  }
0xb5: {  	s5 =	sshll.u32 s26, $0x1;
	_ =	strace $0x8000004C;
	[dreg:$0x1] =	wrdreg $0xFFFFFFFF  }
0xb6: {  	s28 =	simm.s32 $_size_execute0_lowered;
	s3 =	sadd.s32 s3, s5;
	[dreg:$0x0] =	wrdreg $0x0  }
0xb7: {  	s5 =	sshll.u32 s28, $0x1;
	[dreg:$0x2] =	wrdreg s3  }
0xb8: {  	[dreg:$0x3] =	wrdreg s5  }
0xb9: {  	[dreg:$0x4] =	wrdreg $0xC0  }
0xba: {  	_ =	task [dreg:s22], $0x5FFFF  }
0xbb: {  	[dreg:$0x1] =	wrdreg $0xFFFFFFFF  }
0xbc: {  	[dreg:$0x0] =	wrdreg $0x60  }
0xbd: {  	[dreg:$0x2] =	wrdreg s24  }
0xbe: {  	[dreg:$0x3] =	wrdreg $0x94800  }
0xbf: {  	[dreg:$0x4] =	wrdreg $0x1D4800  }
0xc0: {  	[dreg:$0x5] =	wrdreg $0xA  }
0xc1: {  	_ =	task.clear_ibuf [dreg:s22], $0x6FFFF;
	_ =	strace $0x9000004C  }
0xc2: {  	s29 =	simm.s32 $0xA;
	_ =	strace $0x8000004E  }
0xc3: {  	_ =	swait.ge [sflag:s29], $0x1  }
0xc4: {  	[sflag:s29] =	ssyncadd.s32 $0xFFFFFFFF  }
0xc5: {  	_ =	strace $0x9000004E  }
0xc6: {  	_ =	sfence  }
0xc7: {  	s30 =	sld [smem:$0x0];
	_ =	sdelay $0x2  }
0xc8: {  	s31 =	sshll.u32 s1, $0xD;
	s1 =	sshrl.u32 s1, $0x2  }
0xc9: {  	s4 =	sand.u32 $0x4000, s31;
	s1 =	sadd.s32 s1, s30  }
0xca: {  	s0 =	sor.u32 s4, s0;
	s1 =	sshll.u32 s1, $0x11  }
0xcb: {  	s0 =	sor.u32 s1, s0  }
0xcc: {  	s0 =	sadd.s32 $0x8F2B, s0  }
0xcd: {  	[sflag:s0] =	ssyncadd.remote.s32 $0x1  }
0xce: {  	_ =	sfence.sel $0xFFFF  }
0xcf: {  	[dreg:$0x0] =	wrdreg $0xFFFFFFFF;
	(pc) =	sbr.abs _section_cstart, $3  }
0xd0: {  	[dreg:$0x1] =	wrdreg $0xFFFFFFFF  }
0xd1: {  	_ =	task.clear_ibuf [dreg:s22], $0x2FFFF;
	_ =	strace $0x9FFFFFFF  }
0xd2: {  	(tm) =	ssettm $0x7FFFFFFF  }
0xd3: {  	_ =	shalt  }
tec
execute0_lowered:
.L_overlay_start_1:
0x0: {  	(tag) =	ssettag $0x1  }
0x1: {  	s0 =	srdreg.scid  }
0x2: {  	s19 =	stileid.u32;
	s1 =	rddreg [dreg:$0x0]  }
0x3: {  	s2 =	rddreg [dreg:$0x1];
	s6 =	smul.u32 $0x14000, s19  }
0x4: {  	s4 =	simm.s32 $0x0;
	s30 =	simm.s32 $0x0;
	s9 =	smul.u32 $0x280, s19  }
0x5: {  	s0 =	sand.u32 $0x1, s0;
	s3 =	sshll.u32 s19, $0x1;
	s20 =	smul.u32 $0x500, s19  }
0x6: {  	[smem:$0x7FF] =	sst s4;
	s13 =	sadd.s32 $0x513A00, s1;
	s22 =	smul.u32 $0x50000, s19  }
0x7: {  	s26 =	sshll.u32 s19, $0x6;
	s29 =	smul.u32 $0x28000, s19;
	s19 =	simm.s32 $0x9400  }
0x8: {  	s8 =	sor.u32 s0, s3;
	s3 =	rddreg [dreg:$0x2];
	s11 =	smul.u32 $0x140000, s0  }
0x9: {  	s21 =	sshll.u32 s0, $0x7;
	s24 =	ssub.s32 $0x2, s0;
	s0 =	smul.u32 $0x14000, s0  }
0xa: {  	_ =	strace $0x8000004D;
	s5 =	smul.u32 $0x280, s8;
	s18 =	sshrl.u32 s6, $0x3  }
0xb: {  	s7 =	sshrl.u32 s9, $0x3;
	s25 =	sshrl.u32 s24, $0x1;
	s28 =	smul.u32 $0x14000, s8  }
0xc: {  	s31 =	sadd.s32 s29, s13;
	s12 =	sadd.s32 s18, s1;
	s14 =	sadd.s32 s7, s1  }
0xd: {  	s6 =	sadd.s32 s6, s11;
	s7 =	sor.u32 s21, s20;
	s11 =	sshrl.u32 s22, $0x2  }
0xe: {  	s16 =	ssub.s32 s24, s25;
	s18 =	sadd.s32 s9, s3;
	s0 =	sadd.s32 s0, s31  }
0xf: {  	s20 =	simm.s32 $0x1400;
	s21 =	simm.s32 $0x5400;
	s22 =	simm.s32 $0x1  }
0x10: {  	s24 =	simm.s32 $0x2;
	s25 =	simm.s32 $0x1300;
	s10 =	sadd.s32 s5, s1  }
0x11: {  	s5 =	sadd.s32 $0x5000, s1;
	s6 =	sshrl.u32 s6, $0x3;
	s23 =	sshrl.u32 s7, $0x3  }
0x12: {  	s17 =	sadd.s32 s11, s2;
	s7 =	sor.u32 $0x1C03, s26;
	s8 =	sadd.s32 $0x4A00, s14  }
0x13: {  	s18 =	sshrl.u32 s18, $0x3;
	s26 =	simm.s32 $0x1380;
	s15 =	sadd.s32 s6, s1  }
0x14: {  	s1 =	sadd.s32 s23, s1;
	s6 =	sadd.s32 $0xEA00, s12;
	s9 =	sadd.s32 $0x9A00, s10  }
0x15: {  	s10 =	sadd.s32 s13, s28;
	s13 =	smax.u32 s16, $0x1;
	s16 =	sshrl.u32 s17, $0x3  }
0x16: {  	s17 =	simm.s32 $0x3;
	s23 =	simm.s32 $0x80;
	s11 =	sadd.s32 $0x36A00, s15  }
0x17: {  	s12 =	sadd.s32 $0x5200, s1;
	s14 =	sadd.s32 $0x13800, s10;
	s15 =	sadd.s32 $0x1000, s0  }
.LBB2_1:
0x18: {  	[spmem:s16], [sflag:s7] =	dma.local [hbm:s6], $0x2800  }
0x19: {  	_ =	swait.ge [sflag:s17], $0x2800  }
0x1a: {  	[sflag:s17] =	ssyncset.done $0x0  }
0x1b: {  	[sflag:s17] =	ssyncadd.s32 $0xFFFFD800  }
0x1c: {  	[spmem:s18], [sflag:s7] =	dma.local [hbm:s8], $0x50  }
0x1d: {  	_ =	swait.ge [sflag:s17], $0x50  }
0x1e: {  	[sflag:s17] =	ssyncset.done $0x0  }
0x1f: {  	[sflag:s17] =	ssyncadd.s32 $0xFFFFFFB0  }
0x20: {  	[tilespmem:s19], [sflag:$0x3] =	stream.linear.gather [hbm4b:s5+s4], $0x80, $0x38;
	[tilespmem:$0x1D700] =	vst v63  }
0x21: {  	_ =	swait.ge [sflag:s17], $0x80  }
0x22: {  	[sflag:s17] =	ssyncset.done $0x0  }
0x23: {  	[sflag:s17] =	ssyncadd.s32 $0xFFFFFF80  }
0x24: {  	[tilespmem:s4], [sflag:$0x3] =	stream.linear.gather [hbm4b:s9+s4], $0x1400, $0x38;
	[tilespmem:$0x1D700] =	vst v63  }
0x25: {  	_ =	swait.ge [sflag:s17], $0x1400  }
0x26: {  	[sflag:s17] =	ssyncset.done $0x0  }
0x27: {  	[sflag:s17] =	ssyncadd.s32 $0xFFFFEC00  }
0x28: {  	[bflag:$0x0] =	sbarrier.arrive $0xFFFF  }
0x29: {  	[tilespmem:s20], [sflag:$0x1] =	stream.linear.gather [hbm4b:s10+s4], $0x4000, $0x38;
	[tilespmem:$0x1D700] =	vst v63  }
0x2a: {  	s0 =	sadd.s32 $0xFFFFF800, s15  }
0x2b: {  	[tilespmem:s21], [sflag:$0x2] =	stream.linear.gather [hbm4b:s0+s4], $0x4000, $0x38;
	[tilespmem:$0x1D700] =	vst v63  }
0x2c: {  	_ =	swait.ge [sflag:s22], $0x4000  }
0x2d: {  	[sflag:s22] =	ssyncset.done $0x0  }
0x2e: {  	s28 =	simm.s32 $0x0;
	[sflag:s22] =	ssyncadd.s32 $0xFFFFC000  }
0x2f: {  	[spmem:s2] =	stream.indirect.scatter.add.f32 [tilespmem:s20], [sflag:$0x3], $0x80, s28, s23, $0xb8;
	[tilespmem:$0x1D700] =	vst v63  }
0x30: {  	_ =	swait.ge [sflag:s17], $0x4000  }
0x31: {  	[sflag:s17] =	ssyncset.done $0x0  }
0x32: {  	[sflag:s17] =	ssyncadd.s32 $0xFFFFC000  }
0x33: {  	[spmem:s3] =	stream.indirect.scatter.add.f32 [tilespmem:s19], [sflag:$0x3], $0x1, s28, s23, $0xb8;
	[tilespmem:$0x1D700] =	vst v63  }
0x34: {  	_ =	swait.ge [sflag:s17], $0x80  }
0x35: {  	[sflag:s17] =	ssyncset.done $0x0  }
0x36: {  	[sflag:s17] =	ssyncadd.s32 $0xFFFFFF80  }
0x37: {  	[tilespmem:s20], [sflag:$0x1] =	stream.linear.gather [hbm4b:s15+s4], $0x4000, $0x38;
	[tilespmem:$0x1D700] =	vst v63  }
0x38: {  	_ =	swait.ge [sflag:s24], $0x4000  }
0x39: {  	[sflag:s24] =	ssyncset.done $0x0  }
0x3a: {  	s29 =	simm.s32 $0x80;
	[sflag:s24] =	ssyncadd.s32 $0xFFFFC000  }
0x3b: {  	[spmem:s2] =	stream.indirect.scatter.add.f32 [tilespmem:s21], [sflag:$0x3], $0x80, s29, s23, $0xb8;
	[tilespmem:$0x1D700] =	vst v63  }
0x3c: {  	_ =	swait.ge [sflag:s17], $0x4000  }
0x3d: {  	[sflag:s17] =	ssyncset.done $0x0  }
0x3e: {  	[sflag:s17] =	ssyncadd.s32 $0xFFFFC000  }
0x3f: {  	[spmem:s3] =	stream.indirect.scatter.add.f32 [tilespmem:s19], [sflag:$0x3], $0x1, s29, s23, $0xb8;
	[tilespmem:$0x1D700] =	vst v63  }
0x40: {  	s1 =	simm.s32 $0x400;
	_ =	swait.ge [sflag:s17], $0x80  }
0x41: {  	s31 =	sadd.s32 $0x1000, s15;
	s0 =	simm.s32 $0x800;
	[sflag:s17] =	ssyncset.done $0x0  }
.LBB2_2:
0x42: {  	p0 =	sne.s32 s0, $0x4800;
	s28 =	sadd.s32 $0xFFFFF800, s31;
	[sflag:s17] =	ssyncadd.s32 $0xFFFFFF80  }
0x43: {  	[tilespmem:s21], [sflag:$0x2] =	stream.linear.gather [hbm4b:s28+s4], $0x4000, $0x38;
	[tilespmem:$0x1D700] =	vst v63  }
0x44: {  	s28 =	smov.u32 s0;
	s0 =	sadd.s32 $0x400, s0;
	_ =	swait.ge [sflag:s22], $0x4000  }
0x45: {  	[sflag:s22] =	ssyncset.done $0x0  }
0x46: {  	s29 =	sshra.s32 s1, $0x2;
	s1 =	smov.u32 s28;
	[sflag:s22] =	ssyncadd.s32 $0xFFFFC000  }
0x47: {  	[spmem:s2] =	stream.indirect.scatter.add.f32 [tilespmem:s20], [sflag:$0x3], $0x80, s29, s23, $0xb8;
	[tilespmem:$0x1D700] =	vst v63  }
0x48: {  	_ =	swait.ge [sflag:s17], $0x4000  }
0x49: {  	[sflag:s17] =	ssyncset.done $0x0  }
0x4a: {  	[sflag:s17] =	ssyncadd.s32 $0xFFFFC000  }
0x4b: {  	[spmem:s3] =	stream.indirect.scatter.add.f32 [tilespmem:s19], [sflag:$0x3], $0x1, s29, s23, $0xb8;
	[tilespmem:$0x1D700] =	vst v63  }
0x4c: {  	_ =	swait.ge [sflag:s17], $0x80  }
0x4d: {  	[sflag:s17] =	ssyncset.done $0x0  }
0x4e: {  	[sflag:s17] =	ssyncadd.s32 $0xFFFFFF80  }
0x4f: {  	[tilespmem:s20], [sflag:$0x1] =	stream.linear.gather [hbm4b:s31+s4], $0x4000, $0x38;
	[tilespmem:$0x1D700] =	vst v63  }
0x50: {  	_ =	swait.ge [sflag:s24], $0x4000  }
0x51: {  	[sflag:s24] =	ssyncset.done $0x0  }
0x52: {  	s28 =	sadd.s32 $0x80, s29;
	[sflag:s24] =	ssyncadd.s32 $0xFFFFC000  }
0x53: {  	[spmem:s2] =	stream.indirect.scatter.add.f32 [tilespmem:s21], [sflag:$0x3], $0x80, s28, s23, $0xb8;
	[tilespmem:$0x1D700] =	vst v63  }
0x54: {  	_ =	swait.ge [sflag:s17], $0x4000  }
.Ltmp0:
0x55: {  	[sflag:s17] =	ssyncset.done $0x0;
	(pc) =	sbr.rel @p0 .LBB2_2-.Ltmp0, $4  }
0x56: {  	[sflag:s17] =	ssyncadd.s32 $0xFFFFC000  }
0x57: {  	[spmem:s3] =	stream.indirect.scatter.add.f32 [tilespmem:s19], [sflag:$0x3], $0x1, s28, s23, $0xb8;
	[tilespmem:$0x1D700] =	vst v63  }
0x58: {  	_ =	swait.ge [sflag:s17], $0x80  }
0x59: {  	s31 =	sadd.s32 $0x1000, s31;
	[sflag:s17] =	ssyncset.done $0x0  }
0x5a: {  	s0 =	sadd.s32 $0xFFFFF800, s31;
	[sflag:s17] =	ssyncadd.s32 $0xFFFFFF80  }
0x5b: {  	[tilespmem:s21], [sflag:$0x2] =	stream.linear.gather [hbm4b:s0+s4], $0x4000, $0x38;
	[tilespmem:$0x1D700] =	vst v63  }
0x5c: {  	_ =	swait.ge [sflag:s22], $0x4000  }
0x5d: {  	[sflag:s22] =	ssyncset.done $0x0  }
0x5e: {  	s28 =	sshra.s32 s1, $0x2;
	[sflag:s22] =	ssyncadd.s32 $0xFFFFC000  }
0x5f: {  	[spmem:s2] =	stream.indirect.scatter.add.f32 [tilespmem:s20], [sflag:$0x3], $0x80, s28, s23, $0xb8;
	[tilespmem:$0x1D700] =	vst v63  }
0x60: {  	_ =	swait.ge [sflag:s17], $0x4000  }
0x61: {  	[sflag:s17] =	ssyncset.done $0x0  }
0x62: {  	[sflag:s17] =	ssyncadd.s32 $0xFFFFC000  }
0x63: {  	[spmem:s3] =	stream.indirect.scatter.add.f32 [tilespmem:s19], [sflag:$0x3], $0x1, s28, s23, $0xb8;
	[tilespmem:$0x1D700] =	vst v63  }
0x64: {  	_ =	swait.ge [sflag:s17], $0x80  }
0x65: {  	[sflag:s17] =	ssyncset.done $0x0  }
0x66: {  	[sflag:s17] =	ssyncadd.s32 $0xFFFFFF80  }
0x67: {  	[tilespmem:s20], [sflag:$0x1] =	stream.linear.gather [hbm4b:s31+s4], $0x4000, $0x38;
	[tilespmem:$0x1D700] =	vst v63  }
0x68: {  	_ =	swait.ge [sflag:s24], $0x4000  }
0x69: {  	[sflag:s24] =	ssyncset.done $0x0  }
0x6a: {  	s0 =	sadd.s32 $0x80, s28;
	[sflag:s24] =	ssyncadd.s32 $0xFFFFC000  }
0x6b: {  	[spmem:s2] =	stream.indirect.scatter.add.f32 [tilespmem:s21], [sflag:$0x3], $0x80, s0, s23, $0xb8;
	[tilespmem:$0x1D700] =	vst v63  }
0x6c: {  	_ =	swait.ge [sflag:s17], $0x4000  }
0x6d: {  	[sflag:s17] =	ssyncset.done $0x0  }
0x6e: {  	[sflag:s17] =	ssyncadd.s32 $0xFFFFC000  }
0x6f: {  	[spmem:s3] =	stream.indirect.scatter.add.f32 [tilespmem:s19], [sflag:$0x3], $0x1, s0, s23, $0xb8;
	[tilespmem:$0x1D700] =	vst v63  }
0x70: {  	_ =	swait.ge [sflag:s17], $0x80  }
0x71: {  	[sflag:s17] =	ssyncset.done $0x0  }
0x72: {  	[sflag:s17] =	ssyncadd.s32 $0xFFFFFF80  }
0x73: {  	[tilespmem:s21], [sflag:$0x2] =	stream.linear.gather [hbm4b:s14+s4], $0x4000, $0x38;
	[tilespmem:$0x1D700] =	vst v63  }
0x74: {  	_ =	swait.ge [sflag:s22], $0x4000  }
0x75: {  	[sflag:s22] =	ssyncset.done $0x0  }
0x76: {  	[sflag:s22] =	ssyncadd.s32 $0xFFFFC000  }
0x77: {  	[spmem:s2] =	stream.indirect.scatter.add.f32 [tilespmem:s20], [sflag:$0x3], $0x80, s25, s23, $0xb8;
	[tilespmem:$0x1D700] =	vst v63  }
0x78: {  	_ =	swait.ge [sflag:s17], $0x4000  }
0x79: {  	[sflag:s17] =	ssyncset.done $0x0  }
0x7a: {  	[sflag:s17] =	ssyncadd.s32 $0xFFFFC000  }
0x7b: {  	[spmem:s3] =	stream.indirect.scatter.add.f32 [tilespmem:s19], [sflag:$0x3], $0x1, s25, s23, $0xb8;
	[tilespmem:$0x1D700] =	vst v63  }
0x7c: {  	_ =	swait.ge [sflag:s17], $0x80  }
0x7d: {  	[sflag:s17] =	ssyncset.done $0x0  }
0x7e: {  	[sflag:s17] =	ssyncadd.s32 $0xFFFFFF80  }
0x7f: {  	_ =	swait.ge [sflag:s24], $0x4000  }
0x80: {  	[sflag:s24] =	ssyncset.done $0x0  }
0x81: {  	[sflag:s24] =	ssyncadd.s32 $0xFFFFC000  }
0x82: {  	[spmem:s2] =	stream.indirect.scatter.add.f32 [tilespmem:s21], [sflag:$0x3], $0x80, s26, s23, $0xb8;
	[tilespmem:$0x1D700] =	vst v63  }
0x83: {  	_ =	swait.ge [sflag:s17], $0x4000  }
0x84: {  	[sflag:s17] =	ssyncset.done $0x0  }
0x85: {  	[sflag:s17] =	ssyncadd.s32 $0xFFFFC000  }
0x86: {  	[spmem:s3] =	stream.indirect.scatter.add.f32 [tilespmem:s19], [sflag:$0x3], $0x1, s26, s23, $0xb8;
	[tilespmem:$0x1D700] =	vst v63  }
0x87: {  	_ =	swait.ge [sflag:s17], $0x80  }
0x88: {  	[sflag:s17] =	ssyncset.done $0x0  }
0x89: {  	[sflag:s17] =	ssyncadd.s32 $0xFFFFFF80  }
0x8a: {  	[bflag:$0x0] =	sbarrier.arrive $0xFFFF  }
0x8b: {  	[hbm:s11], [sflag:s7] =	dma.local [spmem:s16], $0x2800  }
0x8c: {  	s30 =	sadd.s32 $0x1, s30;
	_ =	swait.ge [sflag:s17], $0x2800  }
0x8d: {  	s29 =	simm.s32 $0x20;
	p0 =	sne.s32 s30, s13;
	[sflag:s17] =	ssyncset.done $0x0  }
.Ltmp1:
0x8e: {  	s31 =	simm.s32 $0x10;
	[sflag:s17] =	ssyncadd.s32 $0xFFFFD800;
	(pc) =	sbr.rel @p0 .LBB2_1-.Ltmp1, $4  }
0x8f: {  	[hbm:s12@s29], [sflag:s7] =	dma.strided [spmem:s18@s31], $0x50, s22, $0x10   }
0x90: {  	_ =	swait.ge [sflag:s17], $0x50  }
0x91: {  	[sflag:s17] =	ssyncset.done $0x0  }
0x92: {  	[sflag:s17] =	ssyncadd.s32 $0xFFFFFFB0  }
0x93: {  	_ =	sfence.sel $0x180000  }
0x94: {  	[bflag:$0x0] =	sbarrier.arrive $0xFFFF  }
0x95: {  	_ =	strace $0x9000004D  }
0x96: {  	s0 =	stileid.u32;
	[bflag:$0x2] =	sbarrier.arrive $0xFFFF  }
0x97: {  	p0 =	sne.s32 s0, $0x0;
	s0 =	rddreg [dreg:$0x3]  }
0x98: {  	s0 =	sadd.s32 @!p0 $0x100000, s0  }
0x99: {  	[sflag:s0] =	ssyncadd.tile.s32 @!p0 $0x1;
	_ =	shalt  }
.Lfunc_end2:
_tile_overlayer_lowered:
.L_overlay_start_2:
0x9a: {  	(tag) =	ssettag $0x2  }
0x9b: {  	s0 =	rddreg [dreg:$0x0];
	s2 =	stileid.u32  }
0x9c: {  	s1 =	rddreg [dreg:$0x1];
	p0 =	sne.s32 s2, $0x0  }
0x9d: {  	s3 =	rddreg [dreg:$0x2];
	[bflag:$0x3] =	sbarrier.arrive $0xFFFF;
	s2 =	simm.s32 @!p0 $0x1C03  }
0x9e: {  	[timem:s3], [sflag:s2] =	dma.local @!p0 [hbm:s0], s1  }
0x9f: {  	s0 =	simm.s32 @!p0 $0x3  }
0xa0: {  	_ =	swait.ge @!p0 [sflag:s0], s1  }
0xa1: {  	s1 =	ssub.s32 @!p0 $0x0, s1;
	[sflag:s0] =	ssyncset.done @!p0 $0x0  }
0xa2: {  	[sflag:s0] =	ssyncadd.s32 @!p0 s1  }
0xa3: {  	[bflag:$0x3] =	sbarrier.arrive $0xFFFF  }
0xa4: {  	_ =	shalt  }

// kernel: kernel.9.cloned.1.call-start
scs
__scs_entry_jumppad:
0x0: {  	(pc) =	sbr.rel $0x88, $3  }
0x1: {  	(tag) =	ssettag $0x0;
	lr =	simm.s32 $0x1  }
0x2: {  	[smem:$0x3F94] =	sst lr;
	_ =	strace $0xD0000000  }
0x3: {  	_ = 	snop  }
0x4: {  	_ = 	snop  }
0x5: {  	_ = 	snop  }
0x6: {  	_ = 	snop  }
0x7: {  	_ = 	snop  }
__scs_overlays_trampoline_lowered:
0x8: {  	[smem:$0x3FA3] =	sst s0  }
0x9: {  	[smem:$0x3FA4] =	sst s1  }
0xa: {  	[smem:$0x3FA5] =	sst s2  }
0xb: {  	[smem:$0x3FA6] =	sst s3  }
0xc: {  	[smem:$0x3FA7] =	sst s4  }
0xd: {  	[smem:$0x3FA8] =	sst s5  }
0xe: {  	[smem:$0x3FA9] =	sst s6  }
0xf: {  	[smem:$0x3FAA] =	sst s7  }
0x10: {  	[smem:$0x3FAB] =	sst s8  }
0x11: {  	[smem:$0x3FAC] =	sst s9;
	s0 =	simm.s32 @!p0 $0x0  }
0x12: {  	s1 =	sld [smem:$0x3F92];
	s0 =	simm.s32 @p0 $0x1  }
0x13: {  	[smem:$0x3FAD] =	sst s0;
	s0 =	simm.s32 @!p1 $0x0  }
0x14: {  	s2 =	sld [smem:$0x3F91];
	s0 =	simm.s32 @p1 $0x1  }
0x15: {  	[smem:$0x3FAE] =	sst s0;
	s0 =	simm.s32 @!p2 $0x0  }
0x16: {  	s3 =	sld [smem:$0x3FDB];
	s0 =	simm.s32 @p2 $0x1  }
0x17: {  	s4 =	simm.s32 $0x1BF5;
	[smem:$0x3FB0] =	sst s0  }
0x18: {  	s0 =	sld [smem:$0x3F93];
	_ =	swait.ge [sflag:s4], $0x0  }
0x19: {  	s7 =	sld [smem:$0x3F94]  }
0x1a: {  	s8 =	sadd.s32 $0xFFFFE003, lr  }
0x1b: {  	s9 =	sadd.s32 $0xFFFFFEF7, lr;
	s5 =	simm.s32 $0xFFFFFFFF;
	p2 =	slt.u32 s8, $0xFFFFF086  }
0x1c: {  	p1 =	slt.u32 s9, $0xF7A;
	s5 =	simm.s32 @!p2 $0x0  }
0x1d: {  	s5 =	simm.s32 @p1 $0x1;
	p0 =	seq.s32 s7, s2  }
0x1e: {  	s7 =	smul.u32 @!p0 $0xF7A, s2;
	p2 =	seq.s32 @!p0 s5, $0x0  }
0x1f: {  	s9 =	smul.u32 $0xF7A, s1;
	s8 =	simm.s32 @!p0 $0x1BF5;
	p2 =	por !p2, p0  }
0x20: {  	[sflag:s8] =	ssyncset.s32 @!p0 $0xFFFFF086;
	s6 =	sadd.s32 @!p0 s3, s7;
	s7 =	simm.s32 @!p0 $0x108  }
0x21: {  	s3 =	sadd.s32 s3, s9;
	s6 =	sadd.s32 @!p0 $0x88, s6;
	s7 =	simm.s32 @p2 $0x1082  }
0x22: {  	[simem:s7], [sflag:s8] =	dma.local @!p0 [hbm:s6], $0xF7A  }
0x23: {  	s9 =	sor.u32 $0xD0000000, s2;
	s6 =	simm.s32 $0x108;
	_ =	swait.ge @!p0 [sflag:s8], $0x0  }
0x24: {  	s3 =	sadd.s32 $0x88, s3;
	s6 =	simm.s32 @!p1 $0x1082;
	[sflag:s4] =	ssyncset.s32 $0xFFFFF086  }
0x25: {  	[simem:s6], [sflag:s4] =	dma.local [hbm:s3], $0xF7A  }
0x26: {  	[smem:$0x3F94] =	sst s1;
	(tag) =	ssettag s2;
	_ =	strace s9  }
0x27: {  	s1 =	sld [smem:$0x3FA4]  }
0x28: {  	s2 =	sld [smem:$0x3FA5]  }
0x29: {  	s4 =	sld [smem:$0x3FA7]  }
0x2a: {  	p0 =	seq.s32 s5, $0x0;
	s5 =	sld [smem:$0x3FA8]  }
0x2b: {  	s6 =	sld [smem:$0x3FA9]  }
0x2c: {  	s7 =	sld [smem:$0x3FAA]  }
0x2d: {  	s3 =	simm.s32 $0x108;
	s8 =	sld [smem:$0x3FAB]  }
0x2e: {  	s3 =	simm.s32 @!p0 $0x1082;
	s9 =	sld [smem:$0x3FAC]  }
0x2f: {  	lr =	sadd.s32 s0, s3;
	s0 =	sld [smem:$0x3FA3]  }
0x30: {  	s3 =	sld [smem:$0x3FA6]  }
0x31: {  	[smem:$0x3FAF] =	sst s10  }
0x32: {  	s10 =	sld [smem:$0x3FAD];
	_ =	sdelay $0x3  }
0x33: {  	p0 =	seq.s32 s10, $0x1;
	s10 =	sld [smem:$0x3FAF];
	_ =	sdelay $0x3  }
0x34: {  	[smem:$0x3FAF] =	sst s10  }
0x35: {  	s10 =	sld [smem:$0x3FAE];
	_ =	sdelay $0x3  }
0x36: {  	p1 =	seq.s32 s10, $0x1;
	s10 =	sld [smem:$0x3FAF];
	_ =	sdelay $0x3  }
0x37: {  	[smem:$0x3FAF] =	sst s10  }
0x38: {  	s10 =	sld [smem:$0x3FB0]  }
0x39: {  	_ = 	snop;
	(pc) =	sbr.ind lr, $3  }
0x3a: {  	_ = 	snop  }
0x3b: {  	_ = 	snop  }
0x3c: {  	p2 =	seq.s32 s10, $0x1;
	s10 =	sld [smem:$0x3FAF]  }
0x3d: {  	_ =	shalt  }
0x3e: {  	_ =	shalt  }
0x3f: {  	_ =	shalt  }
0x40: {  	_ =	shalt  }
0x41: {  	_ =	shalt  }
0x42: {  	_ =	shalt  }
0x43: {  	_ =	shalt  }
0x44: {  	_ =	shalt  }
0x45: {  	_ =	shalt  }
0x46: {  	_ =	shalt  }
0x47: {  	_ =	shalt  }
0x48: {  	_ =	shalt  }
0x49: {  	_ =	shalt  }
0x4a: {  	_ =	shalt  }
0x4b: {  	_ =	shalt  }
0x4c: {  	_ =	shalt  }
0x4d: {  	_ =	shalt  }
0x4e: {  	_ =	shalt  }
0x4f: {  	_ =	shalt  }
0x50: {  	_ =	shalt  }
0x51: {  	_ =	shalt  }
0x52: {  	_ =	shalt  }
0x53: {  	_ =	shalt  }
0x54: {  	_ =	shalt  }
0x55: {  	_ =	shalt  }
0x56: {  	_ =	shalt  }
0x57: {  	_ =	shalt  }
0x58: {  	_ =	shalt  }
0x59: {  	_ =	shalt  }
0x5a: {  	_ =	shalt  }
0x5b: {  	_ =	shalt  }
0x5c: {  	_ =	shalt  }
0x5d: {  	_ =	shalt  }
0x5e: {  	_ =	shalt  }
0x5f: {  	_ =	shalt  }
0x60: {  	_ =	shalt  }
0x61: {  	_ =	shalt  }
0x62: {  	_ =	shalt  }
0x63: {  	_ =	shalt  }
0x64: {  	_ =	shalt  }
0x65: {  	_ =	shalt  }
0x66: {  	_ =	shalt  }
0x67: {  	_ =	shalt  }
0x68: {  	_ =	shalt  }
0x69: {  	_ =	shalt  }
0x6a: {  	_ =	shalt  }
0x6b: {  	_ =	shalt  }
0x6c: {  	_ =	shalt  }
0x6d: {  	_ =	shalt  }
0x6e: {  	_ =	shalt  }
0x6f: {  	_ =	shalt  }
0x70: {  	_ =	shalt  }
0x71: {  	_ =	shalt  }
0x72: {  	_ =	shalt  }
0x73: {  	_ =	shalt  }
0x74: {  	_ =	shalt  }
0x75: {  	_ =	shalt  }
0x76: {  	_ =	shalt  }
0x77: {  	_ =	shalt  }
0x78: {  	_ =	shalt  }
0x79: {  	_ =	shalt  }
0x7a: {  	_ =	shalt  }
0x7b: {  	_ =	shalt  }
0x7c: {  	_ =	shalt  }
0x7d: {  	_ =	shalt  }
0x7e: {  	_ =	shalt  }
0x7f: {  	_ =	shalt  }
0x80: {  	_ =	shalt  }
0x81: {  	_ =	shalt  }
0x82: {  	_ =	shalt  }
0x83: {  	_ =	shalt  }
0x84: {  	_ =	shalt  }
0x85: {  	_ =	shalt  }
0x86: {  	_ =	shalt  }
0x87: {  	_ =	shalt  }
.Lfunc_end0:
.L_simem_size_0:
called_computation_lowered:
.L_overlay_start_0:
0x88: {  	s2 =	sld [smem:$0x3FD9]  }
0x89: {  	s3 =	sld [smem:$0x3FFE];
	_ =	sdelay $0x1  }
0x8a: {  	s1 =	srdreg.scid  }
0x8b: {  	s0 =	sand.u32 $0x1, s1  }
0x8c: {  	s17 =	sshll.u32 s0, $0xA;
	s2 =	sadd.s32 s3, s2  }
0x8d: {  	s2 =	sadd.s32 s2, s17  }
0x8e: {  	[smem:$0x3FBB] =	sst s2  }
0x8f: {  	_ = 	snop  }
0x90: {  	s2 =	sld [smem:$0x3FC9];
	(tm) =	ssettm $0x1  }
0x91: {  	s18 =	sld [smem:$0x3FFB];
	_ =	sdelay $0x3  }
0x92: {  	_ =	strace s18  }
0x93: {  	s3 =	sld [smem:$0x3FFC];
	_ =	sdelay $0x3  }
0x94: {  	_ =	strace s3  }
0x95: {  	s3 =	sld [smem:$0x3FFD];
	_ =	sdelay $0x3  }
0x96: {  	_ =	strace s3  }
0x97: {  	_ =	strace $0x8FFFFFFF  }
0x98: {  	s19 =	sld [smem:$0x3FDB];
	_ =	sdelay $0x1  }
0x99: {  	s4 =	simm.s32 $_scs_section_size  }
0x9a: {  	s5 =	simm.s32 $_size__tile_overlayer_lowered;
	s6 =	simm.s32 $_tile_overlayer_lowered  }
0x9b: {  	s22 =	simm.s32 $0x1BFF;
	s21 =	sshll.u32 s6, $0x1;
	s3 =	sadd.s32 s4, s19  }
0x9c: {  	s7 =	simm.s32 $0x0;
	s20 =	sshll.u32 s5, $0x1;
	s5 =	sadd.s32 s21, s3  }
0x9d: {  	[timem:s7], [sflag:s22] =	dma.local [hbm:s5], s20  }
0x9e: {  	_ =	swait.ge [sflag:s22], s20  }
0x9f: {  	s4 =	ssub.s32 $0x0, s20;
	[sflag:s22] =	ssyncset.done $0x0  }
0xa0: {  	[sflag:s22] =	ssyncadd.s32 s4;
	_ =	sdelay $0x1  }
0xa1: {  	s23 =	simm.s32 $0x1B8B  }
0xa2: {  	_ =	swait.ge [sflag:s23], $0x1  }
0xa3: {  	[sflag:s23] =	ssyncset.done $0x0  }
0xa4: {  	s25 =	simm.s32 $0x1B8E;
	s24 =	sld [smem:$0x3FFE];
	[sflag:s23] =	ssyncadd.s32 $0xFFFFFFFF  }
0xa5: {  	s26 =	simm.s32 $execute0_lowered;
	[smem:$0x3FD2] =	sst s25  }
0xa6: {  	s5 =	sshll.u32 s26, $0x1;
	_ =	strace $0x80000046;
	[dreg:$0x1] =	wrdreg $0xFFFFFFFF  }
0xa7: {  	s28 =	simm.s32 $_size_execute0_lowered;
	s3 =	sadd.s32 s3, s5;
	[dreg:$0x0] =	wrdreg $0x0  }
0xa8: {  	s5 =	sshll.u32 s28, $0x1;
	[dreg:$0x2] =	wrdreg s3  }
0xa9: {  	[dreg:$0x3] =	wrdreg s5  }
0xaa: {  	[dreg:$0x4] =	wrdreg $0xC0  }
0xab: {  	_ =	task [dreg:s7], $0x5FFFF  }
0xac: {  	[dreg:$0x1] =	wrdreg $0xFFFFFFFF  }
0xad: {  	[dreg:$0x0] =	wrdreg $0x60  }
0xae: {  	[dreg:$0x2] =	wrdreg s2  }
0xaf: {  	[dreg:$0x3] =	wrdreg s24  }
0xb0: {  	[dreg:$0x4] =	wrdreg $0x94000  }
0xb1: {  	[dreg:$0x5] =	wrdreg $0xA  }
0xb2: {  	_ =	task.clear_ibuf [dreg:s7], $0x6FFFF;
	_ =	strace $0x90000046  }
0xb3: {  	s29 =	simm.s32 $0xA;
	_ =	strace $0x80000048  }
0xb4: {  	_ =	swait.ge [sflag:s29], $0x1  }
0xb5: {  	[sflag:s29] =	ssyncadd.s32 $0xFFFFFFFF  }
0xb6: {  	_ =	strace $0x90000048  }
0xb7: {  	_ =	sfence  }
0xb8: {  	s30 =	sld [smem:$0x0];
	_ =	sdelay $0x2  }
0xb9: {  	s31 =	sshll.u32 s1, $0xD;
	s1 =	sshrl.u32 s1, $0x2  }
0xba: {  	s3 =	sand.u32 $0x4000, s31;
	s1 =	sadd.s32 s1, s30  }
0xbb: {  	s0 =	sor.u32 s3, s0;
	s1 =	sshll.u32 s1, $0x11  }
0xbc: {  	s0 =	sor.u32 s1, s0  }
0xbd: {  	s0 =	sadd.s32 $0x8F2B, s0  }
0xbe: {  	[sflag:s0] =	ssyncadd.remote.s32 $0x1  }
0xbf: {  	_ =	sfence.sel $0xFFFF  }
0xc0: {  	[dreg:$0x0] =	wrdreg $0xFFFFFFFF;
	(pc) =	sbr.abs _section_cstart, $3  }
0xc1: {  	[dreg:$0x1] =	wrdreg $0xFFFFFFFF  }
0xc2: {  	_ =	task.clear_ibuf [dreg:s7], $0x2FFFF;
	_ =	strace $0x9FFFFFFF  }
0xc3: {  	(tm) =	ssettm $0x7FFFFFFF  }
tec
execute0_lowered:
.L_overlay_start_1:
0x0: {  	(tag) =	ssettag $0x1  }
0x1: {  	s5 =	rddreg [dreg:$0x0]  }
0x2: {  	s4 =	rddreg [dreg:$0x1];
	s1 =	srdreg.scid  }
0x3: {  	s0 =	stileid.u32;
	s2 =	rddreg [dreg:$0x2];
	s3 =	simm.s32 $0x0  }
0x4: {  	s17 =	simm.s32 $0x80;
	s18 =	simm.s32 $0x5400;
	s9 =	smul.u32 $0x50000, s0  }
0x5: {  	s19 =	simm.s32 $0x1;
	s20 =	simm.s32 $0x2;
	s12 =	smul.u32 $0x2800, s0  }
0x6: {  	s21 =	simm.s32 $0x1380;
	s22 =	simm.s32 $0x0;
	s15 =	smul.u32 $0x140000, s0  }
0x7: {  	s10 =	sand.u32 $0x1, s1;
	s1 =	rddreg [dreg:$0x3];
	s29 =	smul.u32 $0x28000, s0  }
0x8: {  	s6 =	sshll.u32 s0, $0x1;
	[smem:$0x7FF] =	sst s3;
	s16 =	smul.u32 $0xA0000, s10  }
0x9: {  	s13 =	sadd.s32 $0xEA00, s4;
	s6 =	sor.u32 s10, s6;
	s30 =	smul.u32 $0x14000, s10  }
0xa: {  	p0 =	seq.s32 s0, $0xF;
	s8 =	ssub.s32 $0x2, s10;
	s7 =	smul.u32 $0x280, s6  }
0xb: {  	_ =	strace $0x80000047;
	s11 =	sshrl.u32 s8, $0x1;
	s24 =	smul.u32 $0xA0000, s6  }
0xc: {  	s23 =	sshrl.u32 s9, $0x2;
	s25 =	smul.u32 $0x14000, s6;
	s8 =	ssub.s32 s8, s11  }
0xd: {  	s14 =	sadd.s32 s23, s2;
	s15 =	sadd.s32 s16, s15;
	s11 =	sadd.s32 s29, s13  }
0xe: {  	s16 =	simm.s32 $0x1400;
	s7 =	sadd.s32 s7, s4;
	s4 =	sadd.s32 s5, s12  }
0xf: {  	s12 =	sadd.s32 $0x12C000, s2;
	s5 =	sadd.s32 $0x25800, s5;
	s9 =	sshrl.u32 s24, $0x3  }
0x10: {  	s28 =	sadd.s32 s13, s25;
	s31 =	sshrl.u32 s15, $0x3;
	s11 =	sadd.s32 s30, s11  }
0x11: {  	s14 =	sshrl.u32 @!p0 s14, $0x3;
	s15 =	simm.s32 $0x3;
	s6 =	sadd.s32 $0x4A00, s7  }
0x12: {  	s7 =	smax.u32 s8, $0x1;
	s26 =	sadd.s32 s13, s9;
	s9 =	sadd.s32 $0x13800, s28  }
0x13: {  	s10 =	sadd.s32 s31, s13;
	s13 =	sshll.u32 @!p0 s0, $0x6;
	s11 =	sadd.s32 $0x800, s11  }
0x14: {  	s12 =	sshrl.u32 @p0 s12, $0x3;
	s8 =	sadd.s32 $0x13000, s26;
	s13 =	sor.u32 @!p0 $0x1C03, s13  }
.LBB2_1:
0x15: {  	s23 =	simm.s32 @p0 $0x1FC3  }
0x16: {  	[spmem:s12], [sflag:s23] =	dma.local @p0 [hbm:s5], $0x1900  }
0x17: {  	s23 =	simm.s32 @p0 $0x3  }
0x18: {  	_ =	swait.ge @p0 [sflag:s23], $0x1900  }
0x19: {  	[sflag:s23] =	ssyncset.done @p0 $0x0  }
0x1a: {  	[sflag:s23] =	ssyncadd.s32 @p0 $0xFFFFE700;
	s23 =	simm.s32 @!p0 $0x3  }
0x1b: {  	[spmem:s14], [sflag:s13] =	dma.local @!p0 [hbm:s4], $0x2800  }
0x1c: {  	_ =	swait.ge @!p0 [sflag:s23], $0x2800  }
0x1d: {  	[sflag:s23] =	ssyncset.done @!p0 $0x0  }
0x1e: {  	[sflag:s23] =	ssyncadd.s32 @!p0 $0xFFFFD800  }
0x1f: {  	[tilespmem:s3], [sflag:$0x3] =	stream.linear.gather [hbm4b:s6+s3], $0x1400, $0x38;
	[tilespmem:$0x1D400] =	vst v63  }
0x20: {  	_ =	swait.ge [sflag:s15], $0x1400  }
0x21: {  	[sflag:s15] =	ssyncset.done $0x0  }
0x22: {  	[sflag:s15] =	ssyncadd.s32 $0xFFFFEC00  }
0x23: {  	[bflag:$0x0] =	sbarrier.arrive $0xFFFF  }
0x24: {  	[tilespmem:s16], [sflag:$0x1] =	stream.indirect.gather [spmem:s2], $0x80, s3, s17, $0xb8;
	[tilespmem:$0x1D400] =	vst v63  }
0x25: {  	_ = 	snop  }
0x26: {  	[tilespmem:s18], [sflag:$0x2] =	stream.indirect.gather [spmem:s2], $0x80, s17, s17, $0xb8;
	[tilespmem:$0x1D400] =	vst v63  }
0x27: {  	_ =	swait.ge [sflag:s19], $0x4000  }
0x28: {  	[sflag:s19] =	ssyncset.done $0x0  }
0x29: {  	s29 =	sadd.s32 $0x0, s10;
	[sflag:s19] =	ssyncadd.s32 $0xFFFFC000  }
0x2a: {  	[hbm4b:s29+s3] =	stream.linear.scatter [tilespmem:s16], [sflag:$0x3], $0x4000, $0x38;
	[tilespmem:$0x1D400] =	vst v63  }
0x2b: {  	_ =	swait.ge [sflag:s15], $0x4000  }
0x2c: {  	[sflag:s15] =	ssyncset.done $0x0  }
0x2d: {  	s30 =	simm.s32 $0x100;
	[sflag:s15] =	ssyncadd.s32 $0xFFFFC000  }
0x2e: {  	[tilespmem:s16], [sflag:$0x1] =	stream.indirect.gather [spmem:s2], $0x80, s30, s17, $0xb8;
	[tilespmem:$0x1D400] =	vst v63  }
0x2f: {  	_ =	swait.ge [sflag:s20], $0x4000  }
0x30: {  	[sflag:s20] =	ssyncset.done $0x0  }
0x31: {  	s31 =	sadd.s32 $0x0, s11;
	[sflag:s20] =	ssyncadd.s32 $0xFFFFC000  }
0x32: {  	[hbm4b:s31+s3] =	stream.linear.scatter [tilespmem:s18], [sflag:$0x3], $0x4000, $0x38;
	[tilespmem:$0x1D400] =	vst v63  }
0x33: {  	_ =	swait.ge [sflag:s15], $0x4000  }
0x34: {  	s24 =	simm.s32 $0x80;
	s23 =	simm.s32 $0x1000;
	[sflag:s15] =	ssyncset.done $0x0  }
.LBB2_2:
0x35: {  	p1 =	sne.s32 s23, $0x12000;
	[sflag:s15] =	ssyncadd.s32 $0xFFFFC000;
	s24 =	sadd.s32 $0x100, s24  }
0x36: {  	[tilespmem:s18], [sflag:$0x2] =	stream.indirect.gather [spmem:s2], $0x80, s24, s17, $0xb8;
	[tilespmem:$0x1D400] =	vst v63  }
0x37: {  	s25 =	smov.u32 s23;
	s23 =	sadd.s32 $0x1000, s23;
	_ =	swait.ge [sflag:s19], $0x4000  }
0x38: {  	[sflag:s19] =	ssyncset.done $0x0  }
0x39: {  	s26 =	sadd.s32 s25, s10;
	[sflag:s19] =	ssyncadd.s32 $0xFFFFC000  }
0x3a: {  	[hbm4b:s26+s3] =	stream.linear.scatter [tilespmem:s16], [sflag:$0x3], $0x4000, $0x38;
	[tilespmem:$0x1D400] =	vst v63  }
0x3b: {  	_ =	swait.ge [sflag:s15], $0x4000  }
0x3c: {  	[sflag:s15] =	ssyncset.done $0x0  }
0x3d: {  	s26 =	sadd.s32 $0x80, s24;
	[sflag:s15] =	ssyncadd.s32 $0xFFFFC000  }
0x3e: {  	[tilespmem:s16], [sflag:$0x1] =	stream.indirect.gather [spmem:s2], $0x80, s26, s17, $0xb8;
	[tilespmem:$0x1D400] =	vst v63  }
0x3f: {  	_ =	swait.ge [sflag:s20], $0x4000  }
.Ltmp0:
0x40: {  	[sflag:s20] =	ssyncset.done $0x0;
	(pc) =	sbr.rel @p1 .LBB2_2-.Ltmp0, $4  }
0x41: {  	s25 =	sadd.s32 s25, s11;
	[sflag:s20] =	ssyncadd.s32 $0xFFFFC000  }
0x42: {  	[hbm4b:s25+s3] =	stream.linear.scatter [tilespmem:s18], [sflag:$0x3], $0x4000, $0x38;
	[tilespmem:$0x1D400] =	vst v63  }
0x43: {  	_ =	swait.ge [sflag:s15], $0x4000  }
0x44: {  	[sflag:s15] =	ssyncset.done $0x0  }
0x45: {  	[sflag:s15] =	ssyncadd.s32 $0xFFFFC000  }
0x46: {  	[tilespmem:s18], [sflag:$0x2] =	stream.indirect.gather [spmem:s2], $0x80, s21, s17, $0xb8;
	[tilespmem:$0x1D400] =	vst v63  }
0x47: {  	_ =	swait.ge [sflag:s19], $0x4000  }
0x48: {  	[sflag:s19] =	ssyncset.done $0x0  }
0x49: {  	[sflag:s19] =	ssyncadd.s32 $0xFFFFC000  }
0x4a: {  	[hbm4b:s8+s3] =	stream.linear.scatter [tilespmem:s16], [sflag:$0x3], $0x4000, $0x38;
	[tilespmem:$0x1D400] =	vst v63  }
0x4b: {  	_ =	swait.ge [sflag:s15], $0x4000  }
0x4c: {  	[sflag:s15] =	ssyncset.done $0x0  }
0x4d: {  	[sflag:s15] =	ssyncadd.s32 $0xFFFFC000  }
0x4e: {  	s22 =	sadd.s32 $0x1, s22;
	_ =	swait.ge [sflag:s20], $0x4000  }
0x4f: {  	p1 =	sne.s32 s22, s7;
	[sflag:s20] =	ssyncset.done $0x0  }
.Ltmp1:
0x50: {  	[sflag:s20] =	ssyncadd.s32 $0xFFFFC000;
	(pc) =	sbr.rel @p1 .LBB2_1-.Ltmp1, $4  }
0x51: {  	[hbm4b:s9+s3] =	stream.linear.scatter [tilespmem:s18], [sflag:$0x3], $0x4000, $0x38;
	[tilespmem:$0x1D400] =	vst v63  }
0x52: {  	_ =	swait.ge [sflag:s15], $0x4000  }
0x53: {  	[sflag:s15] =	ssyncset.done $0x0  }
0x54: {  	[sflag:s15] =	ssyncadd.s32 $0xFFFFC000  }
0x55: {  	_ =	sfence.sel $0x180000  }
0x56: {  	[bflag:$0x0] =	sbarrier.arrive $0xFFFF  }
0x57: {  	p0 =	sne.s32 s0, $0x0;
	_ =	strace $0x90000047  }
0x58: {  	s0 =	sadd.s32 @!p0 $0x100000, s1;
	[bflag:$0x2] =	sbarrier.arrive $0xFFFF  }
0x59: {  	[sflag:s0] =	ssyncadd.tile.s32 @!p0 $0x1;
	_ =	shalt  }
.Lfunc_end2:
_tile_overlayer_lowered:
.L_overlay_start_2:
0x5a: {  	(tag) =	ssettag $0x2  }
0x5b: {  	s0 =	rddreg [dreg:$0x0];
	s2 =	stileid.u32  }
0x5c: {  	s1 =	rddreg [dreg:$0x1];
	p0 =	sne.s32 s2, $0x0  }
0x5d: {  	s3 =	rddreg [dreg:$0x2];
	[bflag:$0x3] =	sbarrier.arrive $0xFFFF;
	s2 =	simm.s32 @!p0 $0x1C03  }
0x5e: {  	[timem:s3], [sflag:s2] =	dma.local @!p0 [hbm:s0], s1  }
0x5f: {  	s0 =	simm.s32 @!p0 $0x3  }
0x60: {  	_ =	swait.ge @!p0 [sflag:s0], s1  }
0x61: {  	s1 =	ssub.s32 @!p0 $0x0, s1;
	[sflag:s0] =	ssyncset.done @!p0 $0x0  }
0x62: {  	[sflag:s0] =	ssyncadd.s32 @!p0 s1  }
0x63: {  	[bflag:$0x3] =	sbarrier.arrive $0xFFFF  }
0x64: {  	_ =	shalt  }

</sc_bundles>
